<compile_context>
chip_gen: v7x
topology: tpu7x:2x2x1
jax: 0.10.2.dev20260603
libtpu: 0.0.44.dev20260713+nightly
codegen_flags: <defaults>
</compile_context>

<pallas_src>
import functools

import jax
import jax.numpy as jnp
from jax import lax
from jax.experimental import pallas as pl
from jax.experimental.pallas import tpu as pltpu
from jax.experimental.pallas import tpu_sc as plsc

NE = 8
TK = 2
BLK = 128
S = 2048
H = 768
I = 1536
NSLOT = S * TK
PAD = NSLOT + NE * BLK
NB = PAD // BLK
LANES = 128
WLANE = 128
NTILE = 32
RING = 2



def _router_body(x_ref, gw_ref, logits_ref, p1_ref, p2_ref, w1_ref, w2_ref,
                 be_ref, vb_ref):
    x = x_ref[...]
    gw = gw_ref[...]
    logits = lax.dot_general(x, gw, (((1,), (1,)), ((), ())),
                             preferred_element_type=jnp.float32)
    logits_ref[...] = logits
    m = jnp.max(logits, axis=-1, keepdims=True)
    ex = jnp.exp(logits - m)
    p = ex / jnp.sum(ex, axis=-1, keepdims=True)
    idx = lax.broadcasted_iota(jnp.int32, p.shape, 1)
    m1 = jnp.max(p, axis=-1, keepdims=True)
    i1 = jnp.min(jnp.where(p == m1, idx, NE), axis=-1, keepdims=True)
    pm = jnp.where(idx == i1, -1.0, p)
    m2 = jnp.max(pm, axis=-1, keepdims=True)
    i2 = jnp.min(jnp.where(pm == m2, idx, NE), axis=-1, keepdims=True)
    denom = m1 + m2
    w1 = m1 / denom
    w2 = m2 / denom

    oh1 = (idx == i1).astype(jnp.float32)
    oh2 = (idx == i2).astype(jnp.float32)
    a = oh1 + oh2
    r_io = lax.broadcasted_iota(jnp.int32, (BLK, BLK), 0)
    c_io = lax.broadcasted_iota(jnp.int32, (BLK, BLK), 1)
    tri = (r_io >= c_io).astype(jnp.float32)
    chunks = []
    run = jnp.zeros((1, NE), jnp.float32)
    for c in range(S // BLK):
        a_c = lax.slice(a, (c * BLK, 0), ((c + 1) * BLK, NE))
        cum_c = lax.dot_general(tri, a_c, (((1,), (0,)), ((), ())),
                                preferred_element_type=jnp.float32) + run
        chunks.append(cum_c)
        run = lax.slice(cum_c, (BLK - 1, 0), (BLK, NE))
    cum_incl = jnp.concatenate(chunks, axis=0)
    cum_excl = cum_incl - a
    counts = run
    padded = jnp.maximum(
        jnp.floor((counts + (BLK - 1)) * (1.0 / BLK)) * BLK, float(BLK))
    r8 = lax.broadcasted_iota(jnp.int32, (NE, NE), 0)
    c8 = lax.broadcasted_iota(jnp.int32, (NE, NE), 1)
    triu = (r8 < c8).astype(jnp.float32)
    pad_off = lax.dot_general(padded, triu, (((1,), (0,)), ((), ())),
                              preferred_element_type=jnp.float32)
    pos_base = pad_off + cum_excl
    pos1 = jnp.sum(oh1 * pos_base, axis=-1, keepdims=True)
    pos2 = jnp.sum(oh2 * pos_base, axis=-1, keepdims=True)

    p1_ref[...] = jnp.reshape(pos1.astype(jnp.int32), (NTILE, S // NTILE))
    p2_ref[...] = jnp.reshape(pos2.astype(jnp.int32), (NTILE, S // NTILE))
    w1_ref[...] = jnp.broadcast_to(w1, (S, WLANE))
    w2_ref[...] = jnp.broadcast_to(w2, (S, WLANE))
    pad_end = pad_off + padded
    starts = (lax.broadcasted_iota(jnp.int32, (64, 1), 0) * BLK
              ).astype(jnp.float32)
    be = jnp.sum((jnp.broadcast_to(pad_end, (64, NE)) <= starts)
                 .astype(jnp.float32), axis=1, keepdims=True)
    be_ref[...] = jnp.minimum(be, NE - 1).astype(jnp.int32)
    nv = jnp.sum(padded, axis=1, keepdims=True) * (1.0 / BLK)
    bix = (lax.broadcasted_iota(jnp.int32, (64, 1), 0)
           ).astype(jnp.float32)
    vb_ref[...] = jnp.minimum(bix, nv - 1.0).astype(jnp.int32)


def _run_router(x, gate_w):
    return pl.pallas_call(
        _router_body,
        out_shape=(
            jax.ShapeDtypeStruct((S, NE), jnp.float32),
            jax.ShapeDtypeStruct((NTILE, S // NTILE), jnp.int32),
            jax.ShapeDtypeStruct((NTILE, S // NTILE), jnp.int32),
            jax.ShapeDtypeStruct((S, WLANE), jnp.float32),
            jax.ShapeDtypeStruct((S, WLANE), jnp.float32),
            jax.ShapeDtypeStruct((64, 1), jnp.int32),
            jax.ShapeDtypeStruct((64, 1), jnp.int32),
        ),
    )(x, gate_w)



def _gmm_body(be_ref, vb_ref, xg_ref, gw_hbm, uw_hbm, dw_hbm, wcol_ref,
              out_ref, gbuf, ubuf, dbuf, gsem, usem, dsem):
    b = pl.program_id(0)
    e = be_ref[b, 0]
    prev_e = be_ref[jnp.maximum(b - 1, 0), 0]
    flo = jnp.where(b == 0, 0, prev_e + RING)
    fhi = jnp.minimum(e + RING, NE)
    wlo = jnp.where(b == 0, 0, prev_e + 1)
    whi = e + 1
    for k in range(NE):
        @pl.when((k >= flo) & (k < fhi))
        def _(k=k):
            pltpu.make_async_copy(gw_hbm.at[k], gbuf.at[k % RING],
                                  gsem.at[k % RING]).start()
            pltpu.make_async_copy(uw_hbm.at[k], ubuf.at[k % RING],
                                  usem.at[k % RING]).start()
            pltpu.make_async_copy(dw_hbm.at[k], dbuf.at[k % RING],
                                  dsem.at[k % RING]).start()
    for k in range(NE):
        @pl.when((k >= wlo) & (k < whi))
        def _(k=k):
            pltpu.make_async_copy(gw_hbm.at[k], gbuf.at[k % RING],
                                  gsem.at[k % RING]).wait()
            pltpu.make_async_copy(uw_hbm.at[k], ubuf.at[k % RING],
                                  usem.at[k % RING]).wait()
            pltpu.make_async_copy(dw_hbm.at[k], dbuf.at[k % RING],
                                  dsem.at[k % RING]).wait()

    @pl.when(vb_ref[b, 0] == b)
    def _():
        slot = e % RING
        x = xg_ref[...]
        gw = gbuf[slot]
        uw = ubuf[slot]
        dw = dbuf[slot]
        g = lax.dot_general(x, gw, (((1,), (1,)), ((), ())),
                            preferred_element_type=jnp.float32)
        u = lax.dot_general(x, uw, (((1,), (1,)), ((), ())),
                            preferred_element_type=jnp.float32)
        h = g * jax.nn.sigmoid(g) * u
        y = lax.dot_general(h, dw, (((1,), (1,)), ((), ())),
                            preferred_element_type=jnp.float32)
        out_ref[...] = y * wcol_ref[...][:, :1]


def _run_gmm(block_expert, vblock, xg, gate_proj_w, up_proj_w, down_proj_w,
             wmat):
    grid_spec = pltpu.PrefetchScalarGridSpec(
        num_scalar_prefetch=2,
        grid=(NB,),
        in_specs=[
            pl.BlockSpec((BLK, H), lambda b, be, vb: (vb[b, 0], 0)),
            pl.BlockSpec(memory_space=pl.ANY),
            pl.BlockSpec(memory_space=pl.ANY),
            pl.BlockSpec(memory_space=pl.ANY),
            pl.BlockSpec((BLK, WLANE), lambda b, be, vb: (vb[b, 0], 0)),
        ],
        out_specs=pl.BlockSpec((BLK, H), lambda b, be, vb: (vb[b, 0], 0)),
        scratch_shapes=[
            pltpu.VMEM((RING, I, H), jnp.float32),
            pltpu.VMEM((RING, I, H), jnp.float32),
            pltpu.VMEM((RING, H, I), jnp.float32),
            pltpu.SemaphoreType.DMA((RING,)),
            pltpu.SemaphoreType.DMA((RING,)),
            pltpu.SemaphoreType.DMA((RING,)),
        ],
    )
    return pl.pallas_call(
        _gmm_body,
        grid_spec=grid_spec,
        out_shape=jax.ShapeDtypeStruct((PAD, H), jnp.float32),
    )(block_expert, vblock, xg, gate_proj_w, up_proj_w, down_proj_w, wmat)



def _sc_dispatch(x, p1r, p2r, w1r, w2r):
    mesh = plsc.VectorSubcoreMesh(core_axis_name="c", subcore_axis_name="s")
    nw = mesh.num_cores * mesh.num_subcores
    t_per_w = S // nw

    @functools.partial(
        pl.kernel,
        out_type=(
            jax.ShapeDtypeStruct((PAD, H), jnp.float32),
            jax.ShapeDtypeStruct((PAD, WLANE), jnp.float32),
        ),
        mesh=mesh,
        name="sc_dispatch",
        scratch_types=[
            pltpu.VMEM((t_per_w, H), jnp.float32),
            pltpu.VMEM((t_per_w, WLANE), jnp.float32),
            pltpu.VMEM((t_per_w, WLANE), jnp.float32),
            pltpu.VMEM((t_per_w,), jnp.int32),
            pltpu.VMEM((t_per_w,), jnp.int32),
            pltpu.SemaphoreType.DMA,
            pltpu.SemaphoreType.DMA,
            pltpu.SemaphoreType.DMA,
            pltpu.SemaphoreType.DMA,
            pltpu.SemaphoreType.DMA,
        ],
    )
    def k(x_hbm, p1_hbm, p2_hbm, w1_hbm, w2_hbm, xg_hbm, wm_hbm,
          xrows_v, w1m_v, w2m_v, p1_v, p2_v,
          s1, s2, s3, s4, s5):
        wid = lax.axis_index("s") * mesh.num_cores + lax.axis_index("c")
        base = wid * t_per_w
        sl = pl.ds(base, t_per_w)
        i1 = pltpu.async_copy(x_hbm.at[sl], xrows_v, s1)
        i2 = pltpu.async_copy(p1_hbm.at[wid], p1_v, s2)
        i3 = pltpu.async_copy(p2_hbm.at[wid], p2_v, s3)
        i4 = pltpu.async_copy(w1_hbm.at[sl], w1m_v, s4)
        i5 = pltpu.async_copy(w2_hbm.at[sl], w2m_v, s5)
        i1.wait()
        i2.wait()
        i3.wait()
        i4.wait()
        i5.wait()
        c1 = pltpu.async_copy(xrows_v, xg_hbm.at[p1_v], s1)
        c2 = pltpu.async_copy(xrows_v, xg_hbm.at[p2_v], s2)
        c3 = pltpu.async_copy(w1m_v, wm_hbm.at[p1_v], s3)
        c4 = pltpu.async_copy(w2m_v, wm_hbm.at[p2_v], s4)
        c1.wait()
        c2.wait()
        c3.wait()
        c4.wait()

    return k(x, p1r, p2r, w1r, w2r)


def _sc_combine(osort, p1r, p2r):
    mesh = plsc.VectorSubcoreMesh(core_axis_name="c", subcore_axis_name="s")
    nw = mesh.num_cores * mesh.num_subcores
    t_per_w = S // nw
    csteps = H // 16

    @functools.partial(
        pl.kernel,
        out_type=jax.ShapeDtypeStruct((S, H), jnp.float32),
        mesh=mesh,
        name="sc_combine_rows",
        scratch_types=[
            pltpu.VMEM((t_per_w,), jnp.int32),
            pltpu.VMEM((t_per_w,), jnp.int32),
            pltpu.VMEM((t_per_w, H), jnp.float32),
            pltpu.VMEM((t_per_w, H), jnp.float32),
            pltpu.SemaphoreType.DMA,
            pltpu.SemaphoreType.DMA,
        ],
    )
    def k(osort_hbm, p1_hbm, p2_hbm, out_hbm,
          i0_v, i1_v, a_v, b_v, sem, sem2):
        wid = lax.axis_index("s") * mesh.num_cores + lax.axis_index("c")
        base = wid * t_per_w
        sl = pl.ds(base, t_per_w)
        j0 = pltpu.async_copy(p1_hbm.at[wid], i0_v, sem)
        j1 = pltpu.async_copy(p2_hbm.at[wid], i1_v, sem2)
        j0.wait()
        j1.wait()
        cp0 = pltpu.async_copy(osort_hbm.at[i0_v], a_v, sem)
        cp1 = pltpu.async_copy(osort_hbm.at[i1_v], b_v, sem2)
        cp0.wait()
        cp1.wait()

        @plsc.parallel_loop(0, t_per_w * csteps, unroll=8)
        def _add(i):
            r = i // csteps
            c = i - r * csteps
            cs = pl.ds(c * 16, 16)
            a_v[r, cs] = a_v[r, cs] + b_v[r, cs]

        pltpu.sync_copy(a_v, out_hbm.at[sl])

    return k(osort, p1r, p2r)



def kernel(hidden_states, gate_w, gate_proj_w, up_proj_w, down_proj_w):
    batch, seq, hdim = hidden_states.shape
    x = hidden_states.reshape(-1, hdim)

    logits, p1r, p2r, w1r, w2r, block_expert, vblock = _run_router(x, gate_w)

    xg, wmat = _sc_dispatch(x, p1r, p2r, w1r, w2r)
    osort = _run_gmm(block_expert, vblock, xg, gate_proj_w, up_proj_w,
                     down_proj_w, wmat)
    final = _sc_combine(osort, p1r, p2r)
    return final.reshape(batch, seq, hdim), logits

# --- scband reference (transcript-rebuilt; emitter-appended) ---
"""Pipeline reference for scband-mo-eblock-88038239633778 (READ-ONLY COPY).

The authoritative reference and input builder live on the scoring server;
editing this copy changes nothing except your own understanding.
"""

import jax, jax.numpy as jnp
import numpy as np

NUM_EXPERTS = 8
TOP_K = 2
B, S, H, I = 1, 2048, 768, 1536


def setup_inputs(seed: int = 0) -> dict:
    key = jax.random.key(seed)
    ks = jax.random.split(key, 5)
    return {
        "hidden_states": jax.random.normal(ks[0], (B, S, H), dtype=jnp.float32),
        "gate_w": jax.random.normal(ks[1], (NUM_EXPERTS, H), dtype=jnp.float32) * 0.02,
        "gate_proj_w": jax.random.normal(ks[2], (NUM_EXPERTS, I, H), dtype=jnp.float32) * 0.02,
        "up_proj_w": jax.random.normal(ks[3], (NUM_EXPERTS, I, H), dtype=jnp.float32) * 0.02,
        "down_proj_w": jax.random.normal(ks[4], (NUM_EXPERTS, H, I), dtype=jnp.float32) * 0.02,
    }


def reference(hidden_states, gate_w, gate_proj_w, up_proj_w, down_proj_w):
    batch, seq, hdim = hidden_states.shape
    x = hidden_states.reshape(-1, hdim)
    # gate linear (no bias)
    router_logits = x @ gate_w.T
    # TopKRouter: softmax in fp32, top-k, renormalize, cast back
    probs = jax.nn.softmax(router_logits.astype(jnp.float32), axis=-1)
    routing_weights, selected_experts = jax.lax.top_k(probs, TOP_K)
    routing_weights = routing_weights / jnp.sum(routing_weights, axis=-1, keepdims=True)
    routing_weights = routing_weights.astype(x.dtype)
    # dense masked per-expert dispatch (fixed-shape equivalent of _eager_forward)
    final = jnp.zeros_like(x)
    for e in range(NUM_EXPERTS):
        sel_mask = (selected_experts == e).astype(x.dtype)
        w = jnp.sum(routing_weights * sel_mask, axis=-1)
        h = jax.nn.silu(x @ gate_proj_w[e].T) * (x @ up_proj_w[e].T)
        out = (h @ down_proj_w[e].T) * w[:, None]
        final = final + out
    return final.reshape(batch, seq, hdim), router_logits

if __name__ == "__main__":
    import jax
    _d = setup_inputs()
    print(jax.jit(kernel)(*tuple(_d.values())))

</pallas_src>

<mosaic_0001>
#map = affine_map<(d0, d1) -> (0, 0)>
module attributes {stable_mosaic.version = 14 : i64} {
  func.func @sc_combine_rows(%arg0: i32, %arg1: i32, %arg2: memref<5120x768xf32, #tpu.memory_space<hbm>>, %arg3: memref<32x64xi32, #tpu.memory_space<hbm>>, %arg4: memref<32x64xi32, #tpu.memory_space<hbm>>, %arg5: memref<2048x768xf32, #tpu.memory_space<hbm>>, %arg6: memref<64xi32, #tpu.memory_space<vmem>>, %arg7: memref<64xi32, #tpu.memory_space<vmem>>, %arg8: memref<64x768xf32, #tpu.memory_space<vmem>>, %arg9: memref<64x768xf32, #tpu.memory_space<vmem>>, %arg10: memref<!tpu.dma_semaphore, #tpu.memory_space<semaphore_mem>>, %arg11: memref<!tpu.dma_semaphore, #tpu.memory_space<semaphore_mem>>) attributes {dimension_semantics = [#tpu.dimension_semantics<core_parallel>, #tpu.dimension_semantics<subcore_parallel>], iteration_bounds = array<i64: 2, 16>, scalar_prefetch = 0 : i64, scratch_operands = 6 : i64, tpu.core_type = #tpu.core_type<sc_vector_subcore>, window_params = [{transform_indices = #map}, {transform_indices = #map}, {transform_indices = #map}, {transform_indices = #map}]} {
    %mul3A = arith.constant 2 : i32
    %mul3A_0 = arith.muli %arg1, %mul3A : i32
    %add3A = arith.addi %mul3A_0, %arg0 : i32
    %mul3A_1 = arith.constant 64 : i32
    %mul3A_2 = arith.muli %add3A, %mul3A_1 : i32
    %dma_start3A = arith.constant 0 : i32
    %dma_start3A_3 = tpu.memref_slice %arg3[%add3A, %dma_start3A] : memref<32x64xi32, #tpu.memory_space<hbm>> -> memref<1x64xi32, #tpu.memory_space<hbm>>
    %dma_start3A_4 = tpu.memref_squeeze %dma_start3A_3 : memref<1x64xi32, #tpu.memory_space<hbm>> -> memref<64xi32, #tpu.memory_space<hbm>>
    %dma_start3A_5 = arith.constant 0 : i32
    %dma_start3A_6 = tpu.memref_slice %arg3[%add3A, %dma_start3A_5] : memref<32x64xi32, #tpu.memory_space<hbm>> -> memref<1x64xi32, #tpu.memory_space<hbm>>
    %dma_start3A_7 = tpu.memref_squeeze %dma_start3A_6 : memref<1x64xi32, #tpu.memory_space<hbm>> -> memref<64xi32, #tpu.memory_space<hbm>>
    tpu.enqueue_dma source(%dma_start3A_7 : memref<64xi32, #tpu.memory_space<hbm>>) target(%arg6 : memref<64xi32, #tpu.memory_space<vmem>>) target_semaphore(%arg10 : memref<!tpu.dma_semaphore, #tpu.memory_space<semaphore_mem>>)
    %dma_start3A_8 = arith.constant 0 : i32
    %dma_start3A_9 = tpu.memref_slice %arg4[%add3A, %dma_start3A_8] : memref<32x64xi32, #tpu.memory_space<hbm>> -> memref<1x64xi32, #tpu.memory_space<hbm>>
    %dma_start3A_10 = tpu.memref_squeeze %dma_start3A_9 : memref<1x64xi32, #tpu.memory_space<hbm>> -> memref<64xi32, #tpu.memory_space<hbm>>
    %dma_start3A_11 = arith.constant 0 : i32
    %dma_start3A_12 = tpu.memref_slice %arg4[%add3A, %dma_start3A_11] : memref<32x64xi32, #tpu.memory_space<hbm>> -> memref<1x64xi32, #tpu.memory_space<hbm>>
    %dma_start3A_13 = tpu.memref_squeeze %dma_start3A_12 : memref<1x64xi32, #tpu.memory_space<hbm>> -> memref<64xi32, #tpu.memory_space<hbm>>
    tpu.enqueue_dma source(%dma_start3A_13 : memref<64xi32, #tpu.memory_space<hbm>>) target(%arg7 : memref<64xi32, #tpu.memory_space<vmem>>) target_semaphore(%arg11 : memref<!tpu.dma_semaphore, #tpu.memory_space<semaphore_mem>>)
    %dma_wait3A = arith.constant 0 : i32
    %dma_wait3A_14 = tpu.memref_slice %arg3[%add3A, %dma_wait3A] : memref<32x64xi32, #tpu.memory_space<hbm>> -> memref<1x64xi32, #tpu.memory_space<hbm>>
    %dma_wait3A_15 = tpu.memref_squeeze %dma_wait3A_14 : memref<1x64xi32, #tpu.memory_space<hbm>> -> memref<64xi32, #tpu.memory_space<hbm>>
    %dma_wait3A_16 = arith.constant 0 : i32
    %dma_wait3A_17 = tpu.memref_slice %arg3[%add3A, %dma_wait3A_16] : memref<32x64xi32, #tpu.memory_space<hbm>> -> memref<1x64xi32, #tpu.memory_space<hbm>>
    %dma_wait3A_18 = tpu.memref_squeeze %dma_wait3A_17 : memref<1x64xi32, #tpu.memory_space<hbm>> -> memref<64xi32, #tpu.memory_space<hbm>>
    tpu.wait_dma2 semaphore(%arg10 : memref<!tpu.dma_semaphore, #tpu.memory_space<semaphore_mem>>) src(%dma_wait3A_18 : memref<64xi32, #tpu.memory_space<hbm>>) dst(%arg6 : memref<64xi32, #tpu.memory_space<vmem>>)
    %dma_wait3A_19 = arith.constant 0 : i32
    %dma_wait3A_20 = tpu.memref_slice %arg4[%add3A, %dma_wait3A_19] : memref<32x64xi32, #tpu.memory_space<hbm>> -> memref<1x64xi32, #tpu.memory_space<hbm>>
    %dma_wait3A_21 = tpu.memref_squeeze %dma_wait3A_20 : memref<1x64xi32, #tpu.memory_space<hbm>> -> memref<64xi32, #tpu.memory_space<hbm>>
    %dma_wait3A_22 = arith.constant 0 : i32
    %dma_wait3A_23 = tpu.memref_slice %arg4[%add3A, %dma_wait3A_22] : memref<32x64xi32, #tpu.memory_space<hbm>> -> memref<1x64xi32, #tpu.memory_space<hbm>>
    %dma_wait3A_24 = tpu.memref_squeeze %dma_wait3A_23 : memref<1x64xi32, #tpu.memory_space<hbm>> -> memref<64xi32, #tpu.memory_space<hbm>>
    tpu.wait_dma2 semaphore(%arg11 : memref<!tpu.dma_semaphore, #tpu.memory_space<semaphore_mem>>) src(%dma_wait3A_24 : memref<64xi32, #tpu.memory_space<hbm>>) dst(%arg7 : memref<64xi32, #tpu.memory_space<vmem>>)
    %dma_start3A_25 = arith.constant 0 : i32
    %dma_start3A_26 = arith.constant 0 : i32
    %dma_start3A_27 = tpu.memref_slice %arg2[%dma_start3A_25, %dma_start3A_26] : memref<5120x768xf32, #tpu.memory_space<hbm>> -> memref<5120x768xf32, #tpu.memory_space<hbm>>
    tpu.enqueue_indirect_dma source(%dma_start3A_27 : memref<5120x768xf32, #tpu.memory_space<hbm>>) target(%arg8 : memref<64x768xf32, #tpu.memory_space<vmem>>) offsets(%arg6 : memref<64xi32, #tpu.memory_space<vmem>>) semaphore(%arg10 : memref<!tpu.dma_semaphore, #tpu.memory_space<semaphore_mem>>)
    %dma_start3A_28 = arith.constant 0 : i32
    %dma_start3A_29 = arith.constant 0 : i32
    %dma_start3A_30 = tpu.memref_slice %arg2[%dma_start3A_28, %dma_start3A_29] : memref<5120x768xf32, #tpu.memory_space<hbm>> -> memref<5120x768xf32, #tpu.memory_space<hbm>>
    tpu.enqueue_indirect_dma source(%dma_start3A_30 : memref<5120x768xf32, #tpu.memory_space<hbm>>) target(%arg9 : memref<64x768xf32, #tpu.memory_space<vmem>>) offsets(%arg7 : memref<64xi32, #tpu.memory_space<vmem>>) semaphore(%arg11 : memref<!tpu.dma_semaphore, #tpu.memory_space<semaphore_mem>>)
    %dma_wait3A_31 = arith.constant 0 : i32
    %dma_wait3A_32 = arith.constant 0 : i32
    %dma_wait3A_33 = tpu.memref_slice %arg2[%dma_wait3A_31, %dma_wait3A_32] : memref<5120x768xf32, #tpu.memory_space<hbm>> -> memref<5120x768xf32, #tpu.memory_space<hbm>>
    tpu.wait_indirect_dma semaphore(%arg10 : memref<!tpu.dma_semaphore, #tpu.memory_space<semaphore_mem>>) src(%dma_wait3A_33 : memref<5120x768xf32, #tpu.memory_space<hbm>>) dst(%arg8 : memref<64x768xf32, #tpu.memory_space<vmem>>)
    %dma_wait3A_34 = arith.constant 0 : i32
    %dma_wait3A_35 = arith.constant 0 : i32
    %dma_wait3A_36 = tpu.memref_slice %arg2[%dma_wait3A_34, %dma_wait3A_35] : memref<5120x768xf32, #tpu.memory_space<hbm>> -> memref<5120x768xf32, #tpu.memory_space<hbm>>
    tpu.wait_indirect_dma semaphore(%arg11 : memref<!tpu.dma_semaphore, #tpu.memory_space<semaphore_mem>>) src(%dma_wait3A_36 : memref<5120x768xf32, #tpu.memory_space<hbm>>) dst(%arg9 : memref<64x768xf32, #tpu.memory_space<vmem>>)
    %parallel_loop3A = arith.constant 0 : i32
    %parallel_loop3A_37 = arith.constant 3072 : i32
    %parallel_loop3A_38 = arith.constant 1 : i32
    scf.for %parallel_loop3A_39 = %parallel_loop3A to %parallel_loop3A_37 step %parallel_loop3A_38  : i32 {
      %parallel_loop3A_40 = arith.constant 48 : i32
      %parallel_loop3A_41 = arith.divsi %parallel_loop3A_39, %parallel_loop3A_40 : i32
      %parallel_loop3A_42 = arith.constant 0 : i32
      %parallel_loop3A_43 = arith.cmpi sgt, %parallel_loop3A_39, %parallel_loop3A_42 : i32
      %parallel_loop3A_44 = arith.extui %parallel_loop3A_43 : i1 to i32
      %parallel_loop3A_45 = arith.constant 0 : i32
      %parallel_loop3A_46 = arith.cmpi slt, %parallel_loop3A_39, %parallel_loop3A_45 : i32
      %parallel_loop3A_47 = arith.extui %parallel_loop3A_46 : i1 to i32
      %parallel_loop3A_48 = arith.subi %parallel_loop3A_44, %parallel_loop3A_47 : i32
      %parallel_loop3A_49 = arith.constant 0 : i32
      %parallel_loop3A_50 = arith.cmpi sgt, %parallel_loop3A_40, %parallel_loop3A_49 : i32
      %parallel_loop3A_51 = arith.extui %parallel_loop3A_50 : i1 to i32
      %parallel_loop3A_52 = arith.constant 0 : i32
      %parallel_loop3A_53 = arith.cmpi slt, %parallel_loop3A_40, %parallel_loop3A_52 : i32
      %parallel_loop3A_54 = arith.extui %parallel_loop3A_53 : i1 to i32
      %parallel_loop3A_55 = arith.subi %parallel_loop3A_51, %parallel_loop3A_54 : i32
      %parallel_loop3A_56 = arith.cmpi ne, %parallel_loop3A_48, %parallel_loop3A_55 : i32
      %parallel_loop3A_57 = arith.remsi %parallel_loop3A_39, %parallel_loop3A_40 : i32
      %parallel_loop3A_58 = arith.constant 0 : i32
      %parallel_loop3A_59 = arith.cmpi ne, %parallel_loop3A_57, %parallel_loop3A_58 : i32
      %parallel_loop3A_60 = arith.andi %parallel_loop3A_56, %parallel_loop3A_59 : i1
      %parallel_loop3A_61 = arith.constant 1 : i32
      %parallel_loop3A_62 = arith.subi %parallel_loop3A_41, %parallel_loop3A_61 : i32
      %parallel_loop3A_63 = arith.select %parallel_loop3A_60, %parallel_loop3A_62, %parallel_loop3A_41 : i32
      %parallel_loop3A_64 = arith.constant 48 : i32
      %parallel_loop3A_65 = arith.muli %parallel_loop3A_63, %parallel_loop3A_64 : i32
      %parallel_loop3A_66 = arith.subi %parallel_loop3A_39, %parallel_loop3A_65 : i32
      %parallel_loop3A_67 = arith.constant 16 : i32
      %parallel_loop3A_68 = arith.muli %parallel_loop3A_66, %parallel_loop3A_67 : i32
      %parallel_loop3A_69 = arith.index_cast %parallel_loop3A_63 : i32 to index
      %parallel_loop3A_70 = arith.index_cast %parallel_loop3A_68 : i32 to index
      %parallel_loop3A_71 = tpu.vector_load %arg8[%parallel_loop3A_69, %parallel_loop3A_70] {strides = array<i32>} : memref<64x768xf32, #tpu.memory_space<vmem>>, vector<1x16xf32>,
      %parallel_loop3A_72 = vector.shape_cast %parallel_loop3A_71 : vector<1x16xf32> to vector<16xf32>
      %parallel_loop3A_73 = arith.index_cast %parallel_loop3A_63 : i32 to index
      %parallel_loop3A_74 = arith.index_cast %parallel_loop3A_68 : i32 to index
      %parallel_loop3A_75 = tpu.vector_load %arg9[%parallel_loop3A_73, %parallel_loop3A_74] {strides = array<i32>} : memref<64x768xf32, #tpu.memory_space<vmem>>, vector<1x16xf32>,
      %parallel_loop3A_76 = vector.shape_cast %parallel_loop3A_75 : vector<1x16xf32> to vector<16xf32>
      %parallel_loop3A_77 = arith.addf %parallel_loop3A_72, %parallel_loop3A_76 : vector<16xf32>
      %parallel_loop3A_78 = arith.index_cast %parallel_loop3A_63 : i32 to index
      %parallel_loop3A_79 = arith.index_cast %parallel_loop3A_68 : i32 to index
      %parallel_loop3A_80 = tpu.vector_load %arg8[%parallel_loop3A_78, %parallel_loop3A_79] {strides = array<i32>} : memref<64x768xf32, #tpu.memory_space<vmem>>, vector<1x16xf32>,
      %parallel_loop3A_81 = vector.shape_cast %parallel_loop3A_80 : vector<1x16xf32> to vector<16xf32>
      %parallel_loop3A_82 = vector.shape_cast %parallel_loop3A_77 : vector<16xf32> to vector<1x16xf32>
      tpu.vector_store %arg8[%parallel_loop3A_78, %parallel_loop3A_79], %parallel_loop3A_82 {strides = array<i32>} : memref<64x768xf32, #tpu.memory_space<vmem>>, vector<1x16xf32>,
    } {sc.loop_unroll_factor = 8 : i64, sc.parallel_access}
    "tpu.region"() ({
      %run_scoped3A = tpu.sem_alloc : memref<!tpu.dma_semaphore, #tpu.memory_space<semaphore_mem>>
      %dma_start3A_39 = arith.constant 0 : i32
      %dma_start3A_40 = tpu.memref_slice %arg5[%mul3A_2, %dma_start3A_39] : memref<2048x768xf32, #tpu.memory_space<hbm>> -> memref<64x768xf32, #tpu.memory_space<hbm>>
      %dma_start3A_41 = arith.constant 0 : i32
      %dma_start3A_42 = tpu.memref_slice %arg5[%mul3A_2, %dma_start3A_41] : memref<2048x768xf32, #tpu.memory_space<hbm>> -> memref<64x768xf32, #tpu.memory_space<hbm>>
      tpu.enqueue_dma source(%arg8 : memref<64x768xf32, #tpu.memory_space<vmem>>) target(%dma_start3A_42 : memref<64x768xf32, #tpu.memory_space<hbm>>) target_semaphore(%run_scoped3A : memref<!tpu.dma_semaphore, #tpu.memory_space<semaphore_mem>>)
      %dma_wait3A_43 = arith.constant 0 : i32
      %dma_wait3A_44 = tpu.memref_slice %arg5[%mul3A_2, %dma_wait3A_43] : memref<2048x768xf32, #tpu.memory_space<hbm>> -> memref<64x768xf32, #tpu.memory_space<hbm>>
      %dma_wait3A_45 = arith.constant 0 : i32
      %dma_wait3A_46 = tpu.memref_slice %arg5[%mul3A_2, %dma_wait3A_45] : memref<2048x768xf32, #tpu.memory_space<hbm>> -> memref<64x768xf32, #tpu.memory_space<hbm>>
      tpu.wait_dma2 semaphore(%run_scoped3A : memref<!tpu.dma_semaphore, #tpu.memory_space<semaphore_mem>>) src(%arg8 : memref<64x768xf32, #tpu.memory_space<vmem>>) dst(%dma_wait3A_46 : memref<64x768xf32, #tpu.memory_space<hbm>>)
      tpu.yield
    }) : () -> ()
    return
  }
}

#map = affine_map<(d0, d1) -> (0, 0)>
module attributes {stable_mosaic.version = 14 : i64} {
  func.func @sc_dispatch(%arg0: i32, %arg1: i32, %arg2: memref<2048x768xf32, #tpu.memory_space<hbm>>, %arg3: memref<32x64xi32, #tpu.memory_space<hbm>>, %arg4: memref<32x64xi32, #tpu.memory_space<hbm>>, %arg5: memref<2048x128xf32, #tpu.memory_space<hbm>>, %arg6: memref<2048x128xf32, #tpu.memory_space<hbm>>, %arg7: memref<5120x768xf32, #tpu.memory_space<hbm>>, %arg8: memref<5120x128xf32, #tpu.memory_space<hbm>>, %arg9: memref<64x768xf32, #tpu.memory_space<vmem>>, %arg10: memref<64x128xf32, #tpu.memory_space<vmem>>, %arg11: memref<64x128xf32, #tpu.memory_space<vmem>>, %arg12: memref<64xi32, #tpu.memory_space<vmem>>, %arg13: memref<64xi32, #tpu.memory_space<vmem>>, %arg14: memref<!tpu.dma_semaphore, #tpu.memory_space<semaphore_mem>>, %arg15: memref<!tpu.dma_semaphore, #tpu.memory_space<semaphore_mem>>, %arg16: memref<!tpu.dma_semaphore, #tpu.memory_space<semaphore_mem>>, %arg17: memref<!tpu.dma_semaphore, #tpu.memory_space<semaphore_mem>>, %arg18: memref<!tpu.dma_semaphore, #tpu.memory_space<semaphore_mem>>) attributes {dimension_semantics = [#tpu.dimension_semantics<core_parallel>, #tpu.dimension_semantics<subcore_parallel>], iteration_bounds = array<i64: 2, 16>, scalar_prefetch = 0 : i64, scratch_operands = 10 : i64, tpu.core_type = #tpu.core_type<sc_vector_subcore>, window_params = [{transform_indices = #map}, {transform_indices = #map}, {transform_indices = #map}, {transform_indices = #map}, {transform_indices = #map}, {transform_indices = #map}, {transform_indices = #map}]} {
    %mul3A = arith.constant 2 : i32
    %mul3A_0 = arith.muli %arg1, %mul3A : i32
    %add3A = arith.addi %mul3A_0, %arg0 : i32
    %mul3A_1 = arith.constant 64 : i32
    %mul3A_2 = arith.muli %add3A, %mul3A_1 : i32
    %dma_start3A = arith.constant 0 : i32
    %dma_start3A_3 = tpu.memref_slice %arg2[%mul3A_2, %dma_start3A] : memref<2048x768xf32, #tpu.memory_space<hbm>> -> memref<64x768xf32, #tpu.memory_space<hbm>>
    %dma_start3A_4 = arith.constant 0 : i32
    %dma_start3A_5 = tpu.memref_slice %arg2[%mul3A_2, %dma_start3A_4] : memref<2048x768xf32, #tpu.memory_space<hbm>> -> memref<64x768xf32, #tpu.memory_space<hbm>>
    tpu.enqueue_dma source(%dma_start3A_5 : memref<64x768xf32, #tpu.memory_space<hbm>>) target(%arg9 : memref<64x768xf32, #tpu.memory_space<vmem>>) target_semaphore(%arg14 : memref<!tpu.dma_semaphore, #tpu.memory_space<semaphore_mem>>)
    %dma_start3A_6 = arith.constant 0 : i32
    %dma_start3A_7 = tpu.memref_slice %arg3[%add3A, %dma_start3A_6] : memref<32x64xi32, #tpu.memory_space<hbm>> -> memref<1x64xi32, #tpu.memory_space<hbm>>
    %dma_start3A_8 = tpu.memref_squeeze %dma_start3A_7 : memref<1x64xi32, #tpu.memory_space<hbm>> -> memref<64xi32, #tpu.memory_space<hbm>>
    %dma_start3A_9 = arith.constant 0 : i32
    %dma_start3A_10 = tpu.memref_slice %arg3[%add3A, %dma_start3A_9] : memref<32x64xi32, #tpu.memory_space<hbm>> -> memref<1x64xi32, #tpu.memory_space<hbm>>
    %dma_start3A_11 = tpu.memref_squeeze %dma_start3A_10 : memref<1x64xi32, #tpu.memory_space<hbm>> -> memref<64xi32, #tpu.memory_space<hbm>>
    tpu.enqueue_dma source(%dma_start3A_11 : memref<64xi32, #tpu.memory_space<hbm>>) target(%arg12 : memref<64xi32, #tpu.memory_space<vmem>>) target_semaphore(%arg15 : memref<!tpu.dma_semaphore, #tpu.memory_space<semaphore_mem>>)
    %dma_start3A_12 = arith.constant 0 : i32
    %dma_start3A_13 = tpu.memref_slice %arg4[%add3A, %dma_start3A_12] : memref<32x64xi32, #tpu.memory_space<hbm>> -> memref<1x64xi32, #tpu.memory_space<hbm>>
    %dma_start3A_14 = tpu.memref_squeeze %dma_start3A_13 : memref<1x64xi32, #tpu.memory_space<hbm>> -> memref<64xi32, #tpu.memory_space<hbm>>
    %dma_start3A_15 = arith.constant 0 : i32
    %dma_start3A_16 = tpu.memref_slice %arg4[%add3A, %dma_start3A_15] : memref<32x64xi32, #tpu.memory_space<hbm>> -> memref<1x64xi32, #tpu.memory_space<hbm>>
    %dma_start3A_17 = tpu.memref_squeeze %dma_start3A_16 : memref<1x64xi32, #tpu.memory_space<hbm>> -> memref<64xi32, #tpu.memory_space<hbm>>
    tpu.enqueue_dma source(%dma_start3A_17 : memref<64xi32, #tpu.memory_space<hbm>>) target(%arg13 : memref<64xi32, #tpu.memory_space<vmem>>) target_semaphore(%arg16 : memref<!tpu.dma_semaphore, #tpu.memory_space<semaphore_mem>>)
    %dma_start3A_18 = arith.constant 0 : i32
    %dma_start3A_19 = tpu.memref_slice %arg5[%mul3A_2, %dma_start3A_18] : memref<2048x128xf32, #tpu.memory_space<hbm>> -> memref<64x128xf32, #tpu.memory_space<hbm>>
    %dma_start3A_20 = arith.constant 0 : i32
    %dma_start3A_21 = tpu.memref_slice %arg5[%mul3A_2, %dma_start3A_20] : memref<2048x128xf32, #tpu.memory_space<hbm>> -> memref<64x128xf32, #tpu.memory_space<hbm>>
    tpu.enqueue_dma source(%dma_start3A_21 : memref<64x128xf32, #tpu.memory_space<hbm>>) target(%arg10 : memref<64x128xf32, #tpu.memory_space<vmem>>) target_semaphore(%arg17 : memref<!tpu.dma_semaphore, #tpu.memory_space<semaphore_mem>>)
    %dma_start3A_22 = arith.constant 0 : i32
    %dma_start3A_23 = tpu.memref_slice %arg6[%mul3A_2, %dma_start3A_22] : memref<2048x128xf32, #tpu.memory_space<hbm>> -> memref<64x128xf32, #tpu.memory_space<hbm>>
    %dma_start3A_24 = arith.constant 0 : i32
    %dma_start3A_25 = tpu.memref_slice %arg6[%mul3A_2, %dma_start3A_24] : memref<2048x128xf32, #tpu.memory_space<hbm>> -> memref<64x128xf32, #tpu.memory_space<hbm>>
    tpu.enqueue_dma source(%dma_start3A_25 : memref<64x128xf32, #tpu.memory_space<hbm>>) target(%arg11 : memref<64x128xf32, #tpu.memory_space<vmem>>) target_semaphore(%arg18 : memref<!tpu.dma_semaphore, #tpu.memory_space<semaphore_mem>>)
    %dma_wait3A = arith.constant 0 : i32
    %dma_wait3A_26 = tpu.memref_slice %arg2[%mul3A_2, %dma_wait3A] : memref<2048x768xf32, #tpu.memory_space<hbm>> -> memref<64x768xf32, #tpu.memory_space<hbm>>
    %dma_wait3A_27 = arith.constant 0 : i32
    %dma_wait3A_28 = tpu.memref_slice %arg2[%mul3A_2, %dma_wait3A_27] : memref<2048x768xf32, #tpu.memory_space<hbm>> -> memref<64x768xf32, #tpu.memory_space<hbm>>
    tpu.wait_dma2 semaphore(%arg14 : memref<!tpu.dma_semaphore, #tpu.memory_space<semaphore_mem>>) src(%dma_wait3A_28 : memref<64x768xf32, #tpu.memory_space<hbm>>) dst(%arg9 : memref<64x768xf32, #tpu.memory_space<vmem>>)
    %dma_wait3A_29 = arith.constant 0 : i32
    %dma_wait3A_30 = tpu.memref_slice %arg3[%add3A, %dma_wait3A_29] : memref<32x64xi32, #tpu.memory_space<hbm>> -> memref<1x64xi32, #tpu.memory_space<hbm>>
    %dma_wait3A_31 = tpu.memref_squeeze %dma_wait3A_30 : memref<1x64xi32, #tpu.memory_space<hbm>> -> memref<64xi32, #tpu.memory_space<hbm>>
    %dma_wait3A_32 = arith.constant 0 : i32
    %dma_wait3A_33 = tpu.memref_slice %arg3[%add3A, %dma_wait3A_32] : memref<32x64xi32, #tpu.memory_space<hbm>> -> memref<1x64xi32, #tpu.memory_space<hbm>>
    %dma_wait3A_34 = tpu.memref_squeeze %dma_wait3A_33 : memref<1x64xi32, #tpu.memory_space<hbm>> -> memref<64xi32, #tpu.memory_space<hbm>>
    tpu.wait_dma2 semaphore(%arg15 : memref<!tpu.dma_semaphore, #tpu.memory_space<semaphore_mem>>) src(%dma_wait3A_34 : memref<64xi32, #tpu.memory_space<hbm>>) dst(%arg12 : memref<64xi32, #tpu.memory_space<vmem>>)
    %dma_wait3A_35 = arith.constant 0 : i32
    %dma_wait3A_36 = tpu.memref_slice %arg4[%add3A, %dma_wait3A_35] : memref<32x64xi32, #tpu.memory_space<hbm>> -> memref<1x64xi32, #tpu.memory_space<hbm>>
    %dma_wait3A_37 = tpu.memref_squeeze %dma_wait3A_36 : memref<1x64xi32, #tpu.memory_space<hbm>> -> memref<64xi32, #tpu.memory_space<hbm>>
    %dma_wait3A_38 = arith.constant 0 : i32
    %dma_wait3A_39 = tpu.memref_slice %arg4[%add3A, %dma_wait3A_38] : memref<32x64xi32, #tpu.memory_space<hbm>> -> memref<1x64xi32, #tpu.memory_space<hbm>>
    %dma_wait3A_40 = tpu.memref_squeeze %dma_wait3A_39 : memref<1x64xi32, #tpu.memory_space<hbm>> -> memref<64xi32, #tpu.memory_space<hbm>>
    tpu.wait_dma2 semaphore(%arg16 : memref<!tpu.dma_semaphore, #tpu.memory_space<semaphore_mem>>) src(%dma_wait3A_40 : memref<64xi32, #tpu.memory_space<hbm>>) dst(%arg13 : memref<64xi32, #tpu.memory_space<vmem>>)
    %dma_wait3A_41 = arith.constant 0 : i32
    %dma_wait3A_42 = tpu.memref_slice %arg5[%mul3A_2, %dma_wait3A_41] : memref<2048x128xf32, #tpu.memory_space<hbm>> -> memref<64x128xf32, #tpu.memory_space<hbm>>
    %dma_wait3A_43 = arith.constant 0 : i32
    %dma_wait3A_44 = tpu.memref_slice %arg5[%mul3A_2, %dma_wait3A_43] : memref<2048x128xf32, #tpu.memory_space<hbm>> -> memref<64x128xf32, #tpu.memory_space<hbm>>
    tpu.wait_dma2 semaphore(%arg17 : memref<!tpu.dma_semaphore, #tpu.memory_space<semaphore_mem>>) src(%dma_wait3A_44 : memref<64x128xf32, #tpu.memory_space<hbm>>) dst(%arg10 : memref<64x128xf32, #tpu.memory_space<vmem>>)
    %dma_wait3A_45 = arith.constant 0 : i32
    %dma_wait3A_46 = tpu.memref_slice %arg6[%mul3A_2, %dma_wait3A_45] : memref<2048x128xf32, #tpu.memory_space<hbm>> -> memref<64x128xf32, #tpu.memory_space<hbm>>
    %dma_wait3A_47 = arith.constant 0 : i32
    %dma_wait3A_48 = tpu.memref_slice %arg6[%mul3A_2, %dma_wait3A_47] : memref<2048x128xf32, #tpu.memory_space<hbm>> -> memref<64x128xf32, #tpu.memory_space<hbm>>
    tpu.wait_dma2 semaphore(%arg18 : memref<!tpu.dma_semaphore, #tpu.memory_space<semaphore_mem>>) src(%dma_wait3A_48 : memref<64x128xf32, #tpu.memory_space<hbm>>) dst(%arg11 : memref<64x128xf32, #tpu.memory_space<vmem>>)
    %dma_start3A_49 = arith.constant 0 : i32
    %dma_start3A_50 = arith.constant 0 : i32
    %dma_start3A_51 = tpu.memref_slice %arg7[%dma_start3A_49, %dma_start3A_50] : memref<5120x768xf32, #tpu.memory_space<hbm>> -> memref<5120x768xf32, #tpu.memory_space<hbm>>
    tpu.enqueue_indirect_dma source(%arg9 : memref<64x768xf32, #tpu.memory_space<vmem>>) target(%dma_start3A_51 : memref<5120x768xf32, #tpu.memory_space<hbm>>) offsets(%arg12 : memref<64xi32, #tpu.memory_space<vmem>>) semaphore(%arg14 : memref<!tpu.dma_semaphore, #tpu.memory_space<semaphore_mem>>)
    %dma_start3A_52 = arith.constant 0 : i32
    %dma_start3A_53 = arith.constant 0 : i32
    %dma_start3A_54 = tpu.memref_slice %arg7[%dma_start3A_52, %dma_start3A_53] : memref<5120x768xf32, #tpu.memory_space<hbm>> -> memref<5120x768xf32, #tpu.memory_space<hbm>>
    tpu.enqueue_indirect_dma source(%arg9 : memref<64x768xf32, #tpu.memory_space<vmem>>) target(%dma_start3A_54 : memref<5120x768xf32, #tpu.memory_space<hbm>>) offsets(%arg13 : memref<64xi32, #tpu.memory_space<vmem>>) semaphore(%arg15 : memref<!tpu.dma_semaphore, #tpu.memory_space<semaphore_mem>>)
    %dma_start3A_55 = arith.constant 0 : i32
    %dma_start3A_56 = arith.constant 0 : i32
    %dma_start3A_57 = tpu.memref_slice %arg8[%dma_start3A_55, %dma_start3A_56] : memref<5120x128xf32, #tpu.memory_space<hbm>> -> memref<5120x128xf32, #tpu.memory_space<hbm>>
    tpu.enqueue_indirect_dma source(%arg10 : memref<64x128xf32, #tpu.memory_space<vmem>>) target(%dma_start3A_57 : memref<5120x128xf32, #tpu.memory_space<hbm>>) offsets(%arg12 : memref<64xi32, #tpu.memory_space<vmem>>) semaphore(%arg16 : memref<!tpu.dma_semaphore, #tpu.memory_space<semaphore_mem>>)
    %dma_start3A_58 = arith.constant 0 : i32
    %dma_start3A_59 = arith.constant 0 : i32
    %dma_start3A_60 = tpu.memref_slice %arg8[%dma_start3A_58, %dma_start3A_59] : memref<5120x128xf32, #tpu.memory_space<hbm>> -> memref<5120x128xf32, #tpu.memory_space<hbm>>
    tpu.enqueue_indirect_dma source(%arg11 : memref<64x128xf32, #tpu.memory_space<vmem>>) target(%dma_start3A_60 : memref<5120x128xf32, #tpu.memory_space<hbm>>) offsets(%arg13 : memref<64xi32, #tpu.memory_space<vmem>>) semaphore(%arg17 : memref<!tpu.dma_semaphore, #tpu.memory_space<semaphore_mem>>)
    %dma_wait3A_61 = arith.constant 0 : i32
    %dma_wait3A_62 = arith.constant 0 : i32
    %dma_wait3A_63 = tpu.memref_slice %arg7[%dma_wait3A_61, %dma_wait3A_62] : memref<5120x768xf32, #tpu.memory_space<hbm>> -> memref<5120x768xf32, #tpu.memory_space<hbm>>
    tpu.wait_indirect_dma semaphore(%arg14 : memref<!tpu.dma_semaphore, #tpu.memory_space<semaphore_mem>>) src(%arg9 : memref<64x768xf32, #tpu.memory_space<vmem>>) dst(%dma_wait3A_63 : memref<5120x768xf32, #tpu.memory_space<hbm>>)
    %dma_wait3A_64 = arith.constant 0 : i32
    %dma_wait3A_65 = arith.constant 0 : i32
    %dma_wait3A_66 = tpu.memref_slice %arg7[%dma_wait3A_64, %dma_wait3A_65] : memref<5120x768xf32, #tpu.memory_space<hbm>> -> memref<5120x768xf32, #tpu.memory_space<hbm>>
    tpu.wait_indirect_dma semaphore(%arg15 : memref<!tpu.dma_semaphore, #tpu.memory_space<semaphore_mem>>) src(%arg9 : memref<64x768xf32, #tpu.memory_space<vmem>>) dst(%dma_wait3A_66 : memref<5120x768xf32, #tpu.memory_space<hbm>>)
    %dma_wait3A_67 = arith.constant 0 : i32
    %dma_wait3A_68 = arith.constant 0 : i32
    %dma_wait3A_69 = tpu.memref_slice %arg8[%dma_wait3A_67, %dma_wait3A_68] : memref<5120x128xf32, #tpu.memory_space<hbm>> -> memref<5120x128xf32, #tpu.memory_space<hbm>>
    tpu.wait_indirect_dma semaphore(%arg16 : memref<!tpu.dma_semaphore, #tpu.memory_space<semaphore_mem>>) src(%arg10 : memref<64x128xf32, #tpu.memory_space<vmem>>) dst(%dma_wait3A_69 : memref<5120x128xf32, #tpu.memory_space<hbm>>)
    %dma_wait3A_70 = arith.constant 0 : i32
    %dma_wait3A_71 = arith.constant 0 : i32
    %dma_wait3A_72 = tpu.memref_slice %arg8[%dma_wait3A_70, %dma_wait3A_71] : memref<5120x128xf32, #tpu.memory_space<hbm>> -> memref<5120x128xf32, #tpu.memory_space<hbm>>
    tpu.wait_indirect_dma semaphore(%arg17 : memref<!tpu.dma_semaphore, #tpu.memory_space<semaphore_mem>>) src(%arg11 : memref<64x128xf32, #tpu.memory_space<vmem>>) dst(%dma_wait3A_72 : memref<5120x128xf32, #tpu.memory_space<hbm>>)
    return
  }
}

module attributes {stable_mosaic.version = 14 : i64} {
  func.func @_router_body(%arg0: memref<2048x768xf32, #tpu.memory_space<vmem>>, %arg1: memref<8x768xf32, #tpu.memory_space<vmem>>, %arg2: memref<2048x8xf32, #tpu.memory_space<vmem>>, %arg3: memref<32x64xi32, #tpu.memory_space<vmem>>, %arg4: memref<32x64xi32, #tpu.memory_space<vmem>>, %arg5: memref<2048x128xf32, #tpu.memory_space<vmem>>, %arg6: memref<2048x128xf32, #tpu.memory_space<vmem>>, %arg7: memref<64x1xi32, #tpu.memory_space<vmem>>, %arg8: memref<64x1xi32, #tpu.memory_space<vmem>>) attributes {dimension_semantics = [], scalar_prefetch = 0 : i64, scratch_operands = 0 : i64, tpu.core_type = #tpu.core_type<tc>} {
    %get3A = arith.constant 0 : index
    %get3A_0 = arith.constant 0 : index
    %get3A_1 = vector.load %arg0[%get3A, %get3A_0] : memref<2048x768xf32, #tpu.memory_space<vmem>>, vector<2048x768xf32>
    %get3A_2 = arith.constant 0 : index
    %get3A_3 = arith.constant 0 : index
    %get3A_4 = vector.load %arg1[%get3A_2, %get3A_3] : memref<8x768xf32, #tpu.memory_space<vmem>>, vector<8x768xf32>
    %dot_general3A = arith.constant dense<0.000000e+00> : vector<2048x8xf32>
    %dot_general3A_5 = tpu.matmul %get3A_1, %get3A_4, %dot_general3A {dimension_numbers = #tpu.dot_dimension_numbers<[1], [1], [0], [0], [0, 0, 1, 0], [], []>, transpose_lhs_hint = false} : vector<2048x768xf32>, vector<8x768xf32>, vector<2048x8xf32> -> vector<2048x8xf32>
    %swap3A = arith.constant 0 : index
    %swap3A_6 = arith.constant 0 : index
    %swap3A_7 = vector.load %arg2[%swap3A, %swap3A_6] : memref<2048x8xf32, #tpu.memory_space<vmem>>, vector<2048x8xf32>
    tpu.vector_store %arg2[%swap3A, %swap3A_6], %dot_general3A_5 {strides = array<i32>} : memref<2048x8xf32, #tpu.memory_space<vmem>>, vector<2048x8xf32>,
    %reduce_max3A = arith.constant dense<0xFF800000> : vector<2048xf32>
    %reduce_max3A_8 = vector.multi_reduction <maximumf>, %dot_general3A_5, %reduce_max3A [1] : vector<2048x8xf32> to vector<2048xf32>
    %broadcast_in_dim3A = vector.shape_cast %reduce_max3A_8 : vector<2048xf32> to vector<2048x1xf32>
    %sub3A = vector.broadcast %broadcast_in_dim3A : vector<2048x1xf32> to vector<2048x8xf32>
    %sub3A_9 = arith.subf %dot_general3A_5, %sub3A : vector<2048x8xf32>
    %exp3A = math.exp %sub3A_9 : vector<2048x8xf32>
    %reduce_sum3A = arith.constant dense<0.000000e+00> : vector<2048xf32>
    %reduce_sum3A_10 = vector.multi_reduction <add>, %exp3A, %reduce_sum3A [1] : vector<2048x8xf32> to vector<2048xf32>
    %broadcast_in_dim3A_11 = vector.shape_cast %reduce_sum3A_10 : vector<2048xf32> to vector<2048x1xf32>
    %div3A = vector.broadcast %broadcast_in_dim3A_11 : vector<2048x1xf32> to vector<2048x8xf32>
    %div3A_12 = arith.divf %exp3A, %div3A : vector<2048x8xf32>
    %iota3A = tpu.iota {dimensions = array<i32: 1>} : vector<2048x8xi32>
    %reduce_max3A_13 = arith.constant dense<0xFF800000> : vector<2048xf32>
    %reduce_max3A_14 = vector.multi_reduction <maximumf>, %div3A_12, %reduce_max3A_13 [1] : vector<2048x8xf32> to vector<2048xf32>
    %broadcast_in_dim3A_15 = vector.shape_cast %reduce_max3A_14 : vector<2048xf32> to vector<2048x1xf32>
    %eq3A = vector.broadcast %broadcast_in_dim3A_15 : vector<2048x1xf32> to vector<2048x8xf32>
    %eq3A_16 = arith.cmpf oeq, %div3A_12, %eq3A : vector<2048x8xf32>
    %jit3A = arith.constant 8 : i32
    %broadcast_in_dim3A_17 = vector.broadcast %jit3A : i32 to vector<2048x8xi32>
    %select_n3A = arith.select %eq3A_16, %iota3A, %broadcast_in_dim3A_17 : vector<2048x8xi1>, vector<2048x8xi32>
    %reduce_min3A = arith.constant dense<2147483647> : vector<2048xi32>
    %reduce_min3A_18 = vector.multi_reduction <minsi>, %select_n3A, %reduce_min3A [1] : vector<2048x8xi32> to vector<2048xi32>
    %broadcast_in_dim3A_19 = vector.shape_cast %reduce_min3A_18 : vector<2048xi32> to vector<2048x1xi32>
    %eq3A_20 = vector.broadcast %broadcast_in_dim3A_19 : vector<2048x1xi32> to vector<2048x8xi32>
    %eq3A_21 = arith.cmpi eq, %iota3A, %eq3A_20 : vector<2048x8xi32>
    %jit3A_22 = arith.constant -1.000000e+00 : f32
    %broadcast_in_dim3A_23 = vector.broadcast %jit3A_22 : f32 to vector<2048x8xf32>
    %select_n3A_24 = arith.select %eq3A_21, %broadcast_in_dim3A_23, %div3A_12 : vector<2048x8xi1>, vector<2048x8xf32>
    %reduce_max3A_25 = arith.constant dense<0xFF800000> : vector<2048xf32>
    %reduce_max3A_26 = vector.multi_reduction <maximumf>, %select_n3A_24, %reduce_max3A_25 [1] : vector<2048x8xf32> to vector<2048xf32>
    %broadcast_in_dim3A_27 = vector.shape_cast %reduce_max3A_26 : vector<2048xf32> to vector<2048x1xf32>
    %eq3A_28 = vector.broadcast %broadcast_in_dim3A_27 : vector<2048x1xf32> to vector<2048x8xf32>
    %eq3A_29 = arith.cmpf oeq, %select_n3A_24, %eq3A_28 : vector<2048x8xf32>
    %jit3A_30 = arith.constant 8 : i32
    %broadcast_in_dim3A_31 = vector.broadcast %jit3A_30 : i32 to vector<2048x8xi32>
    %select_n3A_32 = arith.select %eq3A_29, %iota3A, %broadcast_in_dim3A_31 : vector<2048x8xi1>, vector<2048x8xi32>
    %reduce_min3A_33 = arith.constant dense<2147483647> : vector<2048xi32>
    %reduce_min3A_34 = vector.multi_reduction <minsi>, %select_n3A_32, %reduce_min3A_33 [1] : vector<2048x8xi32> to vector<2048xi32>
    %broadcast_in_dim3A_35 = vector.shape_cast %reduce_min3A_34 : vector<2048xi32> to vector<2048x1xi32>
    %add3A = arith.addf %broadcast_in_dim3A_15, %broadcast_in_dim3A_27 : vector<2048x1xf32>
    %div3A_36 = arith.divf %broadcast_in_dim3A_15, %add3A : vector<2048x1xf32>
    %div3A_37 = arith.divf %broadcast_in_dim3A_27, %add3A : vector<2048x1xf32>
    %eq3A_38 = vector.broadcast %broadcast_in_dim3A_19 : vector<2048x1xi32> to vector<2048x8xi32>
    %eq3A_39 = arith.cmpi eq, %iota3A, %eq3A_38 : vector<2048x8xi32>
    %convert_element_type3A = arith.extui %eq3A_39 : vector<2048x8xi1> to vector<2048x8xi32>
    %convert_element_type3A_40 = arith.sitofp %convert_element_type3A : vector<2048x8xi32> to vector<2048x8xf32>
    %eq3A_41 = vector.broadcast %broadcast_in_dim3A_35 : vector<2048x1xi32> to vector<2048x8xi32>
    %eq3A_42 = arith.cmpi eq, %iota3A, %eq3A_41 : vector<2048x8xi32>
    %convert_element_type3A_43 = arith.extui %eq3A_42 : vector<2048x8xi1> to vector<2048x8xi32>
    %convert_element_type3A_44 = arith.sitofp %convert_element_type3A_43 : vector<2048x8xi32> to vector<2048x8xf32>
    %add3A_45 = arith.addf %convert_element_type3A_40, %convert_element_type3A_44 : vector<2048x8xf32>
    %iota3A_46 = tpu.iota {dimensions = array<i32: 0>} : vector<128x128xi32>
    %iota3A_47 = tpu.iota {dimensions = array<i32: 1>} : vector<128x128xi32>
    %ge3A = arith.cmpi sge, %iota3A_46, %iota3A_47 : vector<128x128xi32>
    %convert_element_type3A_48 = arith.extui %ge3A : vector<128x128xi1> to vector<128x128xi32>
    %convert_element_type3A_49 = arith.sitofp %convert_element_type3A_48 : vector<128x128xi32> to vector<128x128xf32>
    %broadcast_in_dim3A_50 = arith.constant 0.000000e+00 : f32
    %broadcast_in_dim3A_51 = vector.broadcast %broadcast_in_dim3A_50 : f32 to vector<1x8xf32>
    %slice3A = vector.extract_strided_slice %add3A_45 {offsets = [0, 0], sizes = [128, 8], strides = [1, 1]} : vector<2048x8xf32> to vector<128x8xf32>
    %dot_general3A_52 = arith.constant dense<0.000000e+00> : vector<128x8xf32>
    %dot_general3A_53 = tpu.matmul %convert_element_type3A_49, %slice3A, %dot_general3A_52 {dimension_numbers = #tpu.dot_dimension_numbers<[1], [0], [0], [1], [0, 0, 1, 1], [], []>, transpose_lhs_hint = false} : vector<128x128xf32>, vector<128x8xf32>, vector<128x8xf32> -> vector<128x8xf32>
    %add3A_54 = vector.broadcast %broadcast_in_dim3A_51 : vector<1x8xf32> to vector<128x8xf32>
    %add3A_55 = arith.addf %dot_general3A_53, %add3A_54 : vector<128x8xf32>
    %slice3A_56 = vector.extract_strided_slice %add3A_55 {offsets = [127, 0], sizes = [1, 8], strides = [1, 1]} : vector<128x8xf32> to vector<1x8xf32>
    %slice3A_57 = vector.extract_strided_slice %add3A_45 {offsets = [128, 0], sizes = [128, 8], strides = [1, 1]} : vector<2048x8xf32> to vector<128x8xf32>
    %dot_general3A_58 = arith.constant dense<0.000000e+00> : vector<128x8xf32>
    %dot_general3A_59 = tpu.matmul %convert_element_type3A_49, %slice3A_57, %dot_general3A_58 {dimension_numbers = #tpu.dot_dimension_numbers<[1], [0], [0], [1], [0, 0, 1, 1], [], []>, transpose_lhs_hint = false} : vector<128x128xf32>, vector<128x8xf32>, vector<128x8xf32> -> vector<128x8xf32>
    %add3A_60 = vector.broadcast %slice3A_56 : vector<1x8xf32> to vector<128x8xf32>
    %add3A_61 = arith.addf %dot_general3A_59, %add3A_60 : vector<128x8xf32>
    %slice3A_62 = vector.extract_strided_slice %add3A_61 {offsets = [127, 0], sizes = [1, 8], strides = [1, 1]} : vector<128x8xf32> to vector<1x8xf32>
    %slice3A_63 = vector.extract_strided_slice %add3A_45 {offsets = [256, 0], sizes = [128, 8], strides = [1, 1]} : vector<2048x8xf32> to vector<128x8xf32>
    %dot_general3A_64 = arith.constant dense<0.000000e+00> : vector<128x8xf32>
    %dot_general3A_65 = tpu.matmul %convert_element_type3A_49, %slice3A_63, %dot_general3A_64 {dimension_numbers = #tpu.dot_dimension_numbers<[1], [0], [0], [1], [0, 0, 1, 1], [], []>, transpose_lhs_hint = false} : vector<128x128xf32>, vector<128x8xf32>, vector<128x8xf32> -> vector<128x8xf32>
    %add3A_66 = vector.broadcast %slice3A_62 : vector<1x8xf32> to vector<128x8xf32>
    %add3A_67 = arith.addf %dot_general3A_65, %add3A_66 : vector<128x8xf32>
    %slice3A_68 = vector.extract_strided_slice %add3A_67 {offsets = [127, 0], sizes = [1, 8], strides = [1, 1]} : vector<128x8xf32> to vector<1x8xf32>
    %slice3A_69 = vector.extract_strided_slice %add3A_45 {offsets = [384, 0], sizes = [128, 8], strides = [1, 1]} : vector<2048x8xf32> to vector<128x8xf32>
    %dot_general3A_70 = arith.constant dense<0.000000e+00> : vector<128x8xf32>
    %dot_general3A_71 = tpu.matmul %convert_element_type3A_49, %slice3A_69, %dot_general3A_70 {dimension_numbers = #tpu.dot_dimension_numbers<[1], [0], [0], [1], [0, 0, 1, 1], [], []>, transpose_lhs_hint = false} : vector<128x128xf32>, vector<128x8xf32>, vector<128x8xf32> -> vector<128x8xf32>
    %add3A_72 = vector.broadcast %slice3A_68 : vector<1x8xf32> to vector<128x8xf32>
    %add3A_73 = arith.addf %dot_general3A_71, %add3A_72 : vector<128x8xf32>
    %slice3A_74 = vector.extract_strided_slice %add3A_73 {offsets = [127, 0], sizes = [1, 8], strides = [1, 1]} : vector<128x8xf32> to vector<1x8xf32>
    %slice3A_75 = vector.extract_strided_slice %add3A_45 {offsets = [512, 0], sizes = [128, 8], strides = [1, 1]} : vector<2048x8xf32> to vector<128x8xf32>
    %dot_general3A_76 = arith.constant dense<0.000000e+00> : vector<128x8xf32>
    %dot_general3A_77 = tpu.matmul %convert_element_type3A_49, %slice3A_75, %dot_general3A_76 {dimension_numbers = #tpu.dot_dimension_numbers<[1], [0], [0], [1], [0, 0, 1, 1], [], []>, transpose_lhs_hint = false} : vector<128x128xf32>, vector<128x8xf32>, vector<128x8xf32> -> vector<128x8xf32>
    %add3A_78 = vector.broadcast %slice3A_74 : vector<1x8xf32> to vector<128x8xf32>
    %add3A_79 = arith.addf %dot_general3A_77, %add3A_78 : vector<128x8xf32>
    %slice3A_80 = vector.extract_strided_slice %add3A_79 {offsets = [127, 0], sizes = [1, 8], strides = [1, 1]} : vector<128x8xf32> to vector<1x8xf32>
    %slice3A_81 = vector.extract_strided_slice %add3A_45 {offsets = [640, 0], sizes = [128, 8], strides = [1, 1]} : vector<2048x8xf32> to vector<128x8xf32>
    %dot_general3A_82 = arith.constant dense<0.000000e+00> : vector<128x8xf32>
    %dot_general3A_83 = tpu.matmul %convert_element_type3A_49, %slice3A_81, %dot_general3A_82 {dimension_numbers = #tpu.dot_dimension_numbers<[1], [0], [0], [1], [0, 0, 1, 1], [], []>, transpose_lhs_hint = false} : vector<128x128xf32>, vector<128x8xf32>, vector<128x8xf32> -> vector<128x8xf32>
    %add3A_84 = vector.broadcast %slice3A_80 : vector<1x8xf32> to vector<128x8xf32>
    %add3A_85 = arith.addf %dot_general3A_83, %add3A_84 : vector<128x8xf32>
    %slice3A_86 = vector.extract_strided_slice %add3A_85 {offsets = [127, 0], sizes = [1, 8], strides = [1, 1]} : vector<128x8xf32> to vector<1x8xf32>
    %slice3A_87 = vector.extract_strided_slice %add3A_45 {offsets = [768, 0], sizes = [128, 8], strides = [1, 1]} : vector<2048x8xf32> to vector<128x8xf32>
    %dot_general3A_88 = arith.constant dense<0.000000e+00> : vector<128x8xf32>
    %dot_general3A_89 = tpu.matmul %convert_element_type3A_49, %slice3A_87, %dot_general3A_88 {dimension_numbers = #tpu.dot_dimension_numbers<[1], [0], [0], [1], [0, 0, 1, 1], [], []>, transpose_lhs_hint = false} : vector<128x128xf32>, vector<128x8xf32>, vector<128x8xf32> -> vector<128x8xf32>
    %add3A_90 = vector.broadcast %slice3A_86 : vector<1x8xf32> to vector<128x8xf32>
    %add3A_91 = arith.addf %dot_general3A_89, %add3A_90 : vector<128x8xf32>
    %slice3A_92 = vector.extract_strided_slice %add3A_91 {offsets = [127, 0], sizes = [1, 8], strides = [1, 1]} : vector<128x8xf32> to vector<1x8xf32>
    %slice3A_93 = vector.extract_strided_slice %add3A_45 {offsets = [896, 0], sizes = [128, 8], strides = [1, 1]} : vector<2048x8xf32> to vector<128x8xf32>
    %dot_general3A_94 = arith.constant dense<0.000000e+00> : vector<128x8xf32>
    %dot_general3A_95 = tpu.matmul %convert_element_type3A_49, %slice3A_93, %dot_general3A_94 {dimension_numbers = #tpu.dot_dimension_numbers<[1], [0], [0], [1], [0, 0, 1, 1], [], []>, transpose_lhs_hint = false} : vector<128x128xf32>, vector<128x8xf32>, vector<128x8xf32> -> vector<128x8xf32>
    %add3A_96 = vector.broadcast %slice3A_92 : vector<1x8xf32> to vector<128x8xf32>
    %add3A_97 = arith.addf %dot_general3A_95, %add3A_96 : vector<128x8xf32>
    %slice3A_98 = vector.extract_strided_slice %add3A_97 {offsets = [127, 0], sizes = [1, 8], strides = [1, 1]} : vector<128x8xf32> to vector<1x8xf32>
    %slice3A_99 = vector.extract_strided_slice %add3A_45 {offsets = [1024, 0], sizes = [128, 8], strides = [1, 1]} : vector<2048x8xf32> to vector<128x8xf32>
    %dot_general3A_100 = arith.constant dense<0.000000e+00> : vector<128x8xf32>
    %dot_general3A_101 = tpu.matmul %convert_element_type3A_49, %slice3A_99, %dot_general3A_100 {dimension_numbers = #tpu.dot_dimension_numbers<[1], [0], [0], [1], [0, 0, 1, 1], [], []>, transpose_lhs_hint = false} : vector<128x128xf32>, vector<128x8xf32>, vector<128x8xf32> -> vector<128x8xf32>
    %add3A_102 = vector.broadcast %slice3A_98 : vector<1x8xf32> to vector<128x8xf32>
    %add3A_103 = arith.addf %dot_general3A_101, %add3A_102 : vector<128x8xf32>
    %slice3A_104 = vector.extract_strided_slice %add3A_103 {offsets = [127, 0], sizes = [1, 8], strides = [1, 1]} : vector<128x8xf32> to vector<1x8xf32>
    %slice3A_105 = vector.extract_strided_slice %add3A_45 {offsets = [1152, 0], sizes = [128, 8], strides = [1, 1]} : vector<2048x8xf32> to vector<128x8xf32>
    %dot_general3A_106 = arith.constant dense<0.000000e+00> : vector<128x8xf32>
    %dot_general3A_107 = tpu.matmul %convert_element_type3A_49, %slice3A_105, %dot_general3A_106 {dimension_numbers = #tpu.dot_dimension_numbers<[1], [0], [0], [1], [0, 0, 1, 1], [], []>, transpose_lhs_hint = false} : vector<128x128xf32>, vector<128x8xf32>, vector<128x8xf32> -> vector<128x8xf32>
    %add3A_108 = vector.broadcast %slice3A_104 : vector<1x8xf32> to vector<128x8xf32>
    %add3A_109 = arith.addf %dot_general3A_107, %add3A_108 : vector<128x8xf32>
    %slice3A_110 = vector.extract_strided_slice %add3A_109 {offsets = [127, 0], sizes = [1, 8], strides = [1, 1]} : vector<128x8xf32> to vector<1x8xf32>
    %slice3A_111 = vector.extract_strided_slice %add3A_45 {offsets = [1280, 0], sizes = [128, 8], strides = [1, 1]} : vector<2048x8xf32> to vector<128x8xf32>
    %dot_general3A_112 = arith.constant dense<0.000000e+00> : vector<128x8xf32>
    %dot_general3A_113 = tpu.matmul %convert_element_type3A_49, %slice3A_111, %dot_general3A_112 {dimension_numbers = #tpu.dot_dimension_numbers<[1], [0], [0], [1], [0, 0, 1, 1], [], []>, transpose_lhs_hint = false} : vector<128x128xf32>, vector<128x8xf32>, vector<128x8xf32> -> vector<128x8xf32>
    %add3A_114 = vector.broadcast %slice3A_110 : vector<1x8xf32> to vector<128x8xf32>
    %add3A_115 = arith.addf %dot_general3A_113, %add3A_114 : vector<128x8xf32>
    %slice3A_116 = vector.extract_strided_slice %add3A_115 {offsets = [127, 0], sizes = [1, 8], strides = [1, 1]} : vector<128x8xf32> to vector<1x8xf32>
    %slice3A_117 = vector.extract_strided_slice %add3A_45 {offsets = [1408, 0], sizes = [128, 8], strides = [1, 1]} : vector<2048x8xf32> to vector<128x8xf32>
    %dot_general3A_118 = arith.constant dense<0.000000e+00> : vector<128x8xf32>
    %dot_general3A_119 = tpu.matmul %convert_element_type3A_49, %slice3A_117, %dot_general3A_118 {dimension_numbers = #tpu.dot_dimension_numbers<[1], [0], [0], [1], [0, 0, 1, 1], [], []>, transpose_lhs_hint = false} : vector<128x128xf32>, vector<128x8xf32>, vector<128x8xf32> -> vector<128x8xf32>
    %add3A_120 = vector.broadcast %slice3A_116 : vector<1x8xf32> to vector<128x8xf32>
    %add3A_121 = arith.addf %dot_general3A_119, %add3A_120 : vector<128x8xf32>
    %slice3A_122 = vector.extract_strided_slice %add3A_121 {offsets = [127, 0], sizes = [1, 8], strides = [1, 1]} : vector<128x8xf32> to vector<1x8xf32>
    %slice3A_123 = vector.extract_strided_slice %add3A_45 {offsets = [1536, 0], sizes = [128, 8], strides = [1, 1]} : vector<2048x8xf32> to vector<128x8xf32>
    %dot_general3A_124 = arith.constant dense<0.000000e+00> : vector<128x8xf32>
    %dot_general3A_125 = tpu.matmul %convert_element_type3A_49, %slice3A_123, %dot_general3A_124 {dimension_numbers = #tpu.dot_dimension_numbers<[1], [0], [0], [1], [0, 0, 1, 1], [], []>, transpose_lhs_hint = false} : vector<128x128xf32>, vector<128x8xf32>, vector<128x8xf32> -> vector<128x8xf32>
    %add3A_126 = vector.broadcast %slice3A_122 : vector<1x8xf32> to vector<128x8xf32>
    %add3A_127 = arith.addf %dot_general3A_125, %add3A_126 : vector<128x8xf32>
    %slice3A_128 = vector.extract_strided_slice %add3A_127 {offsets = [127, 0], sizes = [1, 8], strides = [1, 1]} : vector<128x8xf32> to vector<1x8xf32>
    %slice3A_129 = vector.extract_strided_slice %add3A_45 {offsets = [1664, 0], sizes = [128, 8], strides = [1, 1]} : vector<2048x8xf32> to vector<128x8xf32>
    %dot_general3A_130 = arith.constant dense<0.000000e+00> : vector<128x8xf32>
    %dot_general3A_131 = tpu.matmul %convert_element_type3A_49, %slice3A_129, %dot_general3A_130 {dimension_numbers = #tpu.dot_dimension_numbers<[1], [0], [0], [1], [0, 0, 1, 1], [], []>, transpose_lhs_hint = false} : vector<128x128xf32>, vector<128x8xf32>, vector<128x8xf32> -> vector<128x8xf32>
    %add3A_132 = vector.broadcast %slice3A_128 : vector<1x8xf32> to vector<128x8xf32>
    %add3A_133 = arith.addf %dot_general3A_131, %add3A_132 : vector<128x8xf32>
    %slice3A_134 = vector.extract_strided_slice %add3A_133 {offsets = [127, 0], sizes = [1, 8], strides = [1, 1]} : vector<128x8xf32> to vector<1x8xf32>
    %slice3A_135 = vector.extract_strided_slice %add3A_45 {offsets = [1792, 0], sizes = [128, 8], strides = [1, 1]} : vector<2048x8xf32> to vector<128x8xf32>
    %dot_general3A_136 = arith.constant dense<0.000000e+00> : vector<128x8xf32>
    %dot_general3A_137 = tpu.matmul %convert_element_type3A_49, %slice3A_135, %dot_general3A_136 {dimension_numbers = #tpu.dot_dimension_numbers<[1], [0], [0], [1], [0, 0, 1, 1], [], []>, transpose_lhs_hint = false} : vector<128x128xf32>, vector<128x8xf32>, vector<128x8xf32> -> vector<128x8xf32>
    %add3A_138 = vector.broadcast %slice3A_134 : vector<1x8xf32> to vector<128x8xf32>
    %add3A_139 = arith.addf %dot_general3A_137, %add3A_138 : vector<128x8xf32>
    %slice3A_140 = vector.extract_strided_slice %add3A_139 {offsets = [127, 0], sizes = [1, 8], strides = [1, 1]} : vector<128x8xf32> to vector<1x8xf32>
    %slice3A_141 = vector.extract_strided_slice %add3A_45 {offsets = [1920, 0], sizes = [128, 8], strides = [1, 1]} : vector<2048x8xf32> to vector<128x8xf32>
    %dot_general3A_142 = arith.constant dense<0.000000e+00> : vector<128x8xf32>
    %dot_general3A_143 = tpu.matmul %convert_element_type3A_49, %slice3A_141, %dot_general3A_142 {dimension_numbers = #tpu.dot_dimension_numbers<[1], [0], [0], [1], [0, 0, 1, 1], [], []>, transpose_lhs_hint = false} : vector<128x128xf32>, vector<128x8xf32>, vector<128x8xf32> -> vector<128x8xf32>
    %add3A_144 = vector.broadcast %slice3A_140 : vector<1x8xf32> to vector<128x8xf32>
    %add3A_145 = arith.addf %dot_general3A_143, %add3A_144 : vector<128x8xf32>
    %slice3A_146 = vector.extract_strided_slice %add3A_145 {offsets = [127, 0], sizes = [1, 8], strides = [1, 1]} : vector<128x8xf32> to vector<1x8xf32>
    %concatenate3A = tpu.concatenate %add3A_55, %add3A_61, %add3A_67, %add3A_73, %add3A_79, %add3A_85, %add3A_91, %add3A_97, %add3A_103, %add3A_109, %add3A_115, %add3A_121, %add3A_127, %add3A_133, %add3A_139, %add3A_145 in 0 : vector<128x8xf32>, vector<128x8xf32>, vector<128x8xf32>, vector<128x8xf32>, vector<128x8xf32>, vector<128x8xf32>, vector<128x8xf32>, vector<128x8xf32>, vector<128x8xf32>, vector<128x8xf32>, vector<128x8xf32>, vector<128x8xf32>, vector<128x8xf32>, vector<128x8xf32>, vector<128x8xf32>, vector<128x8xf32> -> vector<2048x8xf32>
    %sub3A_147 = arith.subf %concatenate3A, %add3A_45 : vector<2048x8xf32>
    %add3A_148 = arith.constant 1.270000e+02 : f32
    %add3A_149 = vector.broadcast %add3A_148 : f32 to vector<1x8xf32>
    %add3A_150 = arith.addf %slice3A_146, %add3A_149 : vector<1x8xf32>
    %mul3A = arith.constant 7.812500e-03 : f32
    %mul3A_151 = vector.broadcast %mul3A : f32 to vector<1x8xf32>
    %mul3A_152 = arith.mulf %add3A_150, %mul3A_151 : vector<1x8xf32>
    %floor3A = math.floor %mul3A_152 : vector<1x8xf32>
    %mul3A_153 = arith.constant 1.280000e+02 : f32
    %mul3A_154 = vector.broadcast %mul3A_153 : f32 to vector<1x8xf32>
    %mul3A_155 = arith.mulf %floor3A, %mul3A_154 : vector<1x8xf32>
    %max3A = arith.constant 1.280000e+02 : f32
    %max3A_156 = vector.broadcast %max3A : f32 to vector<1x8xf32>
    %max3A_157 = arith.maximumf %mul3A_155, %max3A_156 : vector<1x8xf32>
    %iota3A_158 = tpu.iota {dimensions = array<i32: 0>} : vector<8x8xi32>
    %iota3A_159 = tpu.iota {dimensions = array<i32: 1>} : vector<8x8xi32>
    %lt3A = arith.cmpi slt, %iota3A_158, %iota3A_159 : vector<8x8xi32>
    %convert_element_type3A_160 = arith.extui %lt3A : vector<8x8xi1> to vector<8x8xi32>
    %convert_element_type3A_161 = arith.sitofp %convert_element_type3A_160 : vector<8x8xi32> to vector<8x8xf32>
    %dot_general3A_162 = arith.constant dense<0.000000e+00> : vector<1x8xf32>
    %dot_general3A_163 = tpu.matmul %max3A_157, %convert_element_type3A_161, %dot_general3A_162 {dimension_numbers = #tpu.dot_dimension_numbers<[1], [0], [0], [1], [0, 0, 1, 1], [], []>, transpose_lhs_hint = false} : vector<1x8xf32>, vector<8x8xf32>, vector<1x8xf32> -> vector<1x8xf32>
    %add3A_164 = vector.broadcast %dot_general3A_163 : vector<1x8xf32> to vector<2048x8xf32>
    %add3A_165 = arith.addf %add3A_164, %sub3A_147 : vector<2048x8xf32>
    %mul3A_166 = arith.mulf %convert_element_type3A_40, %add3A_165 : vector<2048x8xf32>
    %reduce_sum3A_167 = arith.constant dense<0.000000e+00> : vector<2048xf32>
    %reduce_sum3A_168 = vector.multi_reduction <add>, %mul3A_166, %reduce_sum3A_167 [1] : vector<2048x8xf32> to vector<2048xf32>
    %broadcast_in_dim3A_169 = vector.shape_cast %reduce_sum3A_168 : vector<2048xf32> to vector<2048x1xf32>
    %mul3A_170 = arith.mulf %convert_element_type3A_44, %add3A_165 : vector<2048x8xf32>
    %reduce_sum3A_171 = arith.constant dense<0.000000e+00> : vector<2048xf32>
    %reduce_sum3A_172 = vector.multi_reduction <add>, %mul3A_170, %reduce_sum3A_171 [1] : vector<2048x8xf32> to vector<2048xf32>
    %broadcast_in_dim3A_173 = vector.shape_cast %reduce_sum3A_172 : vector<2048xf32> to vector<2048x1xf32>
    %convert_element_type3A_174 = arith.fptosi %broadcast_in_dim3A_169 : vector<2048x1xf32> to vector<2048x1xi32>
    %reshape3A = vector.shape_cast %convert_element_type3A_174 : vector<2048x1xi32> to vector<32x64xi32>
    %swap3A_175 = arith.constant 0 : index
    %swap3A_176 = arith.constant 0 : index
    %swap3A_177 = vector.load %arg3[%swap3A_175, %swap3A_176] : memref<32x64xi32, #tpu.memory_space<vmem>>, vector<32x64xi32>
    tpu.vector_store %arg3[%swap3A_175, %swap3A_176], %reshape3A {strides = array<i32>} : memref<32x64xi32, #tpu.memory_space<vmem>>, vector<32x64xi32>,
    %convert_element_type3A_178 = arith.fptosi %broadcast_in_dim3A_173 : vector<2048x1xf32> to vector<2048x1xi32>
    %reshape3A_179 = vector.shape_cast %convert_element_type3A_178 : vector<2048x1xi32> to vector<32x64xi32>
    %swap3A_180 = arith.constant 0 : index
    %swap3A_181 = arith.constant 0 : index
    %swap3A_182 = vector.load %arg4[%swap3A_180, %swap3A_181] : memref<32x64xi32, #tpu.memory_space<vmem>>, vector<32x64xi32>
    tpu.vector_store %arg4[%swap3A_180, %swap3A_181], %reshape3A_179 {strides = array<i32>} : memref<32x64xi32, #tpu.memory_space<vmem>>, vector<32x64xi32>,
    %broadcast_in_dim3A_183 = vector.shape_cast %div3A_36 : vector<2048x1xf32> to vector<2048x1xf32>
    %broadcast_in_dim3A_184 = vector.broadcast %broadcast_in_dim3A_183 : vector<2048x1xf32> to vector<2048x128xf32>
    %swap3A_185 = arith.constant 0 : index
    %swap3A_186 = arith.constant 0 : index
    %swap3A_187 = vector.load %arg5[%swap3A_185, %swap3A_186] : memref<2048x128xf32, #tpu.memory_space<vmem>>, vector<2048x128xf32>
    tpu.vector_store %arg5[%swap3A_185, %swap3A_186], %broadcast_in_dim3A_184 {strides = array<i32>} : memref<2048x128xf32, #tpu.memory_space<vmem>>, vector<2048x128xf32>,
    %broadcast_in_dim3A_188 = vector.shape_cast %div3A_37 : vector<2048x1xf32> to vector<2048x1xf32>
    %broadcast_in_dim3A_189 = vector.broadcast %broadcast_in_dim3A_188 : vector<2048x1xf32> to vector<2048x128xf32>
    %swap3A_190 = arith.constant 0 : index
    %swap3A_191 = arith.constant 0 : index
    %swap3A_192 = vector.load %arg6[%swap3A_190, %swap3A_191] : memref<2048x128xf32, #tpu.memory_space<vmem>>, vector<2048x128xf32>
    tpu.vector_store %arg6[%swap3A_190, %swap3A_191], %broadcast_in_dim3A_189 {strides = array<i32>} : memref<2048x128xf32, #tpu.memory_space<vmem>>, vector<2048x128xf32>,
    %add3A_193 = arith.addf %dot_general3A_163, %max3A_157 : vector<1x8xf32>
    %iota3A_194 = tpu.iota {dimensions = array<i32: 0>} : vector<64x1xi32>
    %mul3A_195 = arith.constant 128 : i32
    %mul3A_196 = vector.broadcast %mul3A_195 : i32 to vector<64x1xi32>
    %mul3A_197 = arith.muli %iota3A_194, %mul3A_196 : vector<64x1xi32>
    %convert_element_type3A_198 = arith.sitofp %mul3A_197 : vector<64x1xi32> to vector<64x1xf32>
    %broadcast_in_dim3A_199 = vector.shape_cast %add3A_193 : vector<1x8xf32> to vector<1x8xf32>
    %broadcast_in_dim3A_200 = vector.broadcast %broadcast_in_dim3A_199 : vector<1x8xf32> to vector<64x8xf32>
    %le3A = vector.broadcast %convert_element_type3A_198 : vector<64x1xf32> to vector<64x8xf32>
    %le3A_201 = arith.cmpf ole, %broadcast_in_dim3A_200, %le3A : vector<64x8xf32>
    %convert_element_type3A_202 = arith.extui %le3A_201 : vector<64x8xi1> to vector<64x8xi32>
    %convert_element_type3A_203 = arith.sitofp %convert_element_type3A_202 : vector<64x8xi32> to vector<64x8xf32>
    %reduce_sum3A_204 = arith.constant dense<0.000000e+00> : vector<64xf32>
    %reduce_sum3A_205 = vector.multi_reduction <add>, %convert_element_type3A_203, %reduce_sum3A_204 [1] : vector<64x8xf32> to vector<64xf32>
    %broadcast_in_dim3A_206 = vector.shape_cast %reduce_sum3A_205 : vector<64xf32> to vector<64x1xf32>
    %min3A = arith.constant 7.000000e+00 : f32
    %min3A_207 = vector.broadcast %min3A : f32 to vector<64x1xf32>
    %min3A_208 = arith.minimumf %broadcast_in_dim3A_206, %min3A_207 : vector<64x1xf32>
    %convert_element_type3A_209 = arith.fptosi %min3A_208 : vector<64x1xf32> to vector<64x1xi32>
    %swap3A_210 = arith.constant 0 : index
    %swap3A_211 = arith.constant 0 : index
    %swap3A_212 = vector.load %arg7[%swap3A_210, %swap3A_211] : memref<64x1xi32, #tpu.memory_space<vmem>>, vector<64x1xi32>
    tpu.vector_store %arg7[%swap3A_210, %swap3A_211], %convert_element_type3A_209 {strides = array<i32>} : memref<64x1xi32, #tpu.memory_space<vmem>>, vector<64x1xi32>,
    %reduce_sum3A_213 = arith.constant dense<0.000000e+00> : vector<1xf32>
    %reduce_sum3A_214 = vector.multi_reduction <add>, %max3A_157, %reduce_sum3A_213 [1] : vector<1x8xf32> to vector<1xf32>
    %broadcast_in_dim3A_215 = vector.shape_cast %reduce_sum3A_214 : vector<1xf32> to vector<1x1xf32>
    %mul3A_216 = arith.constant 7.812500e-03 : f32
    %mul3A_217 = vector.broadcast %mul3A_216 : f32 to vector<1x1xf32>
    %mul3A_218 = arith.mulf %broadcast_in_dim3A_215, %mul3A_217 : vector<1x1xf32>
    %iota3A_219 = tpu.iota {dimensions = array<i32: 0>} : vector<64x1xi32>
    %convert_element_type3A_220 = arith.sitofp %iota3A_219 : vector<64x1xi32> to vector<64x1xf32>
    %sub3A_221 = arith.constant 1.000000e+00 : f32
    %sub3A_222 = vector.broadcast %sub3A_221 : f32 to vector<1x1xf32>
    %sub3A_223 = arith.subf %mul3A_218, %sub3A_222 : vector<1x1xf32>
    %min3A_224 = vector.broadcast %sub3A_223 : vector<1x1xf32> to vector<64x1xf32>
    %min3A_225 = arith.minimumf %convert_element_type3A_220, %min3A_224 : vector<64x1xf32>
    %convert_element_type3A_226 = arith.fptosi %min3A_225 : vector<64x1xf32> to vector<64x1xi32>
    %swap3A_227 = arith.constant 0 : index
    %swap3A_228 = arith.constant 0 : index
    %swap3A_229 = vector.load %arg8[%swap3A_227, %swap3A_228] : memref<64x1xi32, #tpu.memory_space<vmem>>, vector<64x1xi32>
    tpu.vector_store %arg8[%swap3A_227, %swap3A_228], %convert_element_type3A_226 {strides = array<i32>} : memref<64x1xi32, #tpu.memory_space<vmem>>, vector<64x1xi32>,
    return
  }
}

module attributes {stable_mosaic.version = 14 : i64} {
  func.func @_gmm_body(%arg0: i32, %arg1: memref<64x1xi32, #tpu.memory_space<smem>>, %arg2: memref<64x1xi32, #tpu.memory_space<smem>>, %arg3: memref<128x768xf32, #tpu.memory_space<vmem>>, %arg4: memref<8x1536x768xf32, #tpu.memory_space<any>>, %arg5: memref<8x1536x768xf32, #tpu.memory_space<any>>, %arg6: memref<8x768x1536xf32, #tpu.memory_space<any>>, %arg7: memref<128x128xf32, #tpu.memory_space<vmem>>, %arg8: memref<128x768xf32, #tpu.memory_space<vmem>>, %arg9: memref<2x1536x768xf32, #tpu.memory_space<vmem>>, %arg10: memref<2x1536x768xf32, #tpu.memory_space<vmem>>, %arg11: memref<2x768x1536xf32, #tpu.memory_space<vmem>>, %arg12: memref<2x!tpu.dma_semaphore, #tpu.memory_space<semaphore_mem>>, %arg13: memref<2x!tpu.dma_semaphore, #tpu.memory_space<semaphore_mem>>, %arg14: memref<2x!tpu.dma_semaphore, #tpu.memory_space<semaphore_mem>>) attributes {dimension_semantics = [#tpu.dimension_semantics<arbitrary>], iteration_bounds = array<i64: 40>, scalar_prefetch = 2 : i64, scratch_operands = 6 : i64, tpu.core_type = #tpu.core_type<tc>, window_params = [{transform_indices = @transform_0, window_bounds = array<i64: 128, 768>}, {}, {}, {}, {transform_indices = @transform_4, window_bounds = array<i64: 128, 128>}, {transform_indices = @transform_5, window_bounds = array<i64: 128, 768>}]} {
    %get3A = arith.index_cast %arg0 : i32 to index
    %get3A_0 = arith.constant 0 : index
    %get3A_1 = memref.load %arg1[%get3A, %get3A_0] : memref<64x1xi32, #tpu.memory_space<smem>>
    %sub3A = arith.constant 1 : i32
    %sub3A_2 = arith.subi %arg0, %sub3A : i32
    %max3A = arith.constant 0 : i32
    %max3A_3 = arith.maxsi %sub3A_2, %max3A : i32
    %get3A_4 = arith.index_cast %max3A_3 : i32 to index
    %get3A_5 = arith.constant 0 : index
    %get3A_6 = memref.load %arg1[%get3A_4, %get3A_5] : memref<64x1xi32, #tpu.memory_space<smem>>
    %eq3A = arith.constant 0 : i32
    %eq3A_7 = arith.cmpi eq, %arg0, %eq3A : i32
    %add3A = arith.constant 2 : i32
    %add3A_8 = arith.addi %get3A_6, %add3A : i32
    %jit3A = arith.constant 0 : i32
    %select_n3A = arith.select %eq3A_7, %jit3A, %add3A_8 : i32
    %add3A_9 = arith.constant 2 : i32
    %add3A_10 = arith.addi %get3A_1, %add3A_9 : i32
    %min3A = arith.constant 8 : i32
    %min3A_11 = arith.minsi %add3A_10, %min3A : i32
    %eq3A_12 = arith.constant 0 : i32
    %eq3A_13 = arith.cmpi eq, %arg0, %eq3A_12 : i32
    %add3A_14 = arith.constant 1 : i32
    %add3A_15 = arith.addi %get3A_6, %add3A_14 : i32
    %jit3A_16 = arith.constant 0 : i32
    %select_n3A_17 = arith.select %eq3A_13, %jit3A_16, %add3A_15 : i32
    %add3A_18 = arith.constant 1 : i32
    %add3A_19 = arith.addi %get3A_1, %add3A_18 : i32
    %le3A = arith.constant 0 : i32
    %le3A_20 = arith.cmpi sle, %select_n3A, %le3A : i32
    %gt3A = arith.constant 0 : i32
    %gt3A_21 = arith.cmpi sgt, %min3A_11, %gt3A : i32
    %and3A = arith.andi %le3A_20, %gt3A_21 : i1
    %convert_element_type3A = arith.extui %and3A : i1 to i32
    %cond3A = arith.constant 0 : i32
    %cond3A_22 = arith.cmpi ne, %convert_element_type3A, %cond3A : i32
    scf.if %cond3A_22 {
      %dma_start3A = arith.constant 0 : i32
      %dma_start3A_150 = arith.constant 0 : i32
      %dma_start3A_151 = arith.constant 0 : i32
      %dma_start3A_152 = tpu.memref_slice %arg12[%dma_start3A_151] : memref<2x!tpu.dma_semaphore, #tpu.memory_space<semaphore_mem>> -> memref<1x!tpu.dma_semaphore, #tpu.memory_space<semaphore_mem>>
      %dma_start3A_153 = tpu.memref_squeeze %dma_start3A_152 : memref<1x!tpu.dma_semaphore, #tpu.memory_space<semaphore_mem>> -> memref<!tpu.dma_semaphore, #tpu.memory_space<semaphore_mem>>
      %dma_start3A_154 = arith.constant 0 : i32
      %dma_start3A_155 = arith.constant 0 : i32
      %dma_start3A_156 = tpu.memref_slice %arg9[%dma_start3A_150, %dma_start3A_154, %dma_start3A_155] : memref<2x1536x768xf32, #tpu.memory_space<vmem>> -> memref<1x1536x768xf32, #tpu.memory_space<vmem>>
      %dma_start3A_157 = tpu.memref_squeeze %dma_start3A_156 : memref<1x1536x768xf32, #tpu.memory_space<vmem>> -> memref<1536x768xf32, #tpu.memory_space<vmem>>
      %dma_start3A_158 = arith.constant 0 : i32
      %dma_start3A_159 = arith.constant 0 : i32
      %dma_start3A_160 = tpu.memref_slice %arg4[%dma_start3A, %dma_start3A_158, %dma_start3A_159] : memref<8x1536x768xf32, #tpu.memory_space<any>> -> memref<1x1536x768xf32, #tpu.memory_space<any>>
      %dma_start3A_161 = tpu.memref_squeeze %dma_start3A_160 : memref<1x1536x768xf32, #tpu.memory_space<any>> -> memref<1536x768xf32, #tpu.memory_space<any>>
      tpu.enqueue_dma source(%dma_start3A_161 : memref<1536x768xf32, #tpu.memory_space<any>>) target(%dma_start3A_157 : memref<1536x768xf32, #tpu.memory_space<vmem>>) target_semaphore(%dma_start3A_153 : memref<!tpu.dma_semaphore, #tpu.memory_space<semaphore_mem>>)
      %dma_start3A_162 = arith.constant 0 : i32
      %dma_start3A_163 = arith.constant 0 : i32
      %dma_start3A_164 = arith.constant 0 : i32
      %dma_start3A_165 = tpu.memref_slice %arg13[%dma_start3A_164] : memref<2x!tpu.dma_semaphore, #tpu.memory_space<semaphore_mem>> -> memref<1x!tpu.dma_semaphore, #tpu.memory_space<semaphore_mem>>
      %dma_start3A_166 = tpu.memref_squeeze %dma_start3A_165 : memref<1x!tpu.dma_semaphore, #tpu.memory_space<semaphore_mem>> -> memref<!tpu.dma_semaphore, #tpu.memory_space<semaphore_mem>>
      %dma_start3A_167 = arith.constant 0 : i32
      %dma_start3A_168 = arith.constant 0 : i32
      %dma_start3A_169 = tpu.memref_slice %arg10[%dma_start3A_163, %dma_start3A_167, %dma_start3A_168] : memref<2x1536x768xf32, #tpu.memory_space<vmem>> -> memref<1x1536x768xf32, #tpu.memory_space<vmem>>
      %dma_start3A_170 = tpu.memref_squeeze %dma_start3A_169 : memref<1x1536x768xf32, #tpu.memory_space<vmem>> -> memref<1536x768xf32, #tpu.memory_space<vmem>>
      %dma_start3A_171 = arith.constant 0 : i32
      %dma_start3A_172 = arith.constant 0 : i32
      %dma_start3A_173 = tpu.memref_slice %arg5[%dma_start3A_162, %dma_start3A_171, %dma_start3A_172] : memref<8x1536x768xf32, #tpu.memory_space<any>> -> memref<1x1536x768xf32, #tpu.memory_space<any>>
      %dma_start3A_174 = tpu.memref_squeeze %dma_start3A_173 : memref<1x1536x768xf32, #tpu.memory_space<any>> -> memref<1536x768xf32, #tpu.memory_space<any>>
      tpu.enqueue_dma source(%dma_start3A_174 : memref<1536x768xf32, #tpu.memory_space<any>>) target(%dma_start3A_170 : memref<1536x768xf32, #tpu.memory_space<vmem>>) target_semaphore(%dma_start3A_166 : memref<!tpu.dma_semaphore, #tpu.memory_space<semaphore_mem>>)
      %dma_start3A_175 = arith.constant 0 : i32
      %dma_start3A_176 = arith.constant 0 : i32
      %dma_start3A_177 = arith.constant 0 : i32
      %dma_start3A_178 = tpu.memref_slice %arg14[%dma_start3A_177] : memref<2x!tpu.dma_semaphore, #tpu.memory_space<semaphore_mem>> -> memref<1x!tpu.dma_semaphore, #tpu.memory_space<semaphore_mem>>
      %dma_start3A_179 = tpu.memref_squeeze %dma_start3A_178 : memref<1x!tpu.dma_semaphore, #tpu.memory_space<semaphore_mem>> -> memref<!tpu.dma_semaphore, #tpu.memory_space<semaphore_mem>>
      %dma_start3A_180 = arith.constant 0 : i32
      %dma_start3A_181 = arith.constant 0 : i32
      %dma_start3A_182 = tpu.memref_slice %arg11[%dma_start3A_176, %dma_start3A_180, %dma_start3A_181] : memref<2x768x1536xf32, #tpu.memory_space<vmem>> -> memref<1x768x1536xf32, #tpu.memory_space<vmem>>
      %dma_start3A_183 = tpu.memref_squeeze %dma_start3A_182 : memref<1x768x1536xf32, #tpu.memory_space<vmem>> -> memref<768x1536xf32, #tpu.memory_space<vmem>>
      %dma_start3A_184 = arith.constant 0 : i32
      %dma_start3A_185 = arith.constant 0 : i32
      %dma_start3A_186 = tpu.memref_slice %arg6[%dma_start3A_175, %dma_start3A_184, %dma_start3A_185] : memref<8x768x1536xf32, #tpu.memory_space<any>> -> memref<1x768x1536xf32, #tpu.memory_space<any>>
      %dma_start3A_187 = tpu.memref_squeeze %dma_start3A_186 : memref<1x768x1536xf32, #tpu.memory_space<any>> -> memref<768x1536xf32, #tpu.memory_space<any>>
      tpu.enqueue_dma source(%dma_start3A_187 : memref<768x1536xf32, #tpu.memory_space<any>>) target(%dma_start3A_183 : memref<768x1536xf32, #tpu.memory_space<vmem>>) target_semaphore(%dma_start3A_179 : memref<!tpu.dma_semaphore, #tpu.memory_space<semaphore_mem>>)
    } else {
    }
    %le3A_23 = arith.constant 1 : i32
    %le3A_24 = arith.cmpi sle, %select_n3A, %le3A_23 : i32
    %gt3A_25 = arith.constant 1 : i32
    %gt3A_26 = arith.cmpi sgt, %min3A_11, %gt3A_25 : i32
    %and3A_27 = arith.andi %le3A_24, %gt3A_26 : i1
    %convert_element_type3A_28 = arith.extui %and3A_27 : i1 to i32
    %cond3A_29 = arith.constant 0 : i32
    %cond3A_30 = arith.cmpi ne, %convert_element_type3A_28, %cond3A_29 : i32
    scf.if %cond3A_30 {
      %dma_start3A = arith.constant 1 : i32
      %dma_start3A_150 = arith.constant 1 : i32
      %dma_start3A_151 = arith.constant 1 : i32
      %dma_start3A_152 = tpu.memref_slice %arg12[%dma_start3A_151] : memref<2x!tpu.dma_semaphore, #tpu.memory_space<semaphore_mem>> -> memref<1x!tpu.dma_semaphore, #tpu.memory_space<semaphore_mem>>
      %dma_start3A_153 = tpu.memref_squeeze %dma_start3A_152 : memref<1x!tpu.dma_semaphore, #tpu.memory_space<semaphore_mem>> -> memref<!tpu.dma_semaphore, #tpu.memory_space<semaphore_mem>>
      %dma_start3A_154 = arith.constant 0 : i32
      %dma_start3A_155 = arith.constant 0 : i32
      %dma_start3A_156 = tpu.memref_slice %arg9[%dma_start3A_150, %dma_start3A_154, %dma_start3A_155] : memref<2x1536x768xf32, #tpu.memory_space<vmem>> -> memref<1x1536x768xf32, #tpu.memory_space<vmem>>
      %dma_start3A_157 = tpu.memref_squeeze %dma_start3A_156 : memref<1x1536x768xf32, #tpu.memory_space<vmem>> -> memref<1536x768xf32, #tpu.memory_space<vmem>>
      %dma_start3A_158 = arith.constant 0 : i32
      %dma_start3A_159 = arith.constant 0 : i32
      %dma_start3A_160 = tpu.memref_slice %arg4[%dma_start3A, %dma_start3A_158, %dma_start3A_159] : memref<8x1536x768xf32, #tpu.memory_space<any>> -> memref<1x1536x768xf32, #tpu.memory_space<any>>
      %dma_start3A_161 = tpu.memref_squeeze %dma_start3A_160 : memref<1x1536x768xf32, #tpu.memory_space<any>> -> memref<1536x768xf32, #tpu.memory_space<any>>
      tpu.enqueue_dma source(%dma_start3A_161 : memref<1536x768xf32, #tpu.memory_space<any>>) target(%dma_start3A_157 : memref<1536x768xf32, #tpu.memory_space<vmem>>) target_semaphore(%dma_start3A_153 : memref<!tpu.dma_semaphore, #tpu.memory_space<semaphore_mem>>)
      %dma_start3A_162 = arith.constant 1 : i32
      %dma_start3A_163 = arith.constant 1 : i32
      %dma_start3A_164 = arith.constant 1 : i32
      %dma_start3A_165 = tpu.memref_slice %arg13[%dma_start3A_164] : memref<2x!tpu.dma_semaphore, #tpu.memory_space<semaphore_mem>> -> memref<1x!tpu.dma_semaphore, #tpu.memory_space<semaphore_mem>>
      %dma_start3A_166 = tpu.memref_squeeze %dma_start3A_165 : memref<1x!tpu.dma_semaphore, #tpu.memory_space<semaphore_mem>> -> memref<!tpu.dma_semaphore, #tpu.memory_space<semaphore_mem>>
      %dma_start3A_167 = arith.constant 0 : i32
      %dma_start3A_168 = arith.constant 0 : i32
      %dma_start3A_169 = tpu.memref_slice %arg10[%dma_start3A_163, %dma_start3A_167, %dma_start3A_168] : memref<2x1536x768xf32, #tpu.memory_space<vmem>> -> memref<1x1536x768xf32, #tpu.memory_space<vmem>>
      %dma_start3A_170 = tpu.memref_squeeze %dma_start3A_169 : memref<1x1536x768xf32, #tpu.memory_space<vmem>> -> memref<1536x768xf32, #tpu.memory_space<vmem>>
      %dma_start3A_171 = arith.constant 0 : i32
      %dma_start3A_172 = arith.constant 0 : i32
      %dma_start3A_173 = tpu.memref_slice %arg5[%dma_start3A_162, %dma_start3A_171, %dma_start3A_172] : memref<8x1536x768xf32, #tpu.memory_space<any>> -> memref<1x1536x768xf32, #tpu.memory_space<any>>
      %dma_start3A_174 = tpu.memref_squeeze %dma_start3A_173 : memref<1x1536x768xf32, #tpu.memory_space<any>> -> memref<1536x768xf32, #tpu.memory_space<any>>
      tpu.enqueue_dma source(%dma_start3A_174 : memref<1536x768xf32, #tpu.memory_space<any>>) target(%dma_start3A_170 : memref<1536x768xf32, #tpu.memory_space<vmem>>) target_semaphore(%dma_start3A_166 : memref<!tpu.dma_semaphore, #tpu.memory_space<semaphore_mem>>)
      %dma_start3A_175 = arith.constant 1 : i32
      %dma_start3A_176 = arith.constant 1 : i32
      %dma_start3A_177 = arith.constant 1 : i32
      %dma_start3A_178 = tpu.memref_slice %arg14[%dma_start3A_177] : memref<2x!tpu.dma_semaphore, #tpu.memory_space<semaphore_mem>> -> memref<1x!tpu.dma_semaphore, #tpu.memory_space<semaphore_mem>>
      %dma_start3A_179 = tpu.memref_squeeze %dma_start3A_178 : memref<1x!tpu.dma_semaphore, #tpu.memory_space<semaphore_mem>> -> memref<!tpu.dma_semaphore, #tpu.memory_space<semaphore_mem>>
      %dma_start3A_180 = arith.constant 0 : i32
      %dma_start3A_181 = arith.constant 0 : i32
      %dma_start3A_182 = tpu.memref_slice %arg11[%dma_start3A_176, %dma_start3A_180, %dma_start3A_181] : memref<2x768x1536xf32, #tpu.memory_space<vmem>> -> memref<1x768x1536xf32, #tpu.memory_space<vmem>>
      %dma_start3A_183 = tpu.memref_squeeze %dma_start3A_182 : memref<1x768x1536xf32, #tpu.memory_space<vmem>> -> memref<768x1536xf32, #tpu.memory_space<vmem>>
      %dma_start3A_184 = arith.constant 0 : i32
      %dma_start3A_185 = arith.constant 0 : i32
      %dma_start3A_186 = tpu.memref_slice %arg6[%dma_start3A_175, %dma_start3A_184, %dma_start3A_185] : memref<8x768x1536xf32, #tpu.memory_space<any>> -> memref<1x768x1536xf32, #tpu.memory_space<any>>
      %dma_start3A_187 = tpu.memref_squeeze %dma_start3A_186 : memref<1x768x1536xf32, #tpu.memory_space<any>> -> memref<768x1536xf32, #tpu.memory_space<any>>
      tpu.enqueue_dma source(%dma_start3A_187 : memref<768x1536xf32, #tpu.memory_space<any>>) target(%dma_start3A_183 : memref<768x1536xf32, #tpu.memory_space<vmem>>) target_semaphore(%dma_start3A_179 : memref<!tpu.dma_semaphore, #tpu.memory_space<semaphore_mem>>)
    } else {
    }
    %le3A_31 = arith.constant 2 : i32
    %le3A_32 = arith.cmpi sle, %select_n3A, %le3A_31 : i32
    %gt3A_33 = arith.constant 2 : i32
    %gt3A_34 = arith.cmpi sgt, %min3A_11, %gt3A_33 : i32
    %and3A_35 = arith.andi %le3A_32, %gt3A_34 : i1
    %convert_element_type3A_36 = arith.extui %and3A_35 : i1 to i32
    %cond3A_37 = arith.constant 0 : i32
    %cond3A_38 = arith.cmpi ne, %convert_element_type3A_36, %cond3A_37 : i32
    scf.if %cond3A_38 {
      %dma_start3A = arith.constant 2 : i32
      %dma_start3A_150 = arith.constant 0 : i32
      %dma_start3A_151 = arith.constant 0 : i32
      %dma_start3A_152 = tpu.memref_slice %arg12[%dma_start3A_151] : memref<2x!tpu.dma_semaphore, #tpu.memory_space<semaphore_mem>> -> memref<1x!tpu.dma_semaphore, #tpu.memory_space<semaphore_mem>>
      %dma_start3A_153 = tpu.memref_squeeze %dma_start3A_152 : memref<1x!tpu.dma_semaphore, #tpu.memory_space<semaphore_mem>> -> memref<!tpu.dma_semaphore, #tpu.memory_space<semaphore_mem>>
      %dma_start3A_154 = arith.constant 0 : i32
      %dma_start3A_155 = arith.constant 0 : i32
      %dma_start3A_156 = tpu.memref_slice %arg9[%dma_start3A_150, %dma_start3A_154, %dma_start3A_155] : memref<2x1536x768xf32, #tpu.memory_space<vmem>> -> memref<1x1536x768xf32, #tpu.memory_space<vmem>>
      %dma_start3A_157 = tpu.memref_squeeze %dma_start3A_156 : memref<1x1536x768xf32, #tpu.memory_space<vmem>> -> memref<1536x768xf32, #tpu.memory_space<vmem>>
      %dma_start3A_158 = arith.constant 0 : i32
      %dma_start3A_159 = arith.constant 0 : i32
      %dma_start3A_160 = tpu.memref_slice %arg4[%dma_start3A, %dma_start3A_158, %dma_start3A_159] : memref<8x1536x768xf32, #tpu.memory_space<any>> -> memref<1x1536x768xf32, #tpu.memory_space<any>>
      %dma_start3A_161 = tpu.memref_squeeze %dma_start3A_160 : memref<1x1536x768xf32, #tpu.memory_space<any>> -> memref<1536x768xf32, #tpu.memory_space<any>>
      tpu.enqueue_dma source(%dma_start3A_161 : memref<1536x768xf32, #tpu.memory_space<any>>) target(%dma_start3A_157 : memref<1536x768xf32, #tpu.memory_space<vmem>>) target_semaphore(%dma_start3A_153 : memref<!tpu.dma_semaphore, #tpu.memory_space<semaphore_mem>>)
      %dma_start3A_162 = arith.constant 2 : i32
      %dma_start3A_163 = arith.constant 0 : i32
      %dma_start3A_164 = arith.constant 0 : i32
      %dma_start3A_165 = tpu.memref_slice %arg13[%dma_start3A_164] : memref<2x!tpu.dma_semaphore, #tpu.memory_space<semaphore_mem>> -> memref<1x!tpu.dma_semaphore, #tpu.memory_space<semaphore_mem>>
      %dma_start3A_166 = tpu.memref_squeeze %dma_start3A_165 : memref<1x!tpu.dma_semaphore, #tpu.memory_space<semaphore_mem>> -> memref<!tpu.dma_semaphore, #tpu.memory_space<semaphore_mem>>
      %dma_start3A_167 = arith.constant 0 : i32
      %dma_start3A_168 = arith.constant 0 : i32
      %dma_start3A_169 = tpu.memref_slice %arg10[%dma_start3A_163, %dma_start3A_167, %dma_start3A_168] : memref<2x1536x768xf32, #tpu.memory_space<vmem>> -> memref<1x1536x768xf32, #tpu.memory_space<vmem>>
      %dma_start3A_170 = tpu.memref_squeeze %dma_start3A_169 : memref<1x1536x768xf32, #tpu.memory_space<vmem>> -> memref<1536x768xf32, #tpu.memory_space<vmem>>
      %dma_start3A_171 = arith.constant 0 : i32
      %dma_start3A_172 = arith.constant 0 : i32
      %dma_start3A_173 = tpu.memref_slice %arg5[%dma_start3A_162, %dma_start3A_171, %dma_start3A_172] : memref<8x1536x768xf32, #tpu.memory_space<any>> -> memref<1x1536x768xf32, #tpu.memory_space<any>>
      %dma_start3A_174 = tpu.memref_squeeze %dma_start3A_173 : memref<1x1536x768xf32, #tpu.memory_space<any>> -> memref<1536x768xf32, #tpu.memory_space<any>>
      tpu.enqueue_dma source(%dma_start3A_174 : memref<1536x768xf32, #tpu.memory_space<any>>) target(%dma_start3A_170 : memref<1536x768xf32, #tpu.memory_space<vmem>>) target_semaphore(%dma_start3A_166 : memref<!tpu.dma_semaphore, #tpu.memory_space<semaphore_mem>>)
      %dma_start3A_175 = arith.constant 2 : i32
      %dma_start3A_176 = arith.constant 0 : i32
      %dma_start3A_177 = arith.constant 0 : i32
      %dma_start3A_178 = tpu.memref_slice %arg14[%dma_start3A_177] : memref<2x!tpu.dma_semaphore, #tpu.memory_space<semaphore_mem>> -> memref<1x!tpu.dma_semaphore, #tpu.memory_space<semaphore_mem>>
      %dma_start3A_179 = tpu.memref_squeeze %dma_start3A_178 : memref<1x!tpu.dma_semaphore, #tpu.memory_space<semaphore_mem>> -> memref<!tpu.dma_semaphore, #tpu.memory_space<semaphore_mem>>
      %dma_start3A_180 = arith.constant 0 : i32
      %dma_start3A_181 = arith.constant 0 : i32
      %dma_start3A_182 = tpu.memref_slice %arg11[%dma_start3A_176, %dma_start3A_180, %dma_start3A_181] : memref<2x768x1536xf32, #tpu.memory_space<vmem>> -> memref<1x768x1536xf32, #tpu.memory_space<vmem>>
      %dma_start3A_183 = tpu.memref_squeeze %dma_start3A_182 : memref<1x768x1536xf32, #tpu.memory_space<vmem>> -> memref<768x1536xf32, #tpu.memory_space<vmem>>
      %dma_start3A_184 = arith.constant 0 : i32
      %dma_start3A_185 = arith.constant 0 : i32
      %dma_start3A_186 = tpu.memref_slice %arg6[%dma_start3A_175, %dma_start3A_184, %dma_start3A_185] : memref<8x768x1536xf32, #tpu.memory_space<any>> -> memref<1x768x1536xf32, #tpu.memory_space<any>>
      %dma_start3A_187 = tpu.memref_squeeze %dma_start3A_186 : memref<1x768x1536xf32, #tpu.memory_space<any>> -> memref<768x1536xf32, #tpu.memory_space<any>>
      tpu.enqueue_dma source(%dma_start3A_187 : memref<768x1536xf32, #tpu.memory_space<any>>) target(%dma_start3A_183 : memref<768x1536xf32, #tpu.memory_space<vmem>>) target_semaphore(%dma_start3A_179 : memref<!tpu.dma_semaphore, #tpu.memory_space<semaphore_mem>>)
    } else {
    }
    %le3A_39 = arith.constant 3 : i32
    %le3A_40 = arith.cmpi sle, %select_n3A, %le3A_39 : i32
    %gt3A_41 = arith.constant 3 : i32
    %gt3A_42 = arith.cmpi sgt, %min3A_11, %gt3A_41 : i32
    %and3A_43 = arith.andi %le3A_40, %gt3A_42 : i1
    %convert_element_type3A_44 = arith.extui %and3A_43 : i1 to i32
    %cond3A_45 = arith.constant 0 : i32
    %cond3A_46 = arith.cmpi ne, %convert_element_type3A_44, %cond3A_45 : i32
    scf.if %cond3A_46 {
      %dma_start3A = arith.constant 3 : i32
      %dma_start3A_150 = arith.constant 1 : i32
      %dma_start3A_151 = arith.constant 1 : i32
      %dma_start3A_152 = tpu.memref_slice %arg12[%dma_start3A_151] : memref<2x!tpu.dma_semaphore, #tpu.memory_space<semaphore_mem>> -> memref<1x!tpu.dma_semaphore, #tpu.memory_space<semaphore_mem>>
      %dma_start3A_153 = tpu.memref_squeeze %dma_start3A_152 : memref<1x!tpu.dma_semaphore, #tpu.memory_space<semaphore_mem>> -> memref<!tpu.dma_semaphore, #tpu.memory_space<semaphore_mem>>
      %dma_start3A_154 = arith.constant 0 : i32
      %dma_start3A_155 = arith.constant 0 : i32
      %dma_start3A_156 = tpu.memref_slice %arg9[%dma_start3A_150, %dma_start3A_154, %dma_start3A_155] : memref<2x1536x768xf32, #tpu.memory_space<vmem>> -> memref<1x1536x768xf32, #tpu.memory_space<vmem>>
      %dma_start3A_157 = tpu.memref_squeeze %dma_start3A_156 : memref<1x1536x768xf32, #tpu.memory_space<vmem>> -> memref<1536x768xf32, #tpu.memory_space<vmem>>
      %dma_start3A_158 = arith.constant 0 : i32
      %dma_start3A_159 = arith.constant 0 : i32
      %dma_start3A_160 = tpu.memref_slice %arg4[%dma_start3A, %dma_start3A_158, %dma_start3A_159] : memref<8x1536x768xf32, #tpu.memory_space<any>> -> memref<1x1536x768xf32, #tpu.memory_space<any>>
      %dma_start3A_161 = tpu.memref_squeeze %dma_start3A_160 : memref<1x1536x768xf32, #tpu.memory_space<any>> -> memref<1536x768xf32, #tpu.memory_space<any>>
      tpu.enqueue_dma source(%dma_start3A_161 : memref<1536x768xf32, #tpu.memory_space<any>>) target(%dma_start3A_157 : memref<1536x768xf32, #tpu.memory_space<vmem>>) target_semaphore(%dma_start3A_153 : memref<!tpu.dma_semaphore, #tpu.memory_space<semaphore_mem>>)
      %dma_start3A_162 = arith.constant 3 : i32
      %dma_start3A_163 = arith.constant 1 : i32
      %dma_start3A_164 = arith.constant 1 : i32
      %dma_start3A_165 = tpu.memref_slice %arg13[%dma_start3A_164] : memref<2x!tpu.dma_semaphore, #tpu.memory_space<semaphore_mem>> -> memref<1x!tpu.dma_semaphore, #tpu.memory_space<semaphore_mem>>
      %dma_start3A_166 = tpu.memref_squeeze %dma_start3A_165 : memref<1x!tpu.dma_semaphore, #tpu.memory_space<semaphore_mem>> -> memref<!tpu.dma_semaphore, #tpu.memory_space<semaphore_mem>>
      %dma_start3A_167 = arith.constant 0 : i32
      %dma_start3A_168 = arith.constant 0 : i32
      %dma_start3A_169 = tpu.memref_slice %arg10[%dma_start3A_163, %dma_start3A_167, %dma_start3A_168] : memref<2x1536x768xf32, #tpu.memory_space<vmem>> -> memref<1x1536x768xf32, #tpu.memory_space<vmem>>
      %dma_start3A_170 = tpu.memref_squeeze %dma_start3A_169 : memref<1x1536x768xf32, #tpu.memory_space<vmem>> -> memref<1536x768xf32, #tpu.memory_space<vmem>>
      %dma_start3A_171 = arith.constant 0 : i32
      %dma_start3A_172 = arith.constant 0 : i32
      %dma_start3A_173 = tpu.memref_slice %arg5[%dma_start3A_162, %dma_start3A_171, %dma_start3A_172] : memref<8x1536x768xf32, #tpu.memory_space<any>> -> memref<1x1536x768xf32, #tpu.memory_space<any>>
      %dma_start3A_174 = tpu.memref_squeeze %dma_start3A_173 : memref<1x1536x768xf32, #tpu.memory_space<any>> -> memref<1536x768xf32, #tpu.memory_space<any>>
      tpu.enqueue_dma source(%dma_start3A_174 : memref<1536x768xf32, #tpu.memory_space<any>>) target(%dma_start3A_170 : memref<1536x768xf32, #tpu.memory_space<vmem>>) target_semaphore(%dma_start3A_166 : memref<!tpu.dma_semaphore, #tpu.memory_space<semaphore_mem>>)
      %dma_start3A_175 = arith.constant 3 : i32
      %dma_start3A_176 = arith.constant 1 : i32
      %dma_start3A_177 = arith.constant 1 : i32
      %dma_start3A_178 = tpu.memref_slice %arg14[%dma_start3A_177] : memref<2x!tpu.dma_semaphore, #tpu.memory_space<semaphore_mem>> -> memref<1x!tpu.dma_semaphore, #tpu.memory_space<semaphore_mem>>
      %dma_start3A_179 = tpu.memref_squeeze %dma_start3A_178 : memref<1x!tpu.dma_semaphore, #tpu.memory_space<semaphore_mem>> -> memref<!tpu.dma_semaphore, #tpu.memory_space<semaphore_mem>>
      %dma_start3A_180 = arith.constant 0 : i32
      %dma_start3A_181 = arith.constant 0 : i32
      %dma_start3A_182 = tpu.memref_slice %arg11[%dma_start3A_176, %dma_start3A_180, %dma_start3A_181] : memref<2x768x1536xf32, #tpu.memory_space<vmem>> -> memref<1x768x1536xf32, #tpu.memory_space<vmem>>
      %dma_start3A_183 = tpu.memref_squeeze %dma_start3A_182 : memref<1x768x1536xf32, #tpu.memory_space<vmem>> -> memref<768x1536xf32, #tpu.memory_space<vmem>>
      %dma_start3A_184 = arith.constant 0 : i32
      %dma_start3A_185 = arith.constant 0 : i32
      %dma_start3A_186 = tpu.memref_slice %arg6[%dma_start3A_175, %dma_start3A_184, %dma_start3A_185] : memref<8x768x1536xf32, #tpu.memory_space<any>> -> memref<1x768x1536xf32, #tpu.memory_space<any>>
      %dma_start3A_187 = tpu.memref_squeeze %dma_start3A_186 : memref<1x768x1536xf32, #tpu.memory_space<any>> -> memref<768x1536xf32, #tpu.memory_space<any>>
      tpu.enqueue_dma source(%dma_start3A_187 : memref<768x1536xf32, #tpu.memory_space<any>>) target(%dma_start3A_183 : memref<768x1536xf32, #tpu.memory_space<vmem>>) target_semaphore(%dma_start3A_179 : memref<!tpu.dma_semaphore, #tpu.memory_space<semaphore_mem>>)
    } else {
    }
    %le3A_47 = arith.constant 4 : i32
    %le3A_48 = arith.cmpi sle, %select_n3A, %le3A_47 : i32
    %gt3A_49 = arith.constant 4 : i32
    %gt3A_50 = arith.cmpi sgt, %min3A_11, %gt3A_49 : i32
    %and3A_51 = arith.andi %le3A_48, %gt3A_50 : i1
    %convert_element_type3A_52 = arith.extui %and3A_51 : i1 to i32
    %cond3A_53 = arith.constant 0 : i32
    %cond3A_54 = arith.cmpi ne, %convert_element_type3A_52, %cond3A_53 : i32
    scf.if %cond3A_54 {
      %dma_start3A = arith.constant 4 : i32
      %dma_start3A_150 = arith.constant 0 : i32
      %dma_start3A_151 = arith.constant 0 : i32
      %dma_start3A_152 = tpu.memref_slice %arg12[%dma_start3A_151] : memref<2x!tpu.dma_semaphore, #tpu.memory_space<semaphore_mem>> -> memref<1x!tpu.dma_semaphore, #tpu.memory_space<semaphore_mem>>
      %dma_start3A_153 = tpu.memref_squeeze %dma_start3A_152 : memref<1x!tpu.dma_semaphore, #tpu.memory_space<semaphore_mem>> -> memref<!tpu.dma_semaphore, #tpu.memory_space<semaphore_mem>>
      %dma_start3A_154 = arith.constant 0 : i32
      %dma_start3A_155 = arith.constant 0 : i32
      %dma_start3A_156 = tpu.memref_slice %arg9[%dma_start3A_150, %dma_start3A_154, %dma_start3A_155] : memref<2x1536x768xf32, #tpu.memory_space<vmem>> -> memref<1x1536x768xf32, #tpu.memory_space<vmem>>
      %dma_start3A_157 = tpu.memref_squeeze %dma_start3A_156 : memref<1x1536x768xf32, #tpu.memory_space<vmem>> -> memref<1536x768xf32, #tpu.memory_space<vmem>>
      %dma_start3A_158 = arith.constant 0 : i32
      %dma_start3A_159 = arith.constant 0 : i32
      %dma_start3A_160 = tpu.memref_slice %arg4[%dma_start3A, %dma_start3A_158, %dma_start3A_159] : memref<8x1536x768xf32, #tpu.memory_space<any>> -> memref<1x1536x768xf32, #tpu.memory_space<any>>
      %dma_start3A_161 = tpu.memref_squeeze %dma_start3A_160 : memref<1x1536x768xf32, #tpu.memory_space<any>> -> memref<1536x768xf32, #tpu.memory_space<any>>
      tpu.enqueue_dma source(%dma_start3A_161 : memref<1536x768xf32, #tpu.memory_space<any>>) target(%dma_start3A_157 : memref<1536x768xf32, #tpu.memory_space<vmem>>) target_semaphore(%dma_start3A_153 : memref<!tpu.dma_semaphore, #tpu.memory_space<semaphore_mem>>)
      %dma_start3A_162 = arith.constant 4 : i32
      %dma_start3A_163 = arith.constant 0 : i32
      %dma_start3A_164 = arith.constant 0 : i32
      %dma_start3A_165 = tpu.memref_slice %arg13[%dma_start3A_164] : memref<2x!tpu.dma_semaphore, #tpu.memory_space<semaphore_mem>> -> memref<1x!tpu.dma_semaphore, #tpu.memory_space<semaphore_mem>>
      %dma_start3A_166 = tpu.memref_squeeze %dma_start3A_165 : memref<1x!tpu.dma_semaphore, #tpu.memory_space<semaphore_mem>> -> memref<!tpu.dma_semaphore, #tpu.memory_space<semaphore_mem>>
      %dma_start3A_167 = arith.constant 0 : i32
      %dma_start3A_168 = arith.constant 0 : i32
      %dma_start3A_169 = tpu.memref_slice %arg10[%dma_start3A_163, %dma_start3A_167, %dma_start3A_168] : memref<2x1536x768xf32, #tpu.memory_space<vmem>> -> memref<1x1536x768xf32, #tpu.memory_space<vmem>>
      %dma_start3A_170 = tpu.memref_squeeze %dma_start3A_169 : memref<1x1536x768xf32, #tpu.memory_space<vmem>> -> memref<1536x768xf32, #tpu.memory_space<vmem>>
      %dma_start3A_171 = arith.constant 0 : i32
      %dma_start3A_172 = arith.constant 0 : i32
      %dma_start3A_173 = tpu.memref_slice %arg5[%dma_start3A_162, %dma_start3A_171, %dma_start3A_172] : memref<8x1536x768xf32, #tpu.memory_space<any>> -> memref<1x1536x768xf32, #tpu.memory_space<any>>
      %dma_start3A_174 = tpu.memref_squeeze %dma_start3A_173 : memref<1x1536x768xf32, #tpu.memory_space<any>> -> memref<1536x768xf32, #tpu.memory_space<any>>
      tpu.enqueue_dma source(%dma_start3A_174 : memref<1536x768xf32, #tpu.memory_space<any>>) target(%dma_start3A_170 : memref<1536x768xf32, #tpu.memory_space<vmem>>) target_semaphore(%dma_start3A_166 : memref<!tpu.dma_semaphore, #tpu.memory_space<semaphore_mem>>)
      %dma_start3A_175 = arith.constant 4 : i32
      %dma_start3A_176 = arith.constant 0 : i32
      %dma_start3A_177 = arith.constant 0 : i32
      %dma_start3A_178 = tpu.memref_slice %arg14[%dma_start3A_177] : memref<2x!tpu.dma_semaphore, #tpu.memory_space<semaphore_mem>> -> memref<1x!tpu.dma_semaphore, #tpu.memory_space<semaphore_mem>>
      %dma_start3A_179 = tpu.memref_squeeze %dma_start3A_178 : memref<1x!tpu.dma_semaphore, #tpu.memory_space<semaphore_mem>> -> memref<!tpu.dma_semaphore, #tpu.memory_space<semaphore_mem>>
      %dma_start3A_180 = arith.constant 0 : i32
      %dma_start3A_181 = arith.constant 0 : i32
      %dma_start3A_182 = tpu.memref_slice %arg11[%dma_start3A_176, %dma_start3A_180, %dma_start3A_181] : memref<2x768x1536xf32, #tpu.memory_space<vmem>> -> memref<1x768x1536xf32, #tpu.memory_space<vmem>>
      %dma_start3A_183 = tpu.memref_squeeze %dma_start3A_182 : memref<1x768x1536xf32, #tpu.memory_space<vmem>> -> memref<768x1536xf32, #tpu.memory_space<vmem>>
      %dma_start3A_184 = arith.constant 0 : i32
      %dma_start3A_185 = arith.constant 0 : i32
      %dma_start3A_186 = tpu.memref_slice %arg6[%dma_start3A_175, %dma_start3A_184, %dma_start3A_185] : memref<8x768x1536xf32, #tpu.memory_space<any>> -> memref<1x768x1536xf32, #tpu.memory_space<any>>
      %dma_start3A_187 = tpu.memref_squeeze %dma_start3A_186 : memref<1x768x1536xf32, #tpu.memory_space<any>> -> memref<768x1536xf32, #tpu.memory_space<any>>
      tpu.enqueue_dma source(%dma_start3A_187 : memref<768x1536xf32, #tpu.memory_space<any>>) target(%dma_start3A_183 : memref<768x1536xf32, #tpu.memory_space<vmem>>) target_semaphore(%dma_start3A_179 : memref<!tpu.dma_semaphore, #tpu.memory_space<semaphore_mem>>)
    } else {
    }
    %le3A_55 = arith.constant 5 : i32
    %le3A_56 = arith.cmpi sle, %select_n3A, %le3A_55 : i32
    %gt3A_57 = arith.constant 5 : i32
    %gt3A_58 = arith.cmpi sgt, %min3A_11, %gt3A_57 : i32
    %and3A_59 = arith.andi %le3A_56, %gt3A_58 : i1
    %convert_element_type3A_60 = arith.extui %and3A_59 : i1 to i32
    %cond3A_61 = arith.constant 0 : i32
    %cond3A_62 = arith.cmpi ne, %convert_element_type3A_60, %cond3A_61 : i32
    scf.if %cond3A_62 {
      %dma_start3A = arith.constant 5 : i32
      %dma_start3A_150 = arith.constant 1 : i32
      %dma_start3A_151 = arith.constant 1 : i32
      %dma_start3A_152 = tpu.memref_slice %arg12[%dma_start3A_151] : memref<2x!tpu.dma_semaphore, #tpu.memory_space<semaphore_mem>> -> memref<1x!tpu.dma_semaphore, #tpu.memory_space<semaphore_mem>>
      %dma_start3A_153 = tpu.memref_squeeze %dma_start3A_152 : memref<1x!tpu.dma_semaphore, #tpu.memory_space<semaphore_mem>> -> memref<!tpu.dma_semaphore, #tpu.memory_space<semaphore_mem>>
      %dma_start3A_154 = arith.constant 0 : i32
      %dma_start3A_155 = arith.constant 0 : i32
      %dma_start3A_156 = tpu.memref_slice %arg9[%dma_start3A_150, %dma_start3A_154, %dma_start3A_155] : memref<2x1536x768xf32, #tpu.memory_space<vmem>> -> memref<1x1536x768xf32, #tpu.memory_space<vmem>>
      %dma_start3A_157 = tpu.memref_squeeze %dma_start3A_156 : memref<1x1536x768xf32, #tpu.memory_space<vmem>> -> memref<1536x768xf32, #tpu.memory_space<vmem>>
      %dma_start3A_158 = arith.constant 0 : i32
      %dma_start3A_159 = arith.constant 0 : i32
      %dma_start3A_160 = tpu.memref_slice %arg4[%dma_start3A, %dma_start3A_158, %dma_start3A_159] : memref<8x1536x768xf32, #tpu.memory_space<any>> -> memref<1x1536x768xf32, #tpu.memory_space<any>>
      %dma_start3A_161 = tpu.memref_squeeze %dma_start3A_160 : memref<1x1536x768xf32, #tpu.memory_space<any>> -> memref<1536x768xf32, #tpu.memory_space<any>>
      tpu.enqueue_dma source(%dma_start3A_161 : memref<1536x768xf32, #tpu.memory_space<any>>) target(%dma_start3A_157 : memref<1536x768xf32, #tpu.memory_space<vmem>>) target_semaphore(%dma_start3A_153 : memref<!tpu.dma_semaphore, #tpu.memory_space<semaphore_mem>>)
      %dma_start3A_162 = arith.constant 5 : i32
      %dma_start3A_163 = arith.constant 1 : i32
      %dma_start3A_164 = arith.constant 1 : i32
      %dma_start3A_165 = tpu.memref_slice %arg13[%dma_start3A_164] : memref<2x!tpu.dma_semaphore, #tpu.memory_space<semaphore_mem>> -> memref<1x!tpu.dma_semaphore, #tpu.memory_space<semaphore_mem>>
      %dma_start3A_166 = tpu.memref_squeeze %dma_start3A_165 : memref<1x!tpu.dma_semaphore, #tpu.memory_space<semaphore_mem>> -> memref<!tpu.dma_semaphore, #tpu.memory_space<semaphore_mem>>
      %dma_start3A_167 = arith.constant 0 : i32
      %dma_start3A_168 = arith.constant 0 : i32
      %dma_start3A_169 = tpu.memref_slice %arg10[%dma_start3A_163, %dma_start3A_167, %dma_start3A_168] : memref<2x1536x768xf32, #tpu.memory_space<vmem>> -> memref<1x1536x768xf32, #tpu.memory_space<vmem>>
      %dma_start3A_170 = tpu.memref_squeeze %dma_start3A_169 : memref<1x1536x768xf32, #tpu.memory_space<vmem>> -> memref<1536x768xf32, #tpu.memory_space<vmem>>
      %dma_start3A_171 = arith.constant 0 : i32
      %dma_start3A_172 = arith.constant 0 : i32
      %dma_start3A_173 = tpu.memref_slice %arg5[%dma_start3A_162, %dma_start3A_171, %dma_start3A_172] : memref<8x1536x768xf32, #tpu.memory_space<any>> -> memref<1x1536x768xf32, #tpu.memory_space<any>>
      %dma_start3A_174 = tpu.memref_squeeze %dma_start3A_173 : memref<1x1536x768xf32, #tpu.memory_space<any>> -> memref<1536x768xf32, #tpu.memory_space<any>>
      tpu.enqueue_dma source(%dma_start3A_174 : memref<1536x768xf32, #tpu.memory_space<any>>) target(%dma_start3A_170 : memref<1536x768xf32, #tpu.memory_space<vmem>>) target_semaphore(%dma_start3A_166 : memref<!tpu.dma_semaphore, #tpu.memory_space<semaphore_mem>>)
      %dma_start3A_175 = arith.constant 5 : i32
      %dma_start3A_176 = arith.constant 1 : i32
      %dma_start3A_177 = arith.constant 1 : i32
      %dma_start3A_178 = tpu.memref_slice %arg14[%dma_start3A_177] : memref<2x!tpu.dma_semaphore, #tpu.memory_space<semaphore_mem>> -> memref<1x!tpu.dma_semaphore, #tpu.memory_space<semaphore_mem>>
      %dma_start3A_179 = tpu.memref_squeeze %dma_start3A_178 : memref<1x!tpu.dma_semaphore, #tpu.memory_space<semaphore_mem>> -> memref<!tpu.dma_semaphore, #tpu.memory_space<semaphore_mem>>
      %dma_start3A_180 = arith.constant 0 : i32
      %dma_start3A_181 = arith.constant 0 : i32
      %dma_start3A_182 = tpu.memref_slice %arg11[%dma_start3A_176, %dma_start3A_180, %dma_start3A_181] : memref<2x768x1536xf32, #tpu.memory_space<vmem>> -> memref<1x768x1536xf32, #tpu.memory_space<vmem>>
      %dma_start3A_183 = tpu.memref_squeeze %dma_start3A_182 : memref<1x768x1536xf32, #tpu.memory_space<vmem>> -> memref<768x1536xf32, #tpu.memory_space<vmem>>
      %dma_start3A_184 = arith.constant 0 : i32
      %dma_start3A_185 = arith.constant 0 : i32
      %dma_start3A_186 = tpu.memref_slice %arg6[%dma_start3A_175, %dma_start3A_184, %dma_start3A_185] : memref<8x768x1536xf32, #tpu.memory_space<any>> -> memref<1x768x1536xf32, #tpu.memory_space<any>>
      %dma_start3A_187 = tpu.memref_squeeze %dma_start3A_186 : memref<1x768x1536xf32, #tpu.memory_space<any>> -> memref<768x1536xf32, #tpu.memory_space<any>>
      tpu.enqueue_dma source(%dma_start3A_187 : memref<768x1536xf32, #tpu.memory_space<any>>) target(%dma_start3A_183 : memref<768x1536xf32, #tpu.memory_space<vmem>>) target_semaphore(%dma_start3A_179 : memref<!tpu.dma_semaphore, #tpu.memory_space<semaphore_mem>>)
    } else {
    }
    %le3A_63 = arith.constant 6 : i32
    %le3A_64 = arith.cmpi sle, %select_n3A, %le3A_63 : i32
    %gt3A_65 = arith.constant 6 : i32
    %gt3A_66 = arith.cmpi sgt, %min3A_11, %gt3A_65 : i32
    %and3A_67 = arith.andi %le3A_64, %gt3A_66 : i1
    %convert_element_type3A_68 = arith.extui %and3A_67 : i1 to i32
    %cond3A_69 = arith.constant 0 : i32
    %cond3A_70 = arith.cmpi ne, %convert_element_type3A_68, %cond3A_69 : i32
    scf.if %cond3A_70 {
      %dma_start3A = arith.constant 6 : i32
      %dma_start3A_150 = arith.constant 0 : i32
      %dma_start3A_151 = arith.constant 0 : i32
      %dma_start3A_152 = tpu.memref_slice %arg12[%dma_start3A_151] : memref<2x!tpu.dma_semaphore, #tpu.memory_space<semaphore_mem>> -> memref<1x!tpu.dma_semaphore, #tpu.memory_space<semaphore_mem>>
      %dma_start3A_153 = tpu.memref_squeeze %dma_start3A_152 : memref<1x!tpu.dma_semaphore, #tpu.memory_space<semaphore_mem>> -> memref<!tpu.dma_semaphore, #tpu.memory_space<semaphore_mem>>
      %dma_start3A_154 = arith.constant 0 : i32
      %dma_start3A_155 = arith.constant 0 : i32
      %dma_start3A_156 = tpu.memref_slice %arg9[%dma_start3A_150, %dma_start3A_154, %dma_start3A_155] : memref<2x1536x768xf32, #tpu.memory_space<vmem>> -> memref<1x1536x768xf32, #tpu.memory_space<vmem>>
      %dma_start3A_157 = tpu.memref_squeeze %dma_start3A_156 : memref<1x1536x768xf32, #tpu.memory_space<vmem>> -> memref<1536x768xf32, #tpu.memory_space<vmem>>
      %dma_start3A_158 = arith.constant 0 : i32
      %dma_start3A_159 = arith.constant 0 : i32
      %dma_start3A_160 = tpu.memref_slice %arg4[%dma_start3A, %dma_start3A_158, %dma_start3A_159] : memref<8x1536x768xf32, #tpu.memory_space<any>> -> memref<1x1536x768xf32, #tpu.memory_space<any>>
      %dma_start3A_161 = tpu.memref_squeeze %dma_start3A_160 : memref<1x1536x768xf32, #tpu.memory_space<any>> -> memref<1536x768xf32, #tpu.memory_space<any>>
      tpu.enqueue_dma source(%dma_start3A_161 : memref<1536x768xf32, #tpu.memory_space<any>>) target(%dma_start3A_157 : memref<1536x768xf32, #tpu.memory_space<vmem>>) target_semaphore(%dma_start3A_153 : memref<!tpu.dma_semaphore, #tpu.memory_space<semaphore_mem>>)
      %dma_start3A_162 = arith.constant 6 : i32
      %dma_start3A_163 = arith.constant 0 : i32
      %dma_start3A_164 = arith.constant 0 : i32
      %dma_start3A_165 = tpu.memref_slice %arg13[%dma_start3A_164] : memref<2x!tpu.dma_semaphore, #tpu.memory_space<semaphore_mem>> -> memref<1x!tpu.dma_semaphore, #tpu.memory_space<semaphore_mem>>
      %dma_start3A_166 = tpu.memref_squeeze %dma_start3A_165 : memref<1x!tpu.dma_semaphore, #tpu.memory_space<semaphore_mem>> -> memref<!tpu.dma_semaphore, #tpu.memory_space<semaphore_mem>>
      %dma_start3A_167 = arith.constant 0 : i32
      %dma_start3A_168 = arith.constant 0 : i32
      %dma_start3A_169 = tpu.memref_slice %arg10[%dma_start3A_163, %dma_start3A_167, %dma_start3A_168] : memref<2x1536x768xf32, #tpu.memory_space<vmem>> -> memref<1x1536x768xf32, #tpu.memory_space<vmem>>
      %dma_start3A_170 = tpu.memref_squeeze %dma_start3A_169 : memref<1x1536x768xf32, #tpu.memory_space<vmem>> -> memref<1536x768xf32, #tpu.memory_space<vmem>>
      %dma_start3A_171 = arith.constant 0 : i32
      %dma_start3A_172 = arith.constant 0 : i32
      %dma_start3A_173 = tpu.memref_slice %arg5[%dma_start3A_162, %dma_start3A_171, %dma_start3A_172] : memref<8x1536x768xf32, #tpu.memory_space<any>> -> memref<1x1536x768xf32, #tpu.memory_space<any>>
      %dma_start3A_174 = tpu.memref_squeeze %dma_start3A_173 : memref<1x1536x768xf32, #tpu.memory_space<any>> -> memref<1536x768xf32, #tpu.memory_space<any>>
      tpu.enqueue_dma source(%dma_start3A_174 : memref<1536x768xf32, #tpu.memory_space<any>>) target(%dma_start3A_170 : memref<1536x768xf32, #tpu.memory_space<vmem>>) target_semaphore(%dma_start3A_166 : memref<!tpu.dma_semaphore, #tpu.memory_space<semaphore_mem>>)
      %dma_start3A_175 = arith.constant 6 : i32
      %dma_start3A_176 = arith.constant 0 : i32
      %dma_start3A_177 = arith.constant 0 : i32
      %dma_start3A_178 = tpu.memref_slice %arg14[%dma_start3A_177] : memref<2x!tpu.dma_semaphore, #tpu.memory_space<semaphore_mem>> -> memref<1x!tpu.dma_semaphore, #tpu.memory_space<semaphore_mem>>
      %dma_start3A_179 = tpu.memref_squeeze %dma_start3A_178 : memref<1x!tpu.dma_semaphore, #tpu.memory_space<semaphore_mem>> -> memref<!tpu.dma_semaphore, #tpu.memory_space<semaphore_mem>>
      %dma_start3A_180 = arith.constant 0 : i32
      %dma_start3A_181 = arith.constant 0 : i32
      %dma_start3A_182 = tpu.memref_slice %arg11[%dma_start3A_176, %dma_start3A_180, %dma_start3A_181] : memref<2x768x1536xf32, #tpu.memory_space<vmem>> -> memref<1x768x1536xf32, #tpu.memory_space<vmem>>
      %dma_start3A_183 = tpu.memref_squeeze %dma_start3A_182 : memref<1x768x1536xf32, #tpu.memory_space<vmem>> -> memref<768x1536xf32, #tpu.memory_space<vmem>>
      %dma_start3A_184 = arith.constant 0 : i32
      %dma_start3A_185 = arith.constant 0 : i32
      %dma_start3A_186 = tpu.memref_slice %arg6[%dma_start3A_175, %dma_start3A_184, %dma_start3A_185] : memref<8x768x1536xf32, #tpu.memory_space<any>> -> memref<1x768x1536xf32, #tpu.memory_space<any>>
      %dma_start3A_187 = tpu.memref_squeeze %dma_start3A_186 : memref<1x768x1536xf32, #tpu.memory_space<any>> -> memref<768x1536xf32, #tpu.memory_space<any>>
      tpu.enqueue_dma source(%dma_start3A_187 : memref<768x1536xf32, #tpu.memory_space<any>>) target(%dma_start3A_183 : memref<768x1536xf32, #tpu.memory_space<vmem>>) target_semaphore(%dma_start3A_179 : memref<!tpu.dma_semaphore, #tpu.memory_space<semaphore_mem>>)
    } else {
    }
    %le3A_71 = arith.constant 7 : i32
    %le3A_72 = arith.cmpi sle, %select_n3A, %le3A_71 : i32
    %gt3A_73 = arith.constant 7 : i32
    %gt3A_74 = arith.cmpi sgt, %min3A_11, %gt3A_73 : i32
    %and3A_75 = arith.andi %le3A_72, %gt3A_74 : i1
    %convert_element_type3A_76 = arith.extui %and3A_75 : i1 to i32
    %cond3A_77 = arith.constant 0 : i32
    %cond3A_78 = arith.cmpi ne, %convert_element_type3A_76, %cond3A_77 : i32
    scf.if %cond3A_78 {
      %dma_start3A = arith.constant 7 : i32
      %dma_start3A_150 = arith.constant 1 : i32
      %dma_start3A_151 = arith.constant 1 : i32
      %dma_start3A_152 = tpu.memref_slice %arg12[%dma_start3A_151] : memref<2x!tpu.dma_semaphore, #tpu.memory_space<semaphore_mem>> -> memref<1x!tpu.dma_semaphore, #tpu.memory_space<semaphore_mem>>
      %dma_start3A_153 = tpu.memref_squeeze %dma_start3A_152 : memref<1x!tpu.dma_semaphore, #tpu.memory_space<semaphore_mem>> -> memref<!tpu.dma_semaphore, #tpu.memory_space<semaphore_mem>>
      %dma_start3A_154 = arith.constant 0 : i32
      %dma_start3A_155 = arith.constant 0 : i32
      %dma_start3A_156 = tpu.memref_slice %arg9[%dma_start3A_150, %dma_start3A_154, %dma_start3A_155] : memref<2x1536x768xf32, #tpu.memory_space<vmem>> -> memref<1x1536x768xf32, #tpu.memory_space<vmem>>
      %dma_start3A_157 = tpu.memref_squeeze %dma_start3A_156 : memref<1x1536x768xf32, #tpu.memory_space<vmem>> -> memref<1536x768xf32, #tpu.memory_space<vmem>>
      %dma_start3A_158 = arith.constant 0 : i32
      %dma_start3A_159 = arith.constant 0 : i32
      %dma_start3A_160 = tpu.memref_slice %arg4[%dma_start3A, %dma_start3A_158, %dma_start3A_159] : memref<8x1536x768xf32, #tpu.memory_space<any>> -> memref<1x1536x768xf32, #tpu.memory_space<any>>
      %dma_start3A_161 = tpu.memref_squeeze %dma_start3A_160 : memref<1x1536x768xf32, #tpu.memory_space<any>> -> memref<1536x768xf32, #tpu.memory_space<any>>
      tpu.enqueue_dma source(%dma_start3A_161 : memref<1536x768xf32, #tpu.memory_space<any>>) target(%dma_start3A_157 : memref<1536x768xf32, #tpu.memory_space<vmem>>) target_semaphore(%dma_start3A_153 : memref<!tpu.dma_semaphore, #tpu.memory_space<semaphore_mem>>)
      %dma_start3A_162 = arith.constant 7 : i32
      %dma_start3A_163 = arith.constant 1 : i32
      %dma_start3A_164 = arith.constant 1 : i32
      %dma_start3A_165 = tpu.memref_slice %arg13[%dma_start3A_164] : memref<2x!tpu.dma_semaphore, #tpu.memory_space<semaphore_mem>> -> memref<1x!tpu.dma_semaphore, #tpu.memory_space<semaphore_mem>>
      %dma_start3A_166 = tpu.memref_squeeze %dma_start3A_165 : memref<1x!tpu.dma_semaphore, #tpu.memory_space<semaphore_mem>> -> memref<!tpu.dma_semaphore, #tpu.memory_space<semaphore_mem>>
      %dma_start3A_167 = arith.constant 0 : i32
      %dma_start3A_168 = arith.constant 0 : i32
      %dma_start3A_169 = tpu.memref_slice %arg10[%dma_start3A_163, %dma_start3A_167, %dma_start3A_168] : memref<2x1536x768xf32, #tpu.memory_space<vmem>> -> memref<1x1536x768xf32, #tpu.memory_space<vmem>>
      %dma_start3A_170 = tpu.memref_squeeze %dma_start3A_169 : memref<1x1536x768xf32, #tpu.memory_space<vmem>> -> memref<1536x768xf32, #tpu.memory_space<vmem>>
      %dma_start3A_171 = arith.constant 0 : i32
      %dma_start3A_172 = arith.constant 0 : i32
      %dma_start3A_173 = tpu.memref_slice %arg5[%dma_start3A_162, %dma_start3A_171, %dma_start3A_172] : memref<8x1536x768xf32, #tpu.memory_space<any>> -> memref<1x1536x768xf32, #tpu.memory_space<any>>
      %dma_start3A_174 = tpu.memref_squeeze %dma_start3A_173 : memref<1x1536x768xf32, #tpu.memory_space<any>> -> memref<1536x768xf32, #tpu.memory_space<any>>
      tpu.enqueue_dma source(%dma_start3A_174 : memref<1536x768xf32, #tpu.memory_space<any>>) target(%dma_start3A_170 : memref<1536x768xf32, #tpu.memory_space<vmem>>) target_semaphore(%dma_start3A_166 : memref<!tpu.dma_semaphore, #tpu.memory_space<semaphore_mem>>)
      %dma_start3A_175 = arith.constant 7 : i32
      %dma_start3A_176 = arith.constant 1 : i32
      %dma_start3A_177 = arith.constant 1 : i32
      %dma_start3A_178 = tpu.memref_slice %arg14[%dma_start3A_177] : memref<2x!tpu.dma_semaphore, #tpu.memory_space<semaphore_mem>> -> memref<1x!tpu.dma_semaphore, #tpu.memory_space<semaphore_mem>>
      %dma_start3A_179 = tpu.memref_squeeze %dma_start3A_178 : memref<1x!tpu.dma_semaphore, #tpu.memory_space<semaphore_mem>> -> memref<!tpu.dma_semaphore, #tpu.memory_space<semaphore_mem>>
      %dma_start3A_180 = arith.constant 0 : i32
      %dma_start3A_181 = arith.constant 0 : i32
      %dma_start3A_182 = tpu.memref_slice %arg11[%dma_start3A_176, %dma_start3A_180, %dma_start3A_181] : memref<2x768x1536xf32, #tpu.memory_space<vmem>> -> memref<1x768x1536xf32, #tpu.memory_space<vmem>>
      %dma_start3A_183 = tpu.memref_squeeze %dma_start3A_182 : memref<1x768x1536xf32, #tpu.memory_space<vmem>> -> memref<768x1536xf32, #tpu.memory_space<vmem>>
      %dma_start3A_184 = arith.constant 0 : i32
      %dma_start3A_185 = arith.constant 0 : i32
      %dma_start3A_186 = tpu.memref_slice %arg6[%dma_start3A_175, %dma_start3A_184, %dma_start3A_185] : memref<8x768x1536xf32, #tpu.memory_space<any>> -> memref<1x768x1536xf32, #tpu.memory_space<any>>
      %dma_start3A_187 = tpu.memref_squeeze %dma_start3A_186 : memref<1x768x1536xf32, #tpu.memory_space<any>> -> memref<768x1536xf32, #tpu.memory_space<any>>
      tpu.enqueue_dma source(%dma_start3A_187 : memref<768x1536xf32, #tpu.memory_space<any>>) target(%dma_start3A_183 : memref<768x1536xf32, #tpu.memory_space<vmem>>) target_semaphore(%dma_start3A_179 : memref<!tpu.dma_semaphore, #tpu.memory_space<semaphore_mem>>)
    } else {
    }
    %le3A_79 = arith.constant 0 : i32
    %le3A_80 = arith.cmpi sle, %select_n3A_17, %le3A_79 : i32
    %gt3A_81 = arith.constant 0 : i32
    %gt3A_82 = arith.cmpi sgt, %add3A_19, %gt3A_81 : i32
    %and3A_83 = arith.andi %le3A_80, %gt3A_82 : i1
    %convert_element_type3A_84 = arith.extui %and3A_83 : i1 to i32
    %cond3A_85 = arith.constant 0 : i32
    %cond3A_86 = arith.cmpi ne, %convert_element_type3A_84, %cond3A_85 : i32
    scf.if %cond3A_86 {
      %dma_wait3A = arith.constant 0 : i32
      %dma_wait3A_150 = arith.constant 0 : i32
      %dma_wait3A_151 = arith.constant 0 : i32
      %dma_wait3A_152 = tpu.memref_slice %arg12[%dma_wait3A_151] : memref<2x!tpu.dma_semaphore, #tpu.memory_space<semaphore_mem>> -> memref<1x!tpu.dma_semaphore, #tpu.memory_space<semaphore_mem>>
      %dma_wait3A_153 = tpu.memref_squeeze %dma_wait3A_152 : memref<1x!tpu.dma_semaphore, #tpu.memory_space<semaphore_mem>> -> memref<!tpu.dma_semaphore, #tpu.memory_space<semaphore_mem>>
      %dma_wait3A_154 = arith.constant 0 : i32
      %dma_wait3A_155 = arith.constant 0 : i32
      %dma_wait3A_156 = tpu.memref_slice %arg9[%dma_wait3A_150, %dma_wait3A_154, %dma_wait3A_155] : memref<2x1536x768xf32, #tpu.memory_space<vmem>> -> memref<1x1536x768xf32, #tpu.memory_space<vmem>>
      %dma_wait3A_157 = tpu.memref_squeeze %dma_wait3A_156 : memref<1x1536x768xf32, #tpu.memory_space<vmem>> -> memref<1536x768xf32, #tpu.memory_space<vmem>>
      %dma_wait3A_158 = arith.constant 0 : i32
      %dma_wait3A_159 = arith.constant 0 : i32
      %dma_wait3A_160 = tpu.memref_slice %arg4[%dma_wait3A, %dma_wait3A_158, %dma_wait3A_159] : memref<8x1536x768xf32, #tpu.memory_space<any>> -> memref<1x1536x768xf32, #tpu.memory_space<any>>
      %dma_wait3A_161 = tpu.memref_squeeze %dma_wait3A_160 : memref<1x1536x768xf32, #tpu.memory_space<any>> -> memref<1536x768xf32, #tpu.memory_space<any>>
      tpu.wait_dma2 semaphore(%dma_wait3A_153 : memref<!tpu.dma_semaphore, #tpu.memory_space<semaphore_mem>>) src(%dma_wait3A_161 : memref<1536x768xf32, #tpu.memory_space<any>>) dst(%dma_wait3A_157 : memref<1536x768xf32, #tpu.memory_space<vmem>>)
      %dma_wait3A_162 = arith.constant 0 : i32
      %dma_wait3A_163 = arith.constant 0 : i32
      %dma_wait3A_164 = arith.constant 0 : i32
      %dma_wait3A_165 = tpu.memref_slice %arg13[%dma_wait3A_164] : memref<2x!tpu.dma_semaphore, #tpu.memory_space<semaphore_mem>> -> memref<1x!tpu.dma_semaphore, #tpu.memory_space<semaphore_mem>>
      %dma_wait3A_166 = tpu.memref_squeeze %dma_wait3A_165 : memref<1x!tpu.dma_semaphore, #tpu.memory_space<semaphore_mem>> -> memref<!tpu.dma_semaphore, #tpu.memory_space<semaphore_mem>>
      %dma_wait3A_167 = arith.constant 0 : i32
      %dma_wait3A_168 = arith.constant 0 : i32
      %dma_wait3A_169 = tpu.memref_slice %arg10[%dma_wait3A_163, %dma_wait3A_167, %dma_wait3A_168] : memref<2x1536x768xf32, #tpu.memory_space<vmem>> -> memref<1x1536x768xf32, #tpu.memory_space<vmem>>
      %dma_wait3A_170 = tpu.memref_squeeze %dma_wait3A_169 : memref<1x1536x768xf32, #tpu.memory_space<vmem>> -> memref<1536x768xf32, #tpu.memory_space<vmem>>
      %dma_wait3A_171 = arith.constant 0 : i32
      %dma_wait3A_172 = arith.constant 0 : i32
      %dma_wait3A_173 = tpu.memref_slice %arg5[%dma_wait3A_162, %dma_wait3A_171, %dma_wait3A_172] : memref<8x1536x768xf32, #tpu.memory_space<any>> -> memref<1x1536x768xf32, #tpu.memory_space<any>>
      %dma_wait3A_174 = tpu.memref_squeeze %dma_wait3A_173 : memref<1x1536x768xf32, #tpu.memory_space<any>> -> memref<1536x768xf32, #tpu.memory_space<any>>
      tpu.wait_dma2 semaphore(%dma_wait3A_166 : memref<!tpu.dma_semaphore, #tpu.memory_space<semaphore_mem>>) src(%dma_wait3A_174 : memref<1536x768xf32, #tpu.memory_space<any>>) dst(%dma_wait3A_170 : memref<1536x768xf32, #tpu.memory_space<vmem>>)
      %dma_wait3A_175 = arith.constant 0 : i32
      %dma_wait3A_176 = arith.constant 0 : i32
      %dma_wait3A_177 = arith.constant 0 : i32
      %dma_wait3A_178 = tpu.memref_slice %arg14[%dma_wait3A_177] : memref<2x!tpu.dma_semaphore, #tpu.memory_space<semaphore_mem>> -> memref<1x!tpu.dma_semaphore, #tpu.memory_space<semaphore_mem>>
      %dma_wait3A_179 = tpu.memref_squeeze %dma_wait3A_178 : memref<1x!tpu.dma_semaphore, #tpu.memory_space<semaphore_mem>> -> memref<!tpu.dma_semaphore, #tpu.memory_space<semaphore_mem>>
      %dma_wait3A_180 = arith.constant 0 : i32
      %dma_wait3A_181 = arith.constant 0 : i32
      %dma_wait3A_182 = tpu.memref_slice %arg11[%dma_wait3A_176, %dma_wait3A_180, %dma_wait3A_181] : memref<2x768x1536xf32, #tpu.memory_space<vmem>> -> memref<1x768x1536xf32, #tpu.memory_space<vmem>>
      %dma_wait3A_183 = tpu.memref_squeeze %dma_wait3A_182 : memref<1x768x1536xf32, #tpu.memory_space<vmem>> -> memref<768x1536xf32, #tpu.memory_space<vmem>>
      %dma_wait3A_184 = arith.constant 0 : i32
      %dma_wait3A_185 = arith.constant 0 : i32
      %dma_wait3A_186 = tpu.memref_slice %arg6[%dma_wait3A_175, %dma_wait3A_184, %dma_wait3A_185] : memref<8x768x1536xf32, #tpu.memory_space<any>> -> memref<1x768x1536xf32, #tpu.memory_space<any>>
      %dma_wait3A_187 = tpu.memref_squeeze %dma_wait3A_186 : memref<1x768x1536xf32, #tpu.memory_space<any>> -> memref<768x1536xf32, #tpu.memory_space<any>>
      tpu.wait_dma2 semaphore(%dma_wait3A_179 : memref<!tpu.dma_semaphore, #tpu.memory_space<semaphore_mem>>) src(%dma_wait3A_187 : memref<768x1536xf32, #tpu.memory_space<any>>) dst(%dma_wait3A_183 : memref<768x1536xf32, #tpu.memory_space<vmem>>)
    } else {
    }
    %le3A_87 = arith.constant 1 : i32
    %le3A_88 = arith.cmpi sle, %select_n3A_17, %le3A_87 : i32
    %gt3A_89 = arith.constant 1 : i32
    %gt3A_90 = arith.cmpi sgt, %add3A_19, %gt3A_89 : i32
    %and3A_91 = arith.andi %le3A_88, %gt3A_90 : i1
    %convert_element_type3A_92 = arith.extui %and3A_91 : i1 to i32
    %cond3A_93 = arith.constant 0 : i32
    %cond3A_94 = arith.cmpi ne, %convert_element_type3A_92, %cond3A_93 : i32
    scf.if %cond3A_94 {
      %dma_wait3A = arith.constant 1 : i32
      %dma_wait3A_150 = arith.constant 1 : i32
      %dma_wait3A_151 = arith.constant 1 : i32
      %dma_wait3A_152 = tpu.memref_slice %arg12[%dma_wait3A_151] : memref<2x!tpu.dma_semaphore, #tpu.memory_space<semaphore_mem>> -> memref<1x!tpu.dma_semaphore, #tpu.memory_space<semaphore_mem>>
      %dma_wait3A_153 = tpu.memref_squeeze %dma_wait3A_152 : memref<1x!tpu.dma_semaphore, #tpu.memory_space<semaphore_mem>> -> memref<!tpu.dma_semaphore, #tpu.memory_space<semaphore_mem>>
      %dma_wait3A_154 = arith.constant 0 : i32
      %dma_wait3A_155 = arith.constant 0 : i32
      %dma_wait3A_156 = tpu.memref_slice %arg9[%dma_wait3A_150, %dma_wait3A_154, %dma_wait3A_155] : memref<2x1536x768xf32, #tpu.memory_space<vmem>> -> memref<1x1536x768xf32, #tpu.memory_space<vmem>>
      %dma_wait3A_157 = tpu.memref_squeeze %dma_wait3A_156 : memref<1x1536x768xf32, #tpu.memory_space<vmem>> -> memref<1536x768xf32, #tpu.memory_space<vmem>>
      %dma_wait3A_158 = arith.constant 0 : i32
      %dma_wait3A_159 = arith.constant 0 : i32
      %dma_wait3A_160 = tpu.memref_slice %arg4[%dma_wait3A, %dma_wait3A_158, %dma_wait3A_159] : memref<8x1536x768xf32, #tpu.memory_space<any>> -> memref<1x1536x768xf32, #tpu.memory_space<any>>
      %dma_wait3A_161 = tpu.memref_squeeze %dma_wait3A_160 : memref<1x1536x768xf32, #tpu.memory_space<any>> -> memref<1536x768xf32, #tpu.memory_space<any>>
      tpu.wait_dma2 semaphore(%dma_wait3A_153 : memref<!tpu.dma_semaphore, #tpu.memory_space<semaphore_mem>>) src(%dma_wait3A_161 : memref<1536x768xf32, #tpu.memory_space<any>>) dst(%dma_wait3A_157 : memref<1536x768xf32, #tpu.memory_space<vmem>>)
      %dma_wait3A_162 = arith.constant 1 : i32
      %dma_wait3A_163 = arith.constant 1 : i32
      %dma_wait3A_164 = arith.constant 1 : i32
      %dma_wait3A_165 = tpu.memref_slice %arg13[%dma_wait3A_164] : memref<2x!tpu.dma_semaphore, #tpu.memory_space<semaphore_mem>> -> memref<1x!tpu.dma_semaphore, #tpu.memory_space<semaphore_mem>>
      %dma_wait3A_166 = tpu.memref_squeeze %dma_wait3A_165 : memref<1x!tpu.dma_semaphore, #tpu.memory_space<semaphore_mem>> -> memref<!tpu.dma_semaphore, #tpu.memory_space<semaphore_mem>>
      %dma_wait3A_167 = arith.constant 0 : i32
      %dma_wait3A_168 = arith.constant 0 : i32
      %dma_wait3A_169 = tpu.memref_slice %arg10[%dma_wait3A_163, %dma_wait3A_167, %dma_wait3A_168] : memref<2x1536x768xf32, #tpu.memory_space<vmem>> -> memref<1x1536x768xf32, #tpu.memory_space<vmem>>
      %dma_wait3A_170 = tpu.memref_squeeze %dma_wait3A_169 : memref<1x1536x768xf32, #tpu.memory_space<vmem>> -> memref<1536x768xf32, #tpu.memory_space<vmem>>
      %dma_wait3A_171 = arith.constant 0 : i32
      %dma_wait3A_172 = arith.constant 0 : i32
      %dma_wait3A_173 = tpu.memref_slice %arg5[%dma_wait3A_162, %dma_wait3A_171, %dma_wait3A_172] : memref<8x1536x768xf32, #tpu.memory_space<any>> -> memref<1x1536x768xf32, #tpu.memory_space<any>>
      %dma_wait3A_174 = tpu.memref_squeeze %dma_wait3A_173 : memref<1x1536x768xf32, #tpu.memory_space<any>> -> memref<1536x768xf32, #tpu.memory_space<any>>
      tpu.wait_dma2 semaphore(%dma_wait3A_166 : memref<!tpu.dma_semaphore, #tpu.memory_space<semaphore_mem>>) src(%dma_wait3A_174 : memref<1536x768xf32, #tpu.memory_space<any>>) dst(%dma_wait3A_170 : memref<1536x768xf32, #tpu.memory_space<vmem>>)
      %dma_wait3A_175 = arith.constant 1 : i32
      %dma_wait3A_176 = arith.constant 1 : i32
      %dma_wait3A_177 = arith.constant 1 : i32
      %dma_wait3A_178 = tpu.memref_slice %arg14[%dma_wait3A_177] : memref<2x!tpu.dma_semaphore, #tpu.memory_space<semaphore_mem>> -> memref<1x!tpu.dma_semaphore, #tpu.memory_space<semaphore_mem>>
      %dma_wait3A_179 = tpu.memref_squeeze %dma_wait3A_178 : memref<1x!tpu.dma_semaphore, #tpu.memory_space<semaphore_mem>> -> memref<!tpu.dma_semaphore, #tpu.memory_space<semaphore_mem>>
      %dma_wait3A_180 = arith.constant 0 : i32
      %dma_wait3A_181 = arith.constant 0 : i32
      %dma_wait3A_182 = tpu.memref_slice %arg11[%dma_wait3A_176, %dma_wait3A_180, %dma_wait3A_181] : memref<2x768x1536xf32, #tpu.memory_space<vmem>> -> memref<1x768x1536xf32, #tpu.memory_space<vmem>>
      %dma_wait3A_183 = tpu.memref_squeeze %dma_wait3A_182 : memref<1x768x1536xf32, #tpu.memory_space<vmem>> -> memref<768x1536xf32, #tpu.memory_space<vmem>>
      %dma_wait3A_184 = arith.constant 0 : i32
      %dma_wait3A_185 = arith.constant 0 : i32
      %dma_wait3A_186 = tpu.memref_slice %arg6[%dma_wait3A_175, %dma_wait3A_184, %dma_wait3A_185] : memref<8x768x1536xf32, #tpu.memory_space<any>> -> memref<1x768x1536xf32, #tpu.memory_space<any>>
      %dma_wait3A_187 = tpu.memref_squeeze %dma_wait3A_186 : memref<1x768x1536xf32, #tpu.memory_space<any>> -> memref<768x1536xf32, #tpu.memory_space<any>>
      tpu.wait_dma2 semaphore(%dma_wait3A_179 : memref<!tpu.dma_semaphore, #tpu.memory_space<semaphore_mem>>) src(%dma_wait3A_187 : memref<768x1536xf32, #tpu.memory_space<any>>) dst(%dma_wait3A_183 : memref<768x1536xf32, #tpu.memory_space<vmem>>)
    } else {
    }
    %le3A_95 = arith.constant 2 : i32
    %le3A_96 = arith.cmpi sle, %select_n3A_17, %le3A_95 : i32
    %gt3A_97 = arith.constant 2 : i32
    %gt3A_98 = arith.cmpi sgt, %add3A_19, %gt3A_97 : i32
    %and3A_99 = arith.andi %le3A_96, %gt3A_98 : i1
    %convert_element_type3A_100 = arith.extui %and3A_99 : i1 to i32
    %cond3A_101 = arith.constant 0 : i32
    %cond3A_102 = arith.cmpi ne, %convert_element_type3A_100, %cond3A_101 : i32
    scf.if %cond3A_102 {
      %dma_wait3A = arith.constant 2 : i32
      %dma_wait3A_150 = arith.constant 0 : i32
      %dma_wait3A_151 = arith.constant 0 : i32
      %dma_wait3A_152 = tpu.memref_slice %arg12[%dma_wait3A_151] : memref<2x!tpu.dma_semaphore, #tpu.memory_space<semaphore_mem>> -> memref<1x!tpu.dma_semaphore, #tpu.memory_space<semaphore_mem>>
      %dma_wait3A_153 = tpu.memref_squeeze %dma_wait3A_152 : memref<1x!tpu.dma_semaphore, #tpu.memory_space<semaphore_mem>> -> memref<!tpu.dma_semaphore, #tpu.memory_space<semaphore_mem>>
      %dma_wait3A_154 = arith.constant 0 : i32
      %dma_wait3A_155 = arith.constant 0 : i32
      %dma_wait3A_156 = tpu.memref_slice %arg9[%dma_wait3A_150, %dma_wait3A_154, %dma_wait3A_155] : memref<2x1536x768xf32, #tpu.memory_space<vmem>> -> memref<1x1536x768xf32, #tpu.memory_space<vmem>>
      %dma_wait3A_157 = tpu.memref_squeeze %dma_wait3A_156 : memref<1x1536x768xf32, #tpu.memory_space<vmem>> -> memref<1536x768xf32, #tpu.memory_space<vmem>>
      %dma_wait3A_158 = arith.constant 0 : i32
      %dma_wait3A_159 = arith.constant 0 : i32
      %dma_wait3A_160 = tpu.memref_slice %arg4[%dma_wait3A, %dma_wait3A_158, %dma_wait3A_159] : memref<8x1536x768xf32, #tpu.memory_space<any>> -> memref<1x1536x768xf32, #tpu.memory_space<any>>
      %dma_wait3A_161 = tpu.memref_squeeze %dma_wait3A_160 : memref<1x1536x768xf32, #tpu.memory_space<any>> -> memref<1536x768xf32, #tpu.memory_space<any>>
      tpu.wait_dma2 semaphore(%dma_wait3A_153 : memref<!tpu.dma_semaphore, #tpu.memory_space<semaphore_mem>>) src(%dma_wait3A_161 : memref<1536x768xf32, #tpu.memory_space<any>>) dst(%dma_wait3A_157 : memref<1536x768xf32, #tpu.memory_space<vmem>>)
      %dma_wait3A_162 = arith.constant 2 : i32
      %dma_wait3A_163 = arith.constant 0 : i32
      %dma_wait3A_164 = arith.constant 0 : i32
      %dma_wait3A_165 = tpu.memref_slice %arg13[%dma_wait3A_164] : memref<2x!tpu.dma_semaphore, #tpu.memory_space<semaphore_mem>> -> memref<1x!tpu.dma_semaphore, #tpu.memory_space<semaphore_mem>>
      %dma_wait3A_166 = tpu.memref_squeeze %dma_wait3A_165 : memref<1x!tpu.dma_semaphore, #tpu.memory_space<semaphore_mem>> -> memref<!tpu.dma_semaphore, #tpu.memory_space<semaphore_mem>>
      %dma_wait3A_167 = arith.constant 0 : i32
      %dma_wait3A_168 = arith.constant 0 : i32
      %dma_wait3A_169 = tpu.memref_slice %arg10[%dma_wait3A_163, %dma_wait3A_167, %dma_wait3A_168] : memref<2x1536x768xf32, #tpu.memory_space<vmem>> -> memref<1x1536x768xf32, #tpu.memory_space<vmem>>
      %dma_wait3A_170 = tpu.memref_squeeze %dma_wait3A_169 : memref<1x1536x768xf32, #tpu.memory_space<vmem>> -> memref<1536x768xf32, #tpu.memory_space<vmem>>
      %dma_wait3A_171 = arith.constant 0 : i32
      %dma_wait3A_172 = arith.constant 0 : i32
      %dma_wait3A_173 = tpu.memref_slice %arg5[%dma_wait3A_162, %dma_wait3A_171, %dma_wait3A_172] : memref<8x1536x768xf32, #tpu.memory_space<any>> -> memref<1x1536x768xf32, #tpu.memory_space<any>>
      %dma_wait3A_174 = tpu.memref_squeeze %dma_wait3A_173 : memref<1x1536x768xf32, #tpu.memory_space<any>> -> memref<1536x768xf32, #tpu.memory_space<any>>
      tpu.wait_dma2 semaphore(%dma_wait3A_166 : memref<!tpu.dma_semaphore, #tpu.memory_space<semaphore_mem>>) src(%dma_wait3A_174 : memref<1536x768xf32, #tpu.memory_space<any>>) dst(%dma_wait3A_170 : memref<1536x768xf32, #tpu.memory_space<vmem>>)
      %dma_wait3A_175 = arith.constant 2 : i32
      %dma_wait3A_176 = arith.constant 0 : i32
      %dma_wait3A_177 = arith.constant 0 : i32
      %dma_wait3A_178 = tpu.memref_slice %arg14[%dma_wait3A_177] : memref<2x!tpu.dma_semaphore, #tpu.memory_space<semaphore_mem>> -> memref<1x!tpu.dma_semaphore, #tpu.memory_space<semaphore_mem>>
      %dma_wait3A_179 = tpu.memref_squeeze %dma_wait3A_178 : memref<1x!tpu.dma_semaphore, #tpu.memory_space<semaphore_mem>> -> memref<!tpu.dma_semaphore, #tpu.memory_space<semaphore_mem>>
      %dma_wait3A_180 = arith.constant 0 : i32
      %dma_wait3A_181 = arith.constant 0 : i32
      %dma_wait3A_182 = tpu.memref_slice %arg11[%dma_wait3A_176, %dma_wait3A_180, %dma_wait3A_181] : memref<2x768x1536xf32, #tpu.memory_space<vmem>> -> memref<1x768x1536xf32, #tpu.memory_space<vmem>>
      %dma_wait3A_183 = tpu.memref_squeeze %dma_wait3A_182 : memref<1x768x1536xf32, #tpu.memory_space<vmem>> -> memref<768x1536xf32, #tpu.memory_space<vmem>>
      %dma_wait3A_184 = arith.constant 0 : i32
      %dma_wait3A_185 = arith.constant 0 : i32
      %dma_wait3A_186 = tpu.memref_slice %arg6[%dma_wait3A_175, %dma_wait3A_184, %dma_wait3A_185] : memref<8x768x1536xf32, #tpu.memory_space<any>> -> memref<1x768x1536xf32, #tpu.memory_space<any>>
      %dma_wait3A_187 = tpu.memref_squeeze %dma_wait3A_186 : memref<1x768x1536xf32, #tpu.memory_space<any>> -> memref<768x1536xf32, #tpu.memory_space<any>>
      tpu.wait_dma2 semaphore(%dma_wait3A_179 : memref<!tpu.dma_semaphore, #tpu.memory_space<semaphore_mem>>) src(%dma_wait3A_187 : memref<768x1536xf32, #tpu.memory_space<any>>) dst(%dma_wait3A_183 : memref<768x1536xf32, #tpu.memory_space<vmem>>)
    } else {
    }
    %le3A_103 = arith.constant 3 : i32
    %le3A_104 = arith.cmpi sle, %select_n3A_17, %le3A_103 : i32
    %gt3A_105 = arith.constant 3 : i32
    %gt3A_106 = arith.cmpi sgt, %add3A_19, %gt3A_105 : i32
    %and3A_107 = arith.andi %le3A_104, %gt3A_106 : i1
    %convert_element_type3A_108 = arith.extui %and3A_107 : i1 to i32
    %cond3A_109 = arith.constant 0 : i32
    %cond3A_110 = arith.cmpi ne, %convert_element_type3A_108, %cond3A_109 : i32
    scf.if %cond3A_110 {
      %dma_wait3A = arith.constant 3 : i32
      %dma_wait3A_150 = arith.constant 1 : i32
      %dma_wait3A_151 = arith.constant 1 : i32
      %dma_wait3A_152 = tpu.memref_slice %arg12[%dma_wait3A_151] : memref<2x!tpu.dma_semaphore, #tpu.memory_space<semaphore_mem>> -> memref<1x!tpu.dma_semaphore, #tpu.memory_space<semaphore_mem>>
      %dma_wait3A_153 = tpu.memref_squeeze %dma_wait3A_152 : memref<1x!tpu.dma_semaphore, #tpu.memory_space<semaphore_mem>> -> memref<!tpu.dma_semaphore, #tpu.memory_space<semaphore_mem>>
      %dma_wait3A_154 = arith.constant 0 : i32
      %dma_wait3A_155 = arith.constant 0 : i32
      %dma_wait3A_156 = tpu.memref_slice %arg9[%dma_wait3A_150, %dma_wait3A_154, %dma_wait3A_155] : memref<2x1536x768xf32, #tpu.memory_space<vmem>> -> memref<1x1536x768xf32, #tpu.memory_space<vmem>>
      %dma_wait3A_157 = tpu.memref_squeeze %dma_wait3A_156 : memref<1x1536x768xf32, #tpu.memory_space<vmem>> -> memref<1536x768xf32, #tpu.memory_space<vmem>>
      %dma_wait3A_158 = arith.constant 0 : i32
      %dma_wait3A_159 = arith.constant 0 : i32
      %dma_wait3A_160 = tpu.memref_slice %arg4[%dma_wait3A, %dma_wait3A_158, %dma_wait3A_159] : memref<8x1536x768xf32, #tpu.memory_space<any>> -> memref<1x1536x768xf32, #tpu.memory_space<any>>
      %dma_wait3A_161 = tpu.memref_squeeze %dma_wait3A_160 : memref<1x1536x768xf32, #tpu.memory_space<any>> -> memref<1536x768xf32, #tpu.memory_space<any>>
      tpu.wait_dma2 semaphore(%dma_wait3A_153 : memref<!tpu.dma_semaphore, #tpu.memory_space<semaphore_mem>>) src(%dma_wait3A_161 : memref<1536x768xf32, #tpu.memory_space<any>>) dst(%dma_wait3A_157 : memref<1536x768xf32, #tpu.memory_space<vmem>>)
      %dma_wait3A_162 = arith.constant 3 : i32
      %dma_wait3A_163 = arith.constant 1 : i32
      %dma_wait3A_164 = arith.constant 1 : i32
      %dma_wait3A_165 = tpu.memref_slice %arg13[%dma_wait3A_164] : memref<2x!tpu.dma_semaphore, #tpu.memory_space<semaphore_mem>> -> memref<1x!tpu.dma_semaphore, #tpu.memory_space<semaphore_mem>>
      %dma_wait3A_166 = tpu.memref_squeeze %dma_wait3A_165 : memref<1x!tpu.dma_semaphore, #tpu.memory_space<semaphore_mem>> -> memref<!tpu.dma_semaphore, #tpu.memory_space<semaphore_mem>>
      %dma_wait3A_167 = arith.constant 0 : i32
      %dma_wait3A_168 = arith.constant 0 : i32
      %dma_wait3A_169 = tpu.memref_slice %arg10[%dma_wait3A_163, %dma_wait3A_167, %dma_wait3A_168] : memref<2x1536x768xf32, #tpu.memory_space<vmem>> -> memref<1x1536x768xf32, #tpu.memory_space<vmem>>
      %dma_wait3A_170 = tpu.memref_squeeze %dma_wait3A_169 : memref<1x1536x768xf32, #tpu.memory_space<vmem>> -> memref<1536x768xf32, #tpu.memory_space<vmem>>
      %dma_wait3A_171 = arith.constant 0 : i32
      %dma_wait3A_172 = arith.constant 0 : i32
      %dma_wait3A_173 = tpu.memref_slice %arg5[%dma_wait3A_162, %dma_wait3A_171, %dma_wait3A_172] : memref<8x1536x768xf32, #tpu.memory_space<any>> -> memref<1x1536x768xf32, #tpu.memory_space<any>>
      %dma_wait3A_174 = tpu.memref_squeeze %dma_wait3A_173 : memref<1x1536x768xf32, #tpu.memory_space<any>> -> memref<1536x768xf32, #tpu.memory_space<any>>
      tpu.wait_dma2 semaphore(%dma_wait3A_166 : memref<!tpu.dma_semaphore, #tpu.memory_space<semaphore_mem>>) src(%dma_wait3A_174 : memref<1536x768xf32, #tpu.memory_space<any>>) dst(%dma_wait3A_170 : memref<1536x768xf32, #tpu.memory_space<vmem>>)
      %dma_wait3A_175 = arith.constant 3 : i32
      %dma_wait3A_176 = arith.constant 1 : i32
      %dma_wait3A_177 = arith.constant 1 : i32
      %dma_wait3A_178 = tpu.memref_slice %arg14[%dma_wait3A_177] : memref<2x!tpu.dma_semaphore, #tpu.memory_space<semaphore_mem>> -> memref<1x!tpu.dma_semaphore, #tpu.memory_space<semaphore_mem>>
      %dma_wait3A_179 = tpu.memref_squeeze %dma_wait3A_178 : memref<1x!tpu.dma_semaphore, #tpu.memory_space<semaphore_mem>> -> memref<!tpu.dma_semaphore, #tpu.memory_space<semaphore_mem>>
      %dma_wait3A_180 = arith.constant 0 : i32
      %dma_wait3A_181 = arith.constant 0 : i32
      %dma_wait3A_182 = tpu.memref_slice %arg11[%dma_wait3A_176, %dma_wait3A_180, %dma_wait3A_181] : memref<2x768x1536xf32, #tpu.memory_space<vmem>> -> memref<1x768x1536xf32, #tpu.memory_space<vmem>>
      %dma_wait3A_183 = tpu.memref_squeeze %dma_wait3A_182 : memref<1x768x1536xf32, #tpu.memory_space<vmem>> -> memref<768x1536xf32, #tpu.memory_space<vmem>>
      %dma_wait3A_184 = arith.constant 0 : i32
      %dma_wait3A_185 = arith.constant 0 : i32
      %dma_wait3A_186 = tpu.memref_slice %arg6[%dma_wait3A_175, %dma_wait3A_184, %dma_wait3A_185] : memref<8x768x1536xf32, #tpu.memory_space<any>> -> memref<1x768x1536xf32, #tpu.memory_space<any>>
      %dma_wait3A_187 = tpu.memref_squeeze %dma_wait3A_186 : memref<1x768x1536xf32, #tpu.memory_space<any>> -> memref<768x1536xf32, #tpu.memory_space<any>>
      tpu.wait_dma2 semaphore(%dma_wait3A_179 : memref<!tpu.dma_semaphore, #tpu.memory_space<semaphore_mem>>) src(%dma_wait3A_187 : memref<768x1536xf32, #tpu.memory_space<any>>) dst(%dma_wait3A_183 : memref<768x1536xf32, #tpu.memory_space<vmem>>)
    } else {
    }
    %le3A_111 = arith.constant 4 : i32
    %le3A_112 = arith.cmpi sle, %select_n3A_17, %le3A_111 : i32
    %gt3A_113 = arith.constant 4 : i32
    %gt3A_114 = arith.cmpi sgt, %add3A_19, %gt3A_113 : i32
    %and3A_115 = arith.andi %le3A_112, %gt3A_114 : i1
    %convert_element_type3A_116 = arith.extui %and3A_115 : i1 to i32
    %cond3A_117 = arith.constant 0 : i32
    %cond3A_118 = arith.cmpi ne, %convert_element_type3A_116, %cond3A_117 : i32
    scf.if %cond3A_118 {
      %dma_wait3A = arith.constant 4 : i32
      %dma_wait3A_150 = arith.constant 0 : i32
      %dma_wait3A_151 = arith.constant 0 : i32
      %dma_wait3A_152 = tpu.memref_slice %arg12[%dma_wait3A_151] : memref<2x!tpu.dma_semaphore, #tpu.memory_space<semaphore_mem>> -> memref<1x!tpu.dma_semaphore, #tpu.memory_space<semaphore_mem>>
      %dma_wait3A_153 = tpu.memref_squeeze %dma_wait3A_152 : memref<1x!tpu.dma_semaphore, #tpu.memory_space<semaphore_mem>> -> memref<!tpu.dma_semaphore, #tpu.memory_space<semaphore_mem>>
      %dma_wait3A_154 = arith.constant 0 : i32
      %dma_wait3A_155 = arith.constant 0 : i32
      %dma_wait3A_156 = tpu.memref_slice %arg9[%dma_wait3A_150, %dma_wait3A_154, %dma_wait3A_155] : memref<2x1536x768xf32, #tpu.memory_space<vmem>> -> memref<1x1536x768xf32, #tpu.memory_space<vmem>>
      %dma_wait3A_157 = tpu.memref_squeeze %dma_wait3A_156 : memref<1x1536x768xf32, #tpu.memory_space<vmem>> -> memref<1536x768xf32, #tpu.memory_space<vmem>>
      %dma_wait3A_158 = arith.constant 0 : i32
      %dma_wait3A_159 = arith.constant 0 : i32
      %dma_wait3A_160 = tpu.memref_slice %arg4[%dma_wait3A, %dma_wait3A_158, %dma_wait3A_159] : memref<8x1536x768xf32, #tpu.memory_space<any>> -> memref<1x1536x768xf32, #tpu.memory_space<any>>
      %dma_wait3A_161 = tpu.memref_squeeze %dma_wait3A_160 : memref<1x1536x768xf32, #tpu.memory_space<any>> -> memref<1536x768xf32, #tpu.memory_space<any>>
      tpu.wait_dma2 semaphore(%dma_wait3A_153 : memref<!tpu.dma_semaphore, #tpu.memory_space<semaphore_mem>>) src(%dma_wait3A_161 : memref<1536x768xf32, #tpu.memory_space<any>>) dst(%dma_wait3A_157 : memref<1536x768xf32, #tpu.memory_space<vmem>>)
      %dma_wait3A_162 = arith.constant 4 : i32
      %dma_wait3A_163 = arith.constant 0 : i32
      %dma_wait3A_164 = arith.constant 0 : i32
      %dma_wait3A_165 = tpu.memref_slice %arg13[%dma_wait3A_164] : memref<2x!tpu.dma_semaphore, #tpu.memory_space<semaphore_mem>> -> memref<1x!tpu.dma_semaphore, #tpu.memory_space<semaphore_mem>>
      %dma_wait3A_166 = tpu.memref_squeeze %dma_wait3A_165 : memref<1x!tpu.dma_semaphore, #tpu.memory_space<semaphore_mem>> -> memref<!tpu.dma_semaphore, #tpu.memory_space<semaphore_mem>>
      %dma_wait3A_167 = arith.constant 0 : i32
      %dma_wait3A_168 = arith.constant 0 : i32
      %dma_wait3A_169 = tpu.memref_slice %arg10[%dma_wait3A_163, %dma_wait3A_167, %dma_wait3A_168] : memref<2x1536x768xf32, #tpu.memory_space<vmem>> -> memref<1x1536x768xf32, #tpu.memory_space<vmem>>
      %dma_wait3A_170 = tpu.memref_squeeze %dma_wait3A_169 : memref<1x1536x768xf32, #tpu.memory_space<vmem>> -> memref<1536x768xf32, #tpu.memory_space<vmem>>
      %dma_wait3A_171 = arith.constant 0 : i32
      %dma_wait3A_172 = arith.constant 0 : i32
      %dma_wait3A_173 = tpu.memref_slice %arg5[%dma_wait3A_162, %dma_wait3A_171, %dma_wait3A_172] : memref<8x1536x768xf32, #tpu.memory_space<any>> -> memref<1x1536x768xf32, #tpu.memory_space<any>>
      %dma_wait3A_174 = tpu.memref_squeeze %dma_wait3A_173 : memref<1x1536x768xf32, #tpu.memory_space<any>> -> memref<1536x768xf32, #tpu.memory_space<any>>
      tpu.wait_dma2 semaphore(%dma_wait3A_166 : memref<!tpu.dma_semaphore, #tpu.memory_space<semaphore_mem>>) src(%dma_wait3A_174 : memref<1536x768xf32, #tpu.memory_space<any>>) dst(%dma_wait3A_170 : memref<1536x768xf32, #tpu.memory_space<vmem>>)
      %dma_wait3A_175 = arith.constant 4 : i32
      %dma_wait3A_176 = arith.constant 0 : i32
      %dma_wait3A_177 = arith.constant 0 : i32
      %dma_wait3A_178 = tpu.memref_slice %arg14[%dma_wait3A_177] : memref<2x!tpu.dma_semaphore, #tpu.memory_space<semaphore_mem>> -> memref<1x!tpu.dma_semaphore, #tpu.memory_space<semaphore_mem>>
      %dma_wait3A_179 = tpu.memref_squeeze %dma_wait3A_178 : memref<1x!tpu.dma_semaphore, #tpu.memory_space<semaphore_mem>> -> memref<!tpu.dma_semaphore, #tpu.memory_space<semaphore_mem>>
      %dma_wait3A_180 = arith.constant 0 : i32
      %dma_wait3A_181 = arith.constant 0 : i32
      %dma_wait3A_182 = tpu.memref_slice %arg11[%dma_wait3A_176, %dma_wait3A_180, %dma_wait3A_181] : memref<2x768x1536xf32, #tpu.memory_space<vmem>> -> memref<1x768x1536xf32, #tpu.memory_space<vmem>>
      %dma_wait3A_183 = tpu.memref_squeeze %dma_wait3A_182 : memref<1x768x1536xf32, #tpu.memory_space<vmem>> -> memref<768x1536xf32, #tpu.memory_space<vmem>>
      %dma_wait3A_184 = arith.constant 0 : i32
      %dma_wait3A_185 = arith.constant 0 : i32
      %dma_wait3A_186 = tpu.memref_slice %arg6[%dma_wait3A_175, %dma_wait3A_184, %dma_wait3A_185] : memref<8x768x1536xf32, #tpu.memory_space<any>> -> memref<1x768x1536xf32, #tpu.memory_space<any>>
      %dma_wait3A_187 = tpu.memref_squeeze %dma_wait3A_186 : memref<1x768x1536xf32, #tpu.memory_space<any>> -> memref<768x1536xf32, #tpu.memory_space<any>>
      tpu.wait_dma2 semaphore(%dma_wait3A_179 : memref<!tpu.dma_semaphore, #tpu.memory_space<semaphore_mem>>) src(%dma_wait3A_187 : memref<768x1536xf32, #tpu.memory_space<any>>) dst(%dma_wait3A_183 : memref<768x1536xf32, #tpu.memory_space<vmem>>)
    } else {
    }
    %le3A_119 = arith.constant 5 : i32
    %le3A_120 = arith.cmpi sle, %select_n3A_17, %le3A_119 : i32
    %gt3A_121 = arith.constant 5 : i32
    %gt3A_122 = arith.cmpi sgt, %add3A_19, %gt3A_121 : i32
    %and3A_123 = arith.andi %le3A_120, %gt3A_122 : i1
    %convert_element_type3A_124 = arith.extui %and3A_123 : i1 to i32
    %cond3A_125 = arith.constant 0 : i32
    %cond3A_126 = arith.cmpi ne, %convert_element_type3A_124, %cond3A_125 : i32
    scf.if %cond3A_126 {
      %dma_wait3A = arith.constant 5 : i32
      %dma_wait3A_150 = arith.constant 1 : i32
      %dma_wait3A_151 = arith.constant 1 : i32
      %dma_wait3A_152 = tpu.memref_slice %arg12[%dma_wait3A_151] : memref<2x!tpu.dma_semaphore, #tpu.memory_space<semaphore_mem>> -> memref<1x!tpu.dma_semaphore, #tpu.memory_space<semaphore_mem>>
      %dma_wait3A_153 = tpu.memref_squeeze %dma_wait3A_152 : memref<1x!tpu.dma_semaphore, #tpu.memory_space<semaphore_mem>> -> memref<!tpu.dma_semaphore, #tpu.memory_space<semaphore_mem>>
      %dma_wait3A_154 = arith.constant 0 : i32
      %dma_wait3A_155 = arith.constant 0 : i32
      %dma_wait3A_156 = tpu.memref_slice %arg9[%dma_wait3A_150, %dma_wait3A_154, %dma_wait3A_155] : memref<2x1536x768xf32, #tpu.memory_space<vmem>> -> memref<1x1536x768xf32, #tpu.memory_space<vmem>>
      %dma_wait3A_157 = tpu.memref_squeeze %dma_wait3A_156 : memref<1x1536x768xf32, #tpu.memory_space<vmem>> -> memref<1536x768xf32, #tpu.memory_space<vmem>>
      %dma_wait3A_158 = arith.constant 0 : i32
      %dma_wait3A_159 = arith.constant 0 : i32
      %dma_wait3A_160 = tpu.memref_slice %arg4[%dma_wait3A, %dma_wait3A_158, %dma_wait3A_159] : memref<8x1536x768xf32, #tpu.memory_space<any>> -> memref<1x1536x768xf32, #tpu.memory_space<any>>
      %dma_wait3A_161 = tpu.memref_squeeze %dma_wait3A_160 : memref<1x1536x768xf32, #tpu.memory_space<any>> -> memref<1536x768xf32, #tpu.memory_space<any>>
      tpu.wait_dma2 semaphore(%dma_wait3A_153 : memref<!tpu.dma_semaphore, #tpu.memory_space<semaphore_mem>>) src(%dma_wait3A_161 : memref<1536x768xf32, #tpu.memory_space<any>>) dst(%dma_wait3A_157 : memref<1536x768xf32, #tpu.memory_space<vmem>>)
      %dma_wait3A_162 = arith.constant 5 : i32
      %dma_wait3A_163 = arith.constant 1 : i32
      %dma_wait3A_164 = arith.constant 1 : i32
      %dma_wait3A_165 = tpu.memref_slice %arg13[%dma_wait3A_164] : memref<2x!tpu.dma_semaphore, #tpu.memory_space<semaphore_mem>> -> memref<1x!tpu.dma_semaphore, #tpu.memory_space<semaphore_mem>>
      %dma_wait3A_166 = tpu.memref_squeeze %dma_wait3A_165 : memref<1x!tpu.dma_semaphore, #tpu.memory_space<semaphore_mem>> -> memref<!tpu.dma_semaphore, #tpu.memory_space<semaphore_mem>>
      %dma_wait3A_167 = arith.constant 0 : i32
      %dma_wait3A_168 = arith.constant 0 : i32
      %dma_wait3A_169 = tpu.memref_slice %arg10[%dma_wait3A_163, %dma_wait3A_167, %dma_wait3A_168] : memref<2x1536x768xf32, #tpu.memory_space<vmem>> -> memref<1x1536x768xf32, #tpu.memory_space<vmem>>
      %dma_wait3A_170 = tpu.memref_squeeze %dma_wait3A_169 : memref<1x1536x768xf32, #tpu.memory_space<vmem>> -> memref<1536x768xf32, #tpu.memory_space<vmem>>
      %dma_wait3A_171 = arith.constant 0 : i32
      %dma_wait3A_172 = arith.constant 0 : i32
      %dma_wait3A_173 = tpu.memref_slice %arg5[%dma_wait3A_162, %dma_wait3A_171, %dma_wait3A_172] : memref<8x1536x768xf32, #tpu.memory_space<any>> -> memref<1x1536x768xf32, #tpu.memory_space<any>>
      %dma_wait3A_174 = tpu.memref_squeeze %dma_wait3A_173 : memref<1x1536x768xf32, #tpu.memory_space<any>> -> memref<1536x768xf32, #tpu.memory_space<any>>
      tpu.wait_dma2 semaphore(%dma_wait3A_166 : memref<!tpu.dma_semaphore, #tpu.memory_space<semaphore_mem>>) src(%dma_wait3A_174 : memref<1536x768xf32, #tpu.memory_space<any>>) dst(%dma_wait3A_170 : memref<1536x768xf32, #tpu.memory_space<vmem>>)
      %dma_wait3A_175 = arith.constant 5 : i32
      %dma_wait3A_176 = arith.constant 1 : i32
      %dma_wait3A_177 = arith.constant 1 : i32
      %dma_wait3A_178 = tpu.memref_slice %arg14[%dma_wait3A_177] : memref<2x!tpu.dma_semaphore, #tpu.memory_space<semaphore_mem>> -> memref<1x!tpu.dma_semaphore, #tpu.memory_space<semaphore_mem>>
      %dma_wait3A_179 = tpu.memref_squeeze %dma_wait3A_178 : memref<1x!tpu.dma_semaphore, #tpu.memory_space<semaphore_mem>> -> memref<!tpu.dma_semaphore, #tpu.memory_space<semaphore_mem>>
      %dma_wait3A_180 = arith.constant 0 : i32
      %dma_wait3A_181 = arith.constant 0 : i32
      %dma_wait3A_182 = tpu.memref_slice %arg11[%dma_wait3A_176, %dma_wait3A_180, %dma_wait3A_181] : memref<2x768x1536xf32, #tpu.memory_space<vmem>> -> memref<1x768x1536xf32, #tpu.memory_space<vmem>>
      %dma_wait3A_183 = tpu.memref_squeeze %dma_wait3A_182 : memref<1x768x1536xf32, #tpu.memory_space<vmem>> -> memref<768x1536xf32, #tpu.memory_space<vmem>>
      %dma_wait3A_184 = arith.constant 0 : i32
      %dma_wait3A_185 = arith.constant 0 : i32
      %dma_wait3A_186 = tpu.memref_slice %arg6[%dma_wait3A_175, %dma_wait3A_184, %dma_wait3A_185] : memref<8x768x1536xf32, #tpu.memory_space<any>> -> memref<1x768x1536xf32, #tpu.memory_space<any>>
      %dma_wait3A_187 = tpu.memref_squeeze %dma_wait3A_186 : memref<1x768x1536xf32, #tpu.memory_space<any>> -> memref<768x1536xf32, #tpu.memory_space<any>>
      tpu.wait_dma2 semaphore(%dma_wait3A_179 : memref<!tpu.dma_semaphore, #tpu.memory_space<semaphore_mem>>) src(%dma_wait3A_187 : memref<768x1536xf32, #tpu.memory_space<any>>) dst(%dma_wait3A_183 : memref<768x1536xf32, #tpu.memory_space<vmem>>)
    } else {
    }
    %le3A_127 = arith.constant 6 : i32
    %le3A_128 = arith.cmpi sle, %select_n3A_17, %le3A_127 : i32
    %gt3A_129 = arith.constant 6 : i32
    %gt3A_130 = arith.cmpi sgt, %add3A_19, %gt3A_129 : i32
    %and3A_131 = arith.andi %le3A_128, %gt3A_130 : i1
    %convert_element_type3A_132 = arith.extui %and3A_131 : i1 to i32
    %cond3A_133 = arith.constant 0 : i32
    %cond3A_134 = arith.cmpi ne, %convert_element_type3A_132, %cond3A_133 : i32
    scf.if %cond3A_134 {
      %dma_wait3A = arith.constant 6 : i32
      %dma_wait3A_150 = arith.constant 0 : i32
      %dma_wait3A_151 = arith.constant 0 : i32
      %dma_wait3A_152 = tpu.memref_slice %arg12[%dma_wait3A_151] : memref<2x!tpu.dma_semaphore, #tpu.memory_space<semaphore_mem>> -> memref<1x!tpu.dma_semaphore, #tpu.memory_space<semaphore_mem>>
      %dma_wait3A_153 = tpu.memref_squeeze %dma_wait3A_152 : memref<1x!tpu.dma_semaphore, #tpu.memory_space<semaphore_mem>> -> memref<!tpu.dma_semaphore, #tpu.memory_space<semaphore_mem>>
      %dma_wait3A_154 = arith.constant 0 : i32
      %dma_wait3A_155 = arith.constant 0 : i32
      %dma_wait3A_156 = tpu.memref_slice %arg9[%dma_wait3A_150, %dma_wait3A_154, %dma_wait3A_155] : memref<2x1536x768xf32, #tpu.memory_space<vmem>> -> memref<1x1536x768xf32, #tpu.memory_space<vmem>>
      %dma_wait3A_157 = tpu.memref_squeeze %dma_wait3A_156 : memref<1x1536x768xf32, #tpu.memory_space<vmem>> -> memref<1536x768xf32, #tpu.memory_space<vmem>>
      %dma_wait3A_158 = arith.constant 0 : i32
      %dma_wait3A_159 = arith.constant 0 : i32
      %dma_wait3A_160 = tpu.memref_slice %arg4[%dma_wait3A, %dma_wait3A_158, %dma_wait3A_159] : memref<8x1536x768xf32, #tpu.memory_space<any>> -> memref<1x1536x768xf32, #tpu.memory_space<any>>
      %dma_wait3A_161 = tpu.memref_squeeze %dma_wait3A_160 : memref<1x1536x768xf32, #tpu.memory_space<any>> -> memref<1536x768xf32, #tpu.memory_space<any>>
      tpu.wait_dma2 semaphore(%dma_wait3A_153 : memref<!tpu.dma_semaphore, #tpu.memory_space<semaphore_mem>>) src(%dma_wait3A_161 : memref<1536x768xf32, #tpu.memory_space<any>>) dst(%dma_wait3A_157 : memref<1536x768xf32, #tpu.memory_space<vmem>>)
      %dma_wait3A_162 = arith.constant 6 : i32
      %dma_wait3A_163 = arith.constant 0 : i32
      %dma_wait3A_164 = arith.constant 0 : i32
      %dma_wait3A_165 = tpu.memref_slice %arg13[%dma_wait3A_164] : memref<2x!tpu.dma_semaphore, #tpu.memory_space<semaphore_mem>> -> memref<1x!tpu.dma_semaphore, #tpu.memory_space<semaphore_mem>>
      %dma_wait3A_166 = tpu.memref_squeeze %dma_wait3A_165 : memref<1x!tpu.dma_semaphore, #tpu.memory_space<semaphore_mem>> -> memref<!tpu.dma_semaphore, #tpu.memory_space<semaphore_mem>>
      %dma_wait3A_167 = arith.constant 0 : i32
      %dma_wait3A_168 = arith.constant 0 : i32
      %dma_wait3A_169 = tpu.memref_slice %arg10[%dma_wait3A_163, %dma_wait3A_167, %dma_wait3A_168] : memref<2x1536x768xf32, #tpu.memory_space<vmem>> -> memref<1x1536x768xf32, #tpu.memory_space<vmem>>
      %dma_wait3A_170 = tpu.memref_squeeze %dma_wait3A_169 : memref<1x1536x768xf32, #tpu.memory_space<vmem>> -> memref<1536x768xf32, #tpu.memory_space<vmem>>
      %dma_wait3A_171 = arith.constant 0 : i32
      %dma_wait3A_172 = arith.constant 0 : i32
      %dma_wait3A_173 = tpu.memref_slice %arg5[%dma_wait3A_162, %dma_wait3A_171, %dma_wait3A_172] : memref<8x1536x768xf32, #tpu.memory_space<any>> -> memref<1x1536x768xf32, #tpu.memory_space<any>>
      %dma_wait3A_174 = tpu.memref_squeeze %dma_wait3A_173 : memref<1x1536x768xf32, #tpu.memory_space<any>> -> memref<1536x768xf32, #tpu.memory_space<any>>
      tpu.wait_dma2 semaphore(%dma_wait3A_166 : memref<!tpu.dma_semaphore, #tpu.memory_space<semaphore_mem>>) src(%dma_wait3A_174 : memref<1536x768xf32, #tpu.memory_space<any>>) dst(%dma_wait3A_170 : memref<1536x768xf32, #tpu.memory_space<vmem>>)
      %dma_wait3A_175 = arith.constant 6 : i32
      %dma_wait3A_176 = arith.constant 0 : i32
      %dma_wait3A_177 = arith.constant 0 : i32
      %dma_wait3A_178 = tpu.memref_slice %arg14[%dma_wait3A_177] : memref<2x!tpu.dma_semaphore, #tpu.memory_space<semaphore_mem>> -> memref<1x!tpu.dma_semaphore, #tpu.memory_space<semaphore_mem>>
      %dma_wait3A_179 = tpu.memref_squeeze %dma_wait3A_178 : memref<1x!tpu.dma_semaphore, #tpu.memory_space<semaphore_mem>> -> memref<!tpu.dma_semaphore, #tpu.memory_space<semaphore_mem>>
      %dma_wait3A_180 = arith.constant 0 : i32
      %dma_wait3A_181 = arith.constant 0 : i32
      %dma_wait3A_182 = tpu.memref_slice %arg11[%dma_wait3A_176, %dma_wait3A_180, %dma_wait3A_181] : memref<2x768x1536xf32, #tpu.memory_space<vmem>> -> memref<1x768x1536xf32, #tpu.memory_space<vmem>>
      %dma_wait3A_183 = tpu.memref_squeeze %dma_wait3A_182 : memref<1x768x1536xf32, #tpu.memory_space<vmem>> -> memref<768x1536xf32, #tpu.memory_space<vmem>>
      %dma_wait3A_184 = arith.constant 0 : i32
      %dma_wait3A_185 = arith.constant 0 : i32
      %dma_wait3A_186 = tpu.memref_slice %arg6[%dma_wait3A_175, %dma_wait3A_184, %dma_wait3A_185] : memref<8x768x1536xf32, #tpu.memory_space<any>> -> memref<1x768x1536xf32, #tpu.memory_space<any>>
      %dma_wait3A_187 = tpu.memref_squeeze %dma_wait3A_186 : memref<1x768x1536xf32, #tpu.memory_space<any>> -> memref<768x1536xf32, #tpu.memory_space<any>>
      tpu.wait_dma2 semaphore(%dma_wait3A_179 : memref<!tpu.dma_semaphore, #tpu.memory_space<semaphore_mem>>) src(%dma_wait3A_187 : memref<768x1536xf32, #tpu.memory_space<any>>) dst(%dma_wait3A_183 : memref<768x1536xf32, #tpu.memory_space<vmem>>)
    } else {
    }
    %le3A_135 = arith.constant 7 : i32
    %le3A_136 = arith.cmpi sle, %select_n3A_17, %le3A_135 : i32
    %gt3A_137 = arith.constant 7 : i32
    %gt3A_138 = arith.cmpi sgt, %add3A_19, %gt3A_137 : i32
    %and3A_139 = arith.andi %le3A_136, %gt3A_138 : i1
    %convert_element_type3A_140 = arith.extui %and3A_139 : i1 to i32
    %cond3A_141 = arith.constant 0 : i32
    %cond3A_142 = arith.cmpi ne, %convert_element_type3A_140, %cond3A_141 : i32
    scf.if %cond3A_142 {
      %dma_wait3A = arith.constant 7 : i32
      %dma_wait3A_150 = arith.constant 1 : i32
      %dma_wait3A_151 = arith.constant 1 : i32
      %dma_wait3A_152 = tpu.memref_slice %arg12[%dma_wait3A_151] : memref<2x!tpu.dma_semaphore, #tpu.memory_space<semaphore_mem>> -> memref<1x!tpu.dma_semaphore, #tpu.memory_space<semaphore_mem>>
      %dma_wait3A_153 = tpu.memref_squeeze %dma_wait3A_152 : memref<1x!tpu.dma_semaphore, #tpu.memory_space<semaphore_mem>> -> memref<!tpu.dma_semaphore, #tpu.memory_space<semaphore_mem>>
      %dma_wait3A_154 = arith.constant 0 : i32
      %dma_wait3A_155 = arith.constant 0 : i32
      %dma_wait3A_156 = tpu.memref_slice %arg9[%dma_wait3A_150, %dma_wait3A_154, %dma_wait3A_155] : memref<2x1536x768xf32, #tpu.memory_space<vmem>> -> memref<1x1536x768xf32, #tpu.memory_space<vmem>>
      %dma_wait3A_157 = tpu.memref_squeeze %dma_wait3A_156 : memref<1x1536x768xf32, #tpu.memory_space<vmem>> -> memref<1536x768xf32, #tpu.memory_space<vmem>>
      %dma_wait3A_158 = arith.constant 0 : i32
      %dma_wait3A_159 = arith.constant 0 : i32
      %dma_wait3A_160 = tpu.memref_slice %arg4[%dma_wait3A, %dma_wait3A_158, %dma_wait3A_159] : memref<8x1536x768xf32, #tpu.memory_space<any>> -> memref<1x1536x768xf32, #tpu.memory_space<any>>
      %dma_wait3A_161 = tpu.memref_squeeze %dma_wait3A_160 : memref<1x1536x768xf32, #tpu.memory_space<any>> -> memref<1536x768xf32, #tpu.memory_space<any>>
      tpu.wait_dma2 semaphore(%dma_wait3A_153 : memref<!tpu.dma_semaphore, #tpu.memory_space<semaphore_mem>>) src(%dma_wait3A_161 : memref<1536x768xf32, #tpu.memory_space<any>>) dst(%dma_wait3A_157 : memref<1536x768xf32, #tpu.memory_space<vmem>>)
      %dma_wait3A_162 = arith.constant 7 : i32
      %dma_wait3A_163 = arith.constant 1 : i32
      %dma_wait3A_164 = arith.constant 1 : i32
      %dma_wait3A_165 = tpu.memref_slice %arg13[%dma_wait3A_164] : memref<2x!tpu.dma_semaphore, #tpu.memory_space<semaphore_mem>> -> memref<1x!tpu.dma_semaphore, #tpu.memory_space<semaphore_mem>>
      %dma_wait3A_166 = tpu.memref_squeeze %dma_wait3A_165 : memref<1x!tpu.dma_semaphore, #tpu.memory_space<semaphore_mem>> -> memref<!tpu.dma_semaphore, #tpu.memory_space<semaphore_mem>>
      %dma_wait3A_167 = arith.constant 0 : i32
      %dma_wait3A_168 = arith.constant 0 : i32
      %dma_wait3A_169 = tpu.memref_slice %arg10[%dma_wait3A_163, %dma_wait3A_167, %dma_wait3A_168] : memref<2x1536x768xf32, #tpu.memory_space<vmem>> -> memref<1x1536x768xf32, #tpu.memory_space<vmem>>
      %dma_wait3A_170 = tpu.memref_squeeze %dma_wait3A_169 : memref<1x1536x768xf32, #tpu.memory_space<vmem>> -> memref<1536x768xf32, #tpu.memory_space<vmem>>
      %dma_wait3A_171 = arith.constant 0 : i32
      %dma_wait3A_172 = arith.constant 0 : i32
      %dma_wait3A_173 = tpu.memref_slice %arg5[%dma_wait3A_162, %dma_wait3A_171, %dma_wait3A_172] : memref<8x1536x768xf32, #tpu.memory_space<any>> -> memref<1x1536x768xf32, #tpu.memory_space<any>>
      %dma_wait3A_174 = tpu.memref_squeeze %dma_wait3A_173 : memref<1x1536x768xf32, #tpu.memory_space<any>> -> memref<1536x768xf32, #tpu.memory_space<any>>
      tpu.wait_dma2 semaphore(%dma_wait3A_166 : memref<!tpu.dma_semaphore, #tpu.memory_space<semaphore_mem>>) src(%dma_wait3A_174 : memref<1536x768xf32, #tpu.memory_space<any>>) dst(%dma_wait3A_170 : memref<1536x768xf32, #tpu.memory_space<vmem>>)
      %dma_wait3A_175 = arith.constant 7 : i32
      %dma_wait3A_176 = arith.constant 1 : i32
      %dma_wait3A_177 = arith.constant 1 : i32
      %dma_wait3A_178 = tpu.memref_slice %arg14[%dma_wait3A_177] : memref<2x!tpu.dma_semaphore, #tpu.memory_space<semaphore_mem>> -> memref<1x!tpu.dma_semaphore, #tpu.memory_space<semaphore_mem>>
      %dma_wait3A_179 = tpu.memref_squeeze %dma_wait3A_178 : memref<1x!tpu.dma_semaphore, #tpu.memory_space<semaphore_mem>> -> memref<!tpu.dma_semaphore, #tpu.memory_space<semaphore_mem>>
      %dma_wait3A_180 = arith.constant 0 : i32
      %dma_wait3A_181 = arith.constant 0 : i32
      %dma_wait3A_182 = tpu.memref_slice %arg11[%dma_wait3A_176, %dma_wait3A_180, %dma_wait3A_181] : memref<2x768x1536xf32, #tpu.memory_space<vmem>> -> memref<1x768x1536xf32, #tpu.memory_space<vmem>>
      %dma_wait3A_183 = tpu.memref_squeeze %dma_wait3A_182 : memref<1x768x1536xf32, #tpu.memory_space<vmem>> -> memref<768x1536xf32, #tpu.memory_space<vmem>>
      %dma_wait3A_184 = arith.constant 0 : i32
      %dma_wait3A_185 = arith.constant 0 : i32
      %dma_wait3A_186 = tpu.memref_slice %arg6[%dma_wait3A_175, %dma_wait3A_184, %dma_wait3A_185] : memref<8x768x1536xf32, #tpu.memory_space<any>> -> memref<1x768x1536xf32, #tpu.memory_space<any>>
      %dma_wait3A_187 = tpu.memref_squeeze %dma_wait3A_186 : memref<1x768x1536xf32, #tpu.memory_space<any>> -> memref<768x1536xf32, #tpu.memory_space<any>>
      tpu.wait_dma2 semaphore(%dma_wait3A_179 : memref<!tpu.dma_semaphore, #tpu.memory_space<semaphore_mem>>) src(%dma_wait3A_187 : memref<768x1536xf32, #tpu.memory_space<any>>) dst(%dma_wait3A_183 : memref<768x1536xf32, #tpu.memory_space<vmem>>)
    } else {
    }
    %get3A_143 = arith.index_cast %arg0 : i32 to index
    %get3A_144 = arith.constant 0 : index
    %get3A_145 = memref.load %arg2[%get3A_143, %get3A_144] : memref<64x1xi32, #tpu.memory_space<smem>>
    %eq3A_146 = arith.cmpi eq, %get3A_145, %arg0 : i32
    %convert_element_type3A_147 = arith.extui %eq3A_146 : i1 to i32
    %cond3A_148 = arith.constant 0 : i32
    %cond3A_149 = arith.cmpi ne, %convert_element_type3A_147, %cond3A_148 : i32
    scf.if %cond3A_149 {
      %jit3A_150 = arith.constant 2 : i32
      %eq3A_151 = arith.constant 0 : i32
      %eq3A_152 = arith.cmpi eq, %jit3A_150, %eq3A_151 : i32
      %jit3A_153 = arith.constant 1 : i32
      %select_n3A_154 = arith.select %eq3A_152, %jit3A_153, %jit3A_150 : i32
      %rem3A = arith.remsi %get3A_1, %select_n3A_154 : i32
      %ne3A = arith.constant 0 : i32
      %ne3A_155 = arith.cmpi ne, %rem3A, %ne3A : i32
      %lt3A = arith.constant 0 : i32
      %lt3A_156 = arith.cmpi slt, %rem3A, %lt3A : i32
      %lt3A_157 = arith.constant 0 : i32
      %lt3A_158 = arith.cmpi slt, %select_n3A_154, %lt3A_157 : i32
      %ne3A_159 = arith.xori %lt3A_156, %lt3A_158 : i1
      %and3A_160 = arith.andi %ne3A_159, %ne3A_155 : i1
      %add3A_161 = arith.addi %rem3A, %select_n3A_154 : i32
      %select_n3A_162 = arith.select %and3A_160, %add3A_161, %rem3A : i32
      %get3A_163 = arith.constant 0 : index
      %get3A_164 = arith.constant 0 : index
      %get3A_165 = vector.load %arg3[%get3A_163, %get3A_164] : memref<128x768xf32, #tpu.memory_space<vmem>>, vector<128x768xf32>
      %get3A_166 = arith.index_cast %select_n3A_162 : i32 to index
      %get3A_167 = arith.constant 0 : index
      %get3A_168 = arith.constant 0 : index
      %get3A_169 = vector.load %arg9[%get3A_166, %get3A_167, %get3A_168] : memref<2x1536x768xf32, #tpu.memory_space<vmem>>, vector<1x1536x768xf32>
      %get3A_170 = vector.shape_cast %get3A_169 : vector<1x1536x768xf32> to vector<1536x768xf32>
      %get3A_171 = arith.index_cast %select_n3A_162 : i32 to index
      %get3A_172 = arith.constant 0 : index
      %get3A_173 = arith.constant 0 : index
      %get3A_174 = vector.load %arg10[%get3A_171, %get3A_172, %get3A_173] : memref<2x1536x768xf32, #tpu.memory_space<vmem>>, vector<1x1536x768xf32>
      %get3A_175 = vector.shape_cast %get3A_174 : vector<1x1536x768xf32> to vector<1536x768xf32>
      %get3A_176 = arith.index_cast %select_n3A_162 : i32 to index
      %get3A_177 = arith.constant 0 : index
      %get3A_178 = arith.constant 0 : index
      %get3A_179 = vector.load %arg11[%get3A_176, %get3A_177, %get3A_178] : memref<2x768x1536xf32, #tpu.memory_space<vmem>>, vector<1x768x1536xf32>
      %get3A_180 = vector.shape_cast %get3A_179 : vector<1x768x1536xf32> to vector<768x1536xf32>
      %dot_general3A = arith.constant dense<0.000000e+00> : vector<128x1536xf32>
      %dot_general3A_181 = tpu.matmul %get3A_165, %get3A_170, %dot_general3A {dimension_numbers = #tpu.dot_dimension_numbers<[1], [1], [0], [0], [0, 0, 1, 0], [], []>, transpose_lhs_hint = false} : vector<128x768xf32>, vector<1536x768xf32>, vector<128x1536xf32> -> vector<128x1536xf32>
      %dot_general3A_182 = arith.constant dense<0.000000e+00> : vector<128x1536xf32>
      %dot_general3A_183 = tpu.matmul %get3A_165, %get3A_175, %dot_general3A_182 {dimension_numbers = #tpu.dot_dimension_numbers<[1], [1], [0], [0], [0, 0, 1, 0], [], []>, transpose_lhs_hint = false} : vector<128x768xf32>, vector<1536x768xf32>, vector<128x1536xf32> -> vector<128x1536xf32>
      %logistic3A = arith.negf %dot_general3A_181 : vector<128x1536xf32>
      %logistic3A_184 = math.exp %logistic3A : vector<128x1536xf32>
      %logistic3A_185 = arith.constant 1.000000e+00 : f32
      %logistic3A_186 = vector.broadcast %logistic3A_185 : f32 to vector<128x1536xf32>
      %logistic3A_187 = arith.addf %logistic3A_186, %logistic3A_184 : vector<128x1536xf32>
      %logistic3A_188 = arith.divf %logistic3A_186, %logistic3A_187 : vector<128x1536xf32>
      %mul3A = arith.mulf %dot_general3A_181, %logistic3A_188 : vector<128x1536xf32>
      %mul3A_189 = arith.mulf %mul3A, %dot_general3A_183 : vector<128x1536xf32>
      %dot_general3A_190 = arith.constant dense<0.000000e+00> : vector<128x768xf32>
      %dot_general3A_191 = tpu.matmul %mul3A_189, %get3A_180, %dot_general3A_190 {dimension_numbers = #tpu.dot_dimension_numbers<[1], [1], [0], [0], [0, 0, 1, 0], [], []>, transpose_lhs_hint = false} : vector<128x1536xf32>, vector<768x1536xf32>, vector<128x768xf32> -> vector<128x768xf32>
      %get3A_192 = arith.constant 0 : index
      %get3A_193 = arith.constant 0 : index
      %get3A_194 = vector.load %arg7[%get3A_192, %get3A_193] : memref<128x128xf32, #tpu.memory_space<vmem>>, vector<128x128xf32>
      %slice3A = vector.extract_strided_slice %get3A_194 {offsets = [0, 0], sizes = [128, 1], strides = [1, 1]} : vector<128x128xf32> to vector<128x1xf32>
      %mul3A_195 = vector.broadcast %slice3A : vector<128x1xf32> to vector<128x768xf32>
      %mul3A_196 = arith.mulf %dot_general3A_191, %mul3A_195 : vector<128x768xf32>
      %swap3A = arith.constant 0 : index
      %swap3A_197 = arith.constant 0 : index
      %swap3A_198 = vector.load %arg8[%swap3A, %swap3A_197] : memref<128x768xf32, #tpu.memory_space<vmem>>, vector<128x768xf32>
      tpu.vector_store %arg8[%swap3A, %swap3A_197], %mul3A_196 {strides = array<i32>} : memref<128x768xf32, #tpu.memory_space<vmem>>, vector<128x768xf32>,
    } else {
    }
    return
  }
  func.func @transform_0(%arg0: i32, %arg1: memref<64x1xi32, #tpu.memory_space<smem>>, %arg2: memref<64x1xi32, #tpu.memory_space<smem>>) -> (i32, i32) {
    %get3A = arith.index_cast %arg0 : i32 to index
    %get3A_0 = arith.constant 0 : index
    %get3A_1 = memref.load %arg2[%get3A, %get3A_0] : memref<64x1xi32, #tpu.memory_space<smem>>
    %c0_i32 = arith.constant 0 : i32
    %c0_i32_2 = arith.constant 0 : i32
    return %get3A_1, %c0_i32 : i32, i32
  }
  func.func @transform_4(%arg0: i32, %arg1: memref<64x1xi32, #tpu.memory_space<smem>>, %arg2: memref<64x1xi32, #tpu.memory_space<smem>>) -> (i32, i32) {
    %get3A = arith.index_cast %arg0 : i32 to index
    %get3A_0 = arith.constant 0 : index
    %get3A_1 = memref.load %arg2[%get3A, %get3A_0] : memref<64x1xi32, #tpu.memory_space<smem>>
    %c0_i32 = arith.constant 0 : i32
    %c0_i32_2 = arith.constant 0 : i32
    return %get3A_1, %c0_i32 : i32, i32
  }
  func.func @transform_5(%arg0: i32, %arg1: memref<64x1xi32, #tpu.memory_space<smem>>, %arg2: memref<64x1xi32, #tpu.memory_space<smem>>) -> (i32, i32) {
    %get3A = arith.index_cast %arg0 : i32 to index
    %get3A_0 = arith.constant 0 : index
    %get3A_1 = memref.load %arg2[%get3A, %get3A_0] : memref<64x1xi32, #tpu.memory_space<smem>>
    %c0_i32 = arith.constant 0 : i32
    %c0_i32_2 = arith.constant 0 : i32
    return %get3A_1, %c0_i32 : i32, i32
  }
}

</mosaic_0001>

<sc_bundles>
// kernel: sc_combine_rows.3.cloned.1.call-start
scs
__scs_entry_jumppad:
0x0: {  	(pc) =	sbr.rel $0x88, $3  }
0x1: {  	(tag) =	ssettag $0x0;
	lr =	simm.s32 $0x1  }
0x2: {  	[smem:$0x3F9C] =	sst lr;
	_ =	strace $0xD0000000  }
0x3: {  	_ = 	snop  }
0x4: {  	_ = 	snop  }
0x5: {  	_ = 	snop  }
0x6: {  	_ = 	snop  }
0x7: {  	_ = 	snop  }
__scs_overlays_trampoline_lowered:
0x8: {  	[smem:$0x3FAB] =	sst s0  }
0x9: {  	[smem:$0x3FAC] =	sst s1  }
0xa: {  	[smem:$0x3FAD] =	sst s2  }
0xb: {  	[smem:$0x3FAE] =	sst s3  }
0xc: {  	[smem:$0x3FAF] =	sst s4  }
0xd: {  	[smem:$0x3FB0] =	sst s5  }
0xe: {  	[smem:$0x3FB1] =	sst s6  }
0xf: {  	[smem:$0x3FB2] =	sst s7  }
0x10: {  	[smem:$0x3FB3] =	sst s8  }
0x11: {  	[smem:$0x3FB4] =	sst s9;
	s0 =	simm.s32 @!p0 $0x0  }
0x12: {  	s1 =	sld [smem:$0x3F9A];
	s0 =	simm.s32 @p0 $0x1  }
0x13: {  	[smem:$0x3FB5] =	sst s0;
	s0 =	simm.s32 @!p1 $0x0  }
0x14: {  	s2 =	sld [smem:$0x3F99];
	s0 =	simm.s32 @p1 $0x1  }
0x15: {  	[smem:$0x3FB6] =	sst s0;
	s0 =	simm.s32 @!p2 $0x0  }
0x16: {  	s3 =	sld [smem:$0x3FDB];
	s0 =	simm.s32 @p2 $0x1  }
0x17: {  	s4 =	simm.s32 $0x1BF5;
	[smem:$0x3FB8] =	sst s0  }
0x18: {  	s0 =	sld [smem:$0x3F9B];
	_ =	swait.ge [sflag:s4], $0x0  }
0x19: {  	s7 =	sld [smem:$0x3F9C]  }
0x1a: {  	s8 =	sadd.s32 $0xFFFFE003, lr  }
0x1b: {  	s9 =	sadd.s32 $0xFFFFFEF7, lr;
	s5 =	simm.s32 $0xFFFFFFFF;
	p2 =	slt.u32 s8, $0xFFFFF086  }
0x1c: {  	p1 =	slt.u32 s9, $0xF7A;
	s5 =	simm.s32 @!p2 $0x0  }
0x1d: {  	s5 =	simm.s32 @p1 $0x1;
	p0 =	seq.s32 s7, s2  }
0x1e: {  	s7 =	smul.u32 @!p0 $0xF7A, s2;
	p2 =	seq.s32 @!p0 s5, $0x0  }
0x1f: {  	s9 =	smul.u32 $0xF7A, s1;
	s8 =	simm.s32 @!p0 $0x1BF5;
	p2 =	por !p2, p0  }
0x20: {  	[sflag:s8] =	ssyncset.s32 @!p0 $0xFFFFF086;
	s6 =	sadd.s32 @!p0 s3, s7;
	s7 =	simm.s32 @!p0 $0x108  }
0x21: {  	s3 =	sadd.s32 s3, s9;
	s6 =	sadd.s32 @!p0 $0x88, s6;
	s7 =	simm.s32 @p2 $0x1082  }
0x22: {  	[simem:s7], [sflag:s8] =	dma.local @!p0 [hbm:s6], $0xF7A  }
0x23: {  	s9 =	sor.u32 $0xD0000000, s2;
	s6 =	simm.s32 $0x108;
	_ =	swait.ge @!p0 [sflag:s8], $0x0  }
0x24: {  	s3 =	sadd.s32 $0x88, s3;
	s6 =	simm.s32 @!p1 $0x1082;
	[sflag:s4] =	ssyncset.s32 $0xFFFFF086  }
0x25: {  	[simem:s6], [sflag:s4] =	dma.local [hbm:s3], $0xF7A  }
0x26: {  	[smem:$0x3F9C] =	sst s1;
	(tag) =	ssettag s2;
	_ =	strace s9  }
0x27: {  	s1 =	sld [smem:$0x3FAC]  }
0x28: {  	s2 =	sld [smem:$0x3FAD]  }
0x29: {  	s4 =	sld [smem:$0x3FAF]  }
0x2a: {  	p0 =	seq.s32 s5, $0x0;
	s5 =	sld [smem:$0x3FB0]  }
0x2b: {  	s6 =	sld [smem:$0x3FB1]  }
0x2c: {  	s7 =	sld [smem:$0x3FB2]  }
0x2d: {  	s3 =	simm.s32 $0x108;
	s8 =	sld [smem:$0x3FB3]  }
0x2e: {  	s3 =	simm.s32 @!p0 $0x1082;
	s9 =	sld [smem:$0x3FB4]  }
0x2f: {  	lr =	sadd.s32 s0, s3;
	s0 =	sld [smem:$0x3FAB]  }
0x30: {  	s3 =	sld [smem:$0x3FAE]  }
0x31: {  	[smem:$0x3FB7] =	sst s10  }
0x32: {  	s10 =	sld [smem:$0x3FB5];
	_ =	sdelay $0x3  }
0x33: {  	p0 =	seq.s32 s10, $0x1;
	s10 =	sld [smem:$0x3FB7];
	_ =	sdelay $0x3  }
0x34: {  	[smem:$0x3FB7] =	sst s10  }
0x35: {  	s10 =	sld [smem:$0x3FB6];
	_ =	sdelay $0x3  }
0x36: {  	p1 =	seq.s32 s10, $0x1;
	s10 =	sld [smem:$0x3FB7];
	_ =	sdelay $0x3  }
0x37: {  	[smem:$0x3FB7] =	sst s10  }
0x38: {  	s10 =	sld [smem:$0x3FB8]  }
0x39: {  	_ = 	snop;
	(pc) =	sbr.ind lr, $3  }
0x3a: {  	_ = 	snop  }
0x3b: {  	_ = 	snop  }
0x3c: {  	p2 =	seq.s32 s10, $0x1;
	s10 =	sld [smem:$0x3FB7]  }
0x3d: {  	_ =	shalt  }
0x3e: {  	_ =	shalt  }
0x3f: {  	_ =	shalt  }
0x40: {  	_ =	shalt  }
0x41: {  	_ =	shalt  }
0x42: {  	_ =	shalt  }
0x43: {  	_ =	shalt  }
0x44: {  	_ =	shalt  }
0x45: {  	_ =	shalt  }
0x46: {  	_ =	shalt  }
0x47: {  	_ =	shalt  }
0x48: {  	_ =	shalt  }
0x49: {  	_ =	shalt  }
0x4a: {  	_ =	shalt  }
0x4b: {  	_ =	shalt  }
0x4c: {  	_ =	shalt  }
0x4d: {  	_ =	shalt  }
0x4e: {  	_ =	shalt  }
0x4f: {  	_ =	shalt  }
0x50: {  	_ =	shalt  }
0x51: {  	_ =	shalt  }
0x52: {  	_ =	shalt  }
0x53: {  	_ =	shalt  }
0x54: {  	_ =	shalt  }
0x55: {  	_ =	shalt  }
0x56: {  	_ =	shalt  }
0x57: {  	_ =	shalt  }
0x58: {  	_ =	shalt  }
0x59: {  	_ =	shalt  }
0x5a: {  	_ =	shalt  }
0x5b: {  	_ =	shalt  }
0x5c: {  	_ =	shalt  }
0x5d: {  	_ =	shalt  }
0x5e: {  	_ =	shalt  }
0x5f: {  	_ =	shalt  }
0x60: {  	_ =	shalt  }
0x61: {  	_ =	shalt  }
0x62: {  	_ =	shalt  }
0x63: {  	_ =	shalt  }
0x64: {  	_ =	shalt  }
0x65: {  	_ =	shalt  }
0x66: {  	_ =	shalt  }
0x67: {  	_ =	shalt  }
0x68: {  	_ =	shalt  }
0x69: {  	_ =	shalt  }
0x6a: {  	_ =	shalt  }
0x6b: {  	_ =	shalt  }
0x6c: {  	_ =	shalt  }
0x6d: {  	_ =	shalt  }
0x6e: {  	_ =	shalt  }
0x6f: {  	_ =	shalt  }
0x70: {  	_ =	shalt  }
0x71: {  	_ =	shalt  }
0x72: {  	_ =	shalt  }
0x73: {  	_ =	shalt  }
0x74: {  	_ =	shalt  }
0x75: {  	_ =	shalt  }
0x76: {  	_ =	shalt  }
0x77: {  	_ =	shalt  }
0x78: {  	_ =	shalt  }
0x79: {  	_ =	shalt  }
0x7a: {  	_ =	shalt  }
0x7b: {  	_ =	shalt  }
0x7c: {  	_ =	shalt  }
0x7d: {  	_ =	shalt  }
0x7e: {  	_ =	shalt  }
0x7f: {  	_ =	shalt  }
0x80: {  	_ =	shalt  }
0x81: {  	_ =	shalt  }
0x82: {  	_ =	shalt  }
0x83: {  	_ =	shalt  }
0x84: {  	_ =	shalt  }
0x85: {  	_ =	shalt  }
0x86: {  	_ =	shalt  }
0x87: {  	_ =	shalt  }
.Lfunc_end0:
.L_simem_size_0:
called_computation.1_lowered:
.L_overlay_start_0:
0x88: {  	s2 =	sld [smem:$0x3FD9]  }
0x89: {  	s3 =	sld [smem:$0x3FFE];
	_ =	sdelay $0x1  }
0x8a: {  	s1 =	srdreg.scid  }
0x8b: {  	s0 =	sand.u32 $0x1, s1  }
0x8c: {  	s14 =	sshll.u32 s0, $0xA;
	s2 =	sadd.s32 s3, s2  }
0x8d: {  	s2 =	sadd.s32 s2, s14  }
0x8e: {  	[smem:$0x3FC3] =	sst s2  }
0x8f: {  	_ = 	snop  }
0x90: {  	s2 =	sld [smem:$0x3FD0];
	_ =	sdelay $0x2  }
0x91: {  	s15 =	simm.s32 $0xA;
	s4 =	simm.s32 $0x10  }
0x92: {  	[smem:s4], [sflag:s15] =	dma.local [hbm:s2], $0x1  }
0x93: {  	_ =	swait.eq [sflag:s15], $0x1  }
0x94: {  	[sflag:s15] =	ssyncset.done $0x0  }
0x95: {  	[sflag:s15] =	ssyncadd.s32 $0xFFFFFFFF  }
0x96: {  	s16 =	sld [smem:$0x10];
	(tm) =	ssettm $0x1  }
0x97: {  	s17 =	sld [smem:$0x3FFB];
	_ =	sdelay $0x3  }
0x98: {  	_ =	strace s17  }
0x99: {  	s3 =	sld [smem:$0x3FFC];
	_ =	sdelay $0x3  }
0x9a: {  	_ =	strace s3  }
0x9b: {  	s3 =	sld [smem:$0x3FFD];
	_ =	sdelay $0x3  }
0x9c: {  	_ =	strace s3  }
0x9d: {  	_ =	strace $0x8FFFFFFF  }
0x9e: {  	s18 =	sld [smem:$0x3FDB];
	_ =	sdelay $0x1  }
0x9f: {  	s19 =	simm.s32 $_scs_section_size  }
0xa0: {  	s5 =	simm.s32 $_size__tile_overlayer_lowered;
	s6 =	simm.s32 $_tile_overlayer_lowered  }
0xa1: {  	s22 =	simm.s32 $0x1BFF;
	s21 =	sshll.u32 s6, $0x1;
	s3 =	sadd.s32 s19, s18  }
0xa2: {  	s7 =	simm.s32 $0x0;
	s20 =	sshll.u32 s5, $0x1;
	s5 =	sadd.s32 s21, s3  }
0xa3: {  	[timem:s7], [sflag:s22] =	dma.local [hbm:s5], s20  }
0xa4: {  	_ =	swait.ge [sflag:s22], s20  }
0xa5: {  	s4 =	ssub.s32 $0x0, s20;
	[sflag:s22] =	ssyncset.done $0x0  }
0xa6: {  	[sflag:s22] =	ssyncadd.s32 s4;
	_ =	sdelay $0x1  }
0xa7: {  	s23 =	simm.s32 $0x1B8B  }
0xa8: {  	_ =	swait.ge [sflag:s23], $0x1  }
0xa9: {  	[sflag:s23] =	ssyncset.done $0x0  }
0xaa: {  	s25 =	simm.s32 $0x1B8E;
	s24 =	sld [smem:$0x3FFE];
	[sflag:s23] =	ssyncadd.s32 $0xFFFFFFFF  }
0xab: {  	s26 =	simm.s32 $execute0_lowered;
	[smem:$0x3FD2] =	sst s25  }
0xac: {  	s5 =	sshll.u32 s26, $0x1;
	_ =	strace $0x80000049;
	[dreg:$0x1] =	wrdreg $0xFFFFFFFF  }
0xad: {  	s28 =	simm.s32 $_size_execute0_lowered;
	s3 =	sadd.s32 s3, s5;
	[dreg:$0x0] =	wrdreg $0x0  }
0xae: {  	s5 =	sshll.u32 s28, $0x1;
	[dreg:$0x2] =	wrdreg s3  }
0xaf: {  	[dreg:$0x3] =	wrdreg s5  }
0xb0: {  	[dreg:$0x4] =	wrdreg $0xC0  }
0xb1: {  	_ =	task [dreg:s7], $0x5FFFF  }
0xb2: {  	[dreg:$0x1] =	wrdreg $0xFFFFFFFF  }
0xb3: {  	[dreg:$0x0] =	wrdreg $0x60  }
0xb4: {  	[dreg:$0x2] =	wrdreg s24  }
0xb5: {  	[dreg:$0x3] =	wrdreg s16  }
0xb6: {  	[dreg:$0x4] =	wrdreg $0x9  }
0xb7: {  	_ =	task.clear_ibuf [dreg:s7], $0x5FFFF;
	_ =	strace $0x90000049  }
0xb8: {  	s29 =	simm.s32 $0x9;
	_ =	strace $0x8000004B  }
0xb9: {  	_ =	swait.ge [sflag:s29], $0x1  }
0xba: {  	[sflag:s29] =	ssyncadd.s32 $0xFFFFFFFF  }
0xbb: {  	_ =	strace $0x9000004B  }
0xbc: {  	_ =	sfence  }
0xbd: {  	s30 =	sld [smem:$0x0];
	_ =	sdelay $0x2  }
0xbe: {  	s31 =	sshll.u32 s1, $0xD;
	s1 =	sshrl.u32 s1, $0x2  }
0xbf: {  	s3 =	sand.u32 $0x4000, s31;
	s1 =	sadd.s32 s1, s30  }
0xc0: {  	s0 =	sor.u32 s3, s0;
	s1 =	sshll.u32 s1, $0x11  }
0xc1: {  	s0 =	sor.u32 s1, s0  }
0xc2: {  	s0 =	sadd.s32 $0x8F2B, s0  }
0xc3: {  	[sflag:s0] =	ssyncadd.remote.s32 $0x1  }
0xc4: {  	_ =	sfence.sel $0xFFFF  }
0xc5: {  	[dreg:$0x0] =	wrdreg $0xFFFFFFFF;
	(pc) =	sbr.abs _section_cstart, $3  }
0xc6: {  	[dreg:$0x1] =	wrdreg $0xFFFFFFFF  }
0xc7: {  	_ =	task.clear_ibuf [dreg:s7], $0x2FFFF;
	_ =	strace $0x9FFFFFFF  }
0xc8: {  	(tm) =	ssettm $0x7FFFFFFF  }
0xc9: {  	_ =	shalt  }
tec
execute0_lowered:
.L_overlay_start_1:
0x0: {  	(tag) =	ssettag $0x1  }
0x1: {  	s0 =	rddreg [dreg:$0x0]  }
0x2: {  	s1 =	rddreg [dreg:$0x1];
	s2 =	simm.s32 $0x0  }
0x3: {  	s3 =	srdreg.scid;
	s5 =	stileid.u32;
	s11 =	simm.s32 $0x1  }
0x4: {  	s12 =	simm.s32 $0x2;
	s13 =	simm.s32 $0x100;
	s31 =	simm.s32 $0x12900  }
0x5: {  	s10 =	simm.s32 $0x14100;
	s14 =	simm.s32 $0x14900;
	s15 =	simm.s32 $0x15100  }
0x6: {  	s16 =	simm.s32 $0x15900;
	s17 =	simm.s32 $0x16100;
	s18 =	simm.s32 $0x16900  }
0x7: {  	s19 =	simm.s32 $0x17100;
	s20 =	simm.s32 $0x17900;
	s21 =	simm.s32 $0x3  }
0x8: {  	s22 =	simm.s32 $0x0;
	s4 =	sand.u32 $0x1, s3;
	s30 =	sshll.u32 s5, $0x1  }
0x9: {  	[smem:$0x7FF] =	sst s2;
	s3 =	sadd.s32 $0x12200, s0;
	s5 =	sor.u32 s4, s30  }
0xa: {  	_ =	strace $0x8000004A;
	s4 =	ssub.s32 $0x2, s4;
	s6 =	sshll.u32 s5, $0x4  }
0xb: {  	s7 =	sshrl.u32 s4, $0x1;
	s8 =	smul.u32 $0x1800, s5;
	s6 =	sadd.s32 s6, s0  }
0xc: {  	v2 =	vlaneseq.u32;
	s9 =	ssub.s32 s4, s7;
	s7 =	sadd.s32 $0x12400, s0;
	s4 =	sadd.s32 $0x11E00, s6  }
0xd: {  	vm0 =	vmmov $0xffff;
	v1 =	vshrl.u32 v2, $0x3;
	s5 =	sadd.s32 $0x12000, s6;
	s6 =	sadd.s32 $0x12300, s0;
	s8 =	sadd.s32 s1, s8  }
0xe: {  	v0 =	vand.u32 $0x7, v2;
	v2 =	vor.u32 $0x8, v2;
	v1 =	vmul.u32 $0x8, v1;
	s9 =	smax.u32 s9, $0x1;
	s0 =	simm.s32 $0x13100;
	s1 =	simm.s32 $0x13900  }
.LBB2_1:
0xf: {  	[tilespmem:s2], [sflag:$0x1] =	stream.linear.gather [hbm4b:s4+s2], $0x80, $0x38;
	[tilespmem:$0x18100] =	vst v63  }
0x10: {  	s23 =	simm.s32 $0x80  }
0x11: {  	[tilespmem:s23], [sflag:$0x2] =	stream.linear.gather [hbm4b:s5+s2], $0x80, $0x38;
	[tilespmem:$0x18100] =	vst v63  }
0x12: {  	_ =	swait.ge [sflag:s11], $0x80  }
0x13: {  	[sflag:s11] =	ssyncset.done $0x0  }
0x14: {  	[sflag:s11] =	ssyncadd.s32 $0xFFFFFF80  }
0x15: {  	_ =	swait.ge [sflag:s12], $0x80  }
0x16: {  	[sflag:s12] =	ssyncset.done $0x0  }
0x17: {  	[sflag:s12] =	ssyncadd.s32 $0xFFFFFF80  }
0x18: {  	v3 =	vld [tilespmem:$0x0];
	_ =	sdelay $0x4  }
0x19: {  	v4 =	vshrl.u32 v3, $0x3  }
0x1a: {  	v4 =	vmul.u32 $0x30, v4  }
0x1b: {  	v3 =	vand.u32 $0x7, v3  }
0x1c: {  	v3 =	vor.u32 v3, v4  }
0x1d: {  	v4 =	vperm.xlane v3, v0;
	_ =	sdelay $0x1  }
0x1e: {  	v4 =	vadd.s32 v1, v4;
	_ =	sdelay $0x3  }
0x1f: {  	v3 =	vperm.xlane v3, v2  }
0x20: {  	[tilespmem:s13], [sflag:$0x1] =	stream.indirect_vreg.gather [hbm4b:s3+s2], $0x80, v4, vm0, $0xb8;
	[tilespmem:$0x18100] =	vst v63  }
0x21: {  	s30 =	simm.s32 $0x900;
	v3 =	vadd.s32 v1, v3  }
0x22: {  	[tilespmem:s30], [sflag:$0x1] =	stream.indirect_vreg.gather [hbm4b:s6+s2], $0x80, v4, vm0, $0xb8;
	[tilespmem:$0x18100] =	vst v63  }
0x23: {  	s24 =	simm.s32 $0x1100  }
0x24: {  	[tilespmem:s24], [sflag:$0x1] =	stream.indirect_vreg.gather [hbm4b:s7+s2], $0x80, v4, vm0, $0xb8;
	[tilespmem:$0x18100] =	vst v63  }
0x25: {  	s25 =	simm.s32 $0x1900  }
0x26: {  	[tilespmem:s25], [sflag:$0x1] =	stream.indirect_vreg.gather [hbm4b:s3+s2], $0x80, v3, vm0, $0xb8;
	[tilespmem:$0x18100] =	vst v63  }
0x27: {  	s26 =	simm.s32 $0x2100  }
0x28: {  	[tilespmem:s26], [sflag:$0x1] =	stream.indirect_vreg.gather [hbm4b:s6+s2], $0x80, v3, vm0, $0xb8;
	[tilespmem:$0x18100] =	vst v63  }
0x29: {  	s28 =	simm.s32 $0x2900  }
0x2a: {  	[tilespmem:s28], [sflag:$0x1] =	stream.indirect_vreg.gather [hbm4b:s7+s2], $0x80, v3, vm0, $0xb8;
	[tilespmem:$0x18100] =	vst v63  }
0x2b: {  	v3 =	vld [tilespmem:$0x10];
	_ =	sdelay $0x4  }
0x2c: {  	v4 =	vshrl.u32 v3, $0x3  }
0x2d: {  	v4 =	vmul.u32 $0x30, v4  }
0x2e: {  	v3 =	vand.u32 $0x7, v3  }
0x2f: {  	v3 =	vor.u32 v3, v4  }
0x30: {  	v4 =	vperm.xlane v3, v0;
	_ =	sdelay $0x1  }
0x31: {  	v4 =	vadd.s32 v1, v4;
	_ =	sdelay $0x3  }
0x32: {  	s29 =	simm.s32 $0x3100;
	v3 =	vperm.xlane v3, v2  }
0x33: {  	[tilespmem:s29], [sflag:$0x1] =	stream.indirect_vreg.gather [hbm4b:s3+s2], $0x80, v4, vm0, $0xb8;
	[tilespmem:$0x18100] =	vst v63  }
0x34: {  	s30 =	simm.s32 $0x3900;
	v3 =	vadd.s32 v1, v3  }
0x35: {  	[tilespmem:s30], [sflag:$0x1] =	stream.indirect_vreg.gather [hbm4b:s6+s2], $0x80, v4, vm0, $0xb8;
	[tilespmem:$0x18100] =	vst v63  }
0x36: {  	s24 =	simm.s32 $0x4100  }
0x37: {  	[tilespmem:s24], [sflag:$0x1] =	stream.indirect_vreg.gather [hbm4b:s7+s2], $0x80, v4, vm0, $0xb8;
	[tilespmem:$0x18100] =	vst v63  }
0x38: {  	s25 =	simm.s32 $0x4900  }
0x39: {  	[tilespmem:s25], [sflag:$0x1] =	stream.indirect_vreg.gather [hbm4b:s3+s2], $0x80, v3, vm0, $0xb8;
	[tilespmem:$0x18100] =	vst v63  }
0x3a: {  	s26 =	simm.s32 $0x5100  }
0x3b: {  	[tilespmem:s26], [sflag:$0x1] =	stream.indirect_vreg.gather [hbm4b:s6+s2], $0x80, v3, vm0, $0xb8;
	[tilespmem:$0x18100] =	vst v63  }
0x3c: {  	s28 =	simm.s32 $0x5900  }
0x3d: {  	[tilespmem:s28], [sflag:$0x1] =	stream.indirect_vreg.gather [hbm4b:s7+s2], $0x80, v3, vm0, $0xb8;
	[tilespmem:$0x18100] =	vst v63  }
0x3e: {  	v3 =	vld [tilespmem:$0x20];
	_ =	sdelay $0x4  }
0x3f: {  	v4 =	vshrl.u32 v3, $0x3  }
0x40: {  	v4 =	vmul.u32 $0x30, v4  }
0x41: {  	v3 =	vand.u32 $0x7, v3  }
0x42: {  	v3 =	vor.u32 v3, v4  }
0x43: {  	v4 =	vperm.xlane v3, v0;
	_ =	sdelay $0x1  }
0x44: {  	v4 =	vadd.s32 v1, v4;
	_ =	sdelay $0x3  }
0x45: {  	s29 =	simm.s32 $0x6100;
	v3 =	vperm.xlane v3, v2  }
0x46: {  	[tilespmem:s29], [sflag:$0x1] =	stream.indirect_vreg.gather [hbm4b:s3+s2], $0x80, v4, vm0, $0xb8;
	[tilespmem:$0x18100] =	vst v63  }
0x47: {  	s30 =	simm.s32 $0x6900;
	v3 =	vadd.s32 v1, v3  }
0x48: {  	[tilespmem:s30], [sflag:$0x1] =	stream.indirect_vreg.gather [hbm4b:s6+s2], $0x80, v4, vm0, $0xb8;
	[tilespmem:$0x18100] =	vst v63  }
0x49: {  	s24 =	simm.s32 $0x7100  }
0x4a: {  	[tilespmem:s24], [sflag:$0x1] =	stream.indirect_vreg.gather [hbm4b:s7+s2], $0x80, v4, vm0, $0xb8;
	[tilespmem:$0x18100] =	vst v63  }
0x4b: {  	s25 =	simm.s32 $0x7900  }
0x4c: {  	[tilespmem:s25], [sflag:$0x1] =	stream.indirect_vreg.gather [hbm4b:s3+s2], $0x80, v3, vm0, $0xb8;
	[tilespmem:$0x18100] =	vst v63  }
0x4d: {  	s26 =	simm.s32 $0x8100  }
0x4e: {  	[tilespmem:s26], [sflag:$0x1] =	stream.indirect_vreg.gather [hbm4b:s6+s2], $0x80, v3, vm0, $0xb8;
	[tilespmem:$0x18100] =	vst v63  }
0x4f: {  	s28 =	simm.s32 $0x8900  }
0x50: {  	[tilespmem:s28], [sflag:$0x1] =	stream.indirect_vreg.gather [hbm4b:s7+s2], $0x80, v3, vm0, $0xb8;
	[tilespmem:$0x18100] =	vst v63  }
0x51: {  	v3 =	vld [tilespmem:$0x30];
	_ =	sdelay $0x4  }
0x52: {  	v4 =	vshrl.u32 v3, $0x3  }
0x53: {  	v4 =	vmul.u32 $0x30, v4  }
0x54: {  	v3 =	vand.u32 $0x7, v3  }
0x55: {  	v3 =	vor.u32 v3, v4  }
0x56: {  	v4 =	vperm.xlane v3, v0;
	_ =	sdelay $0x1  }
0x57: {  	v4 =	vadd.s32 v1, v4;
	_ =	sdelay $0x3  }
0x58: {  	s29 =	simm.s32 $0x9100;
	v3 =	vperm.xlane v3, v2  }
0x59: {  	[tilespmem:s29], [sflag:$0x1] =	stream.indirect_vreg.gather [hbm4b:s3+s2], $0x80, v4, vm0, $0xb8;
	[tilespmem:$0x18100] =	vst v63  }
0x5a: {  	s30 =	simm.s32 $0x9900;
	v3 =	vadd.s32 v1, v3  }
0x5b: {  	[tilespmem:s30], [sflag:$0x1] =	stream.indirect_vreg.gather [hbm4b:s6+s2], $0x80, v4, vm0, $0xb8;
	[tilespmem:$0x18100] =	vst v63  }
0x5c: {  	s24 =	simm.s32 $0xA100  }
0x5d: {  	[tilespmem:s24], [sflag:$0x1] =	stream.indirect_vreg.gather [hbm4b:s7+s2], $0x80, v4, vm0, $0xb8;
	[tilespmem:$0x18100] =	vst v63  }
0x5e: {  	s25 =	simm.s32 $0xA900  }
0x5f: {  	[tilespmem:s25], [sflag:$0x1] =	stream.indirect_vreg.gather [hbm4b:s3+s2], $0x80, v3, vm0, $0xb8;
	[tilespmem:$0x18100] =	vst v63  }
0x60: {  	s26 =	simm.s32 $0xB100  }
0x61: {  	[tilespmem:s26], [sflag:$0x1] =	stream.indirect_vreg.gather [hbm4b:s6+s2], $0x80, v3, vm0, $0xb8;
	[tilespmem:$0x18100] =	vst v63  }
0x62: {  	s28 =	simm.s32 $0xB900  }
0x63: {  	[tilespmem:s28], [sflag:$0x1] =	stream.indirect_vreg.gather [hbm4b:s7+s2], $0x80, v3, vm0, $0xb8;
	[tilespmem:$0x18100] =	vst v63  }
0x64: {  	v3 =	vld [tilespmem:$0x80];
	_ =	sdelay $0x4  }
0x65: {  	v4 =	vshrl.u32 v3, $0x3  }
0x66: {  	v4 =	vmul.u32 $0x30, v4  }
0x67: {  	v3 =	vand.u32 $0x7, v3  }
0x68: {  	v3 =	vor.u32 v3, v4  }
0x69: {  	v4 =	vperm.xlane v3, v0;
	_ =	sdelay $0x1  }
0x6a: {  	v4 =	vadd.s32 v1, v4;
	_ =	sdelay $0x3  }
0x6b: {  	s29 =	simm.s32 $0xC100;
	v3 =	vperm.xlane v3, v2  }
0x6c: {  	[tilespmem:s29], [sflag:$0x2] =	stream.indirect_vreg.gather [hbm4b:s3+s2], $0x80, v4, vm0, $0xb8;
	[tilespmem:$0x18100] =	vst v63  }
0x6d: {  	s30 =	simm.s32 $0xC900;
	v3 =	vadd.s32 v1, v3  }
0x6e: {  	[tilespmem:s30], [sflag:$0x2] =	stream.indirect_vreg.gather [hbm4b:s6+s2], $0x80, v4, vm0, $0xb8;
	[tilespmem:$0x18100] =	vst v63  }
0x6f: {  	s24 =	simm.s32 $0xD100  }
0x70: {  	[tilespmem:s24], [sflag:$0x2] =	stream.indirect_vreg.gather [hbm4b:s7+s2], $0x80, v4, vm0, $0xb8;
	[tilespmem:$0x18100] =	vst v63  }
0x71: {  	s25 =	simm.s32 $0xD900  }
0x72: {  	[tilespmem:s25], [sflag:$0x2] =	stream.indirect_vreg.gather [hbm4b:s3+s2], $0x80, v3, vm0, $0xb8;
	[tilespmem:$0x18100] =	vst v63  }
0x73: {  	s26 =	simm.s32 $0xE100  }
0x74: {  	[tilespmem:s26], [sflag:$0x2] =	stream.indirect_vreg.gather [hbm4b:s6+s2], $0x80, v3, vm0, $0xb8;
	[tilespmem:$0x18100] =	vst v63  }
0x75: {  	s28 =	simm.s32 $0xE900  }
0x76: {  	[tilespmem:s28], [sflag:$0x2] =	stream.indirect_vreg.gather [hbm4b:s7+s2], $0x80, v3, vm0, $0xb8;
	[tilespmem:$0x18100] =	vst v63  }
0x77: {  	v3 =	vld [tilespmem:$0x90];
	_ =	sdelay $0x4  }
0x78: {  	v4 =	vshrl.u32 v3, $0x3  }
0x79: {  	v4 =	vmul.u32 $0x30, v4  }
0x7a: {  	v3 =	vand.u32 $0x7, v3  }
0x7b: {  	v3 =	vor.u32 v3, v4  }
0x7c: {  	v4 =	vperm.xlane v3, v0;
	_ =	sdelay $0x1  }
0x7d: {  	v4 =	vadd.s32 v1, v4;
	_ =	sdelay $0x3  }
0x7e: {  	s29 =	simm.s32 $0xF100;
	v3 =	vperm.xlane v3, v2  }
0x7f: {  	[tilespmem:s29], [sflag:$0x2] =	stream.indirect_vreg.gather [hbm4b:s3+s2], $0x80, v4, vm0, $0xb8;
	[tilespmem:$0x18100] =	vst v63  }
0x80: {  	s30 =	simm.s32 $0xF900;
	v3 =	vadd.s32 v1, v3  }
0x81: {  	[tilespmem:s30], [sflag:$0x2] =	stream.indirect_vreg.gather [hbm4b:s6+s2], $0x80, v4, vm0, $0xb8;
	[tilespmem:$0x18100] =	vst v63  }
0x82: {  	s24 =	simm.s32 $0x10100  }
0x83: {  	[tilespmem:s24], [sflag:$0x2] =	stream.indirect_vreg.gather [hbm4b:s7+s2], $0x80, v4, vm0, $0xb8;
	[tilespmem:$0x18100] =	vst v63  }
0x84: {  	s25 =	simm.s32 $0x10900  }
0x85: {  	[tilespmem:s25], [sflag:$0x2] =	stream.indirect_vreg.gather [hbm4b:s3+s2], $0x80, v3, vm0, $0xb8;
	[tilespmem:$0x18100] =	vst v63  }
0x86: {  	s26 =	simm.s32 $0x11100  }
0x87: {  	[tilespmem:s26], [sflag:$0x2] =	stream.indirect_vreg.gather [hbm4b:s6+s2], $0x80, v3, vm0, $0xb8;
	[tilespmem:$0x18100] =	vst v63  }
0x88: {  	s28 =	simm.s32 $0x11900  }
0x89: {  	[tilespmem:s28], [sflag:$0x2] =	stream.indirect_vreg.gather [hbm4b:s7+s2], $0x80, v3, vm0, $0xb8;
	[tilespmem:$0x18100] =	vst v63  }
0x8a: {  	v3 =	vld [tilespmem:$0xA0];
	_ =	sdelay $0x4  }
0x8b: {  	v4 =	vshrl.u32 v3, $0x3  }
0x8c: {  	v4 =	vmul.u32 $0x30, v4  }
0x8d: {  	v3 =	vand.u32 $0x7, v3  }
0x8e: {  	v3 =	vor.u32 v3, v4  }
0x8f: {  	v4 =	vperm.xlane v3, v0;
	_ =	sdelay $0x1  }
0x90: {  	v4 =	vadd.s32 v1, v4;
	_ =	sdelay $0x3  }
0x91: {  	s29 =	simm.s32 $0x12100;
	v3 =	vperm.xlane v3, v2  }
0x92: {  	[tilespmem:s29], [sflag:$0x2] =	stream.indirect_vreg.gather [hbm4b:s3+s2], $0x80, v4, vm0, $0xb8;
	[tilespmem:$0x18100] =	vst v63  }
0x93: {  	v3 =	vadd.s32 v1, v3  }
0x94: {  	[tilespmem:s31], [sflag:$0x2] =	stream.indirect_vreg.gather [hbm4b:s6+s2], $0x80, v4, vm0, $0xb8;
	[tilespmem:$0x18100] =	vst v63  }
0x95: {  	_ = 	snop  }
0x96: {  	[tilespmem:s0], [sflag:$0x2] =	stream.indirect_vreg.gather [hbm4b:s7+s2], $0x80, v4, vm0, $0xb8;
	[tilespmem:$0x18100] =	vst v63  }
0x97: {  	_ = 	snop  }
0x98: {  	[tilespmem:s1], [sflag:$0x2] =	stream.indirect_vreg.gather [hbm4b:s3+s2], $0x80, v3, vm0, $0xb8;
	[tilespmem:$0x18100] =	vst v63  }
0x99: {  	_ = 	snop  }
0x9a: {  	[tilespmem:s10], [sflag:$0x2] =	stream.indirect_vreg.gather [hbm4b:s6+s2], $0x80, v3, vm0, $0xb8;
	[tilespmem:$0x18100] =	vst v63  }
0x9b: {  	_ = 	snop  }
0x9c: {  	[tilespmem:s14], [sflag:$0x2] =	stream.indirect_vreg.gather [hbm4b:s7+s2], $0x80, v3, vm0, $0xb8;
	[tilespmem:$0x18100] =	vst v63  }
0x9d: {  	v3 =	vld [tilespmem:$0xB0];
	_ =	sdelay $0x4  }
0x9e: {  	v4 =	vshrl.u32 v3, $0x3  }
0x9f: {  	v4 =	vmul.u32 $0x30, v4  }
0xa0: {  	v3 =	vand.u32 $0x7, v3  }
0xa1: {  	v3 =	vor.u32 v3, v4  }
0xa2: {  	v4 =	vperm.xlane v3, v0;
	_ =	sdelay $0x1  }
0xa3: {  	v4 =	vadd.s32 v1, v4;
	_ =	sdelay $0x3  }
0xa4: {  	v3 =	vperm.xlane v3, v2  }
0xa5: {  	[tilespmem:s15], [sflag:$0x2] =	stream.indirect_vreg.gather [hbm4b:s3+s2], $0x80, v4, vm0, $0xb8;
	[tilespmem:$0x18100] =	vst v63  }
0xa6: {  	v3 =	vadd.s32 v1, v3  }
0xa7: {  	[tilespmem:s16], [sflag:$0x2] =	stream.indirect_vreg.gather [hbm4b:s6+s2], $0x80, v4, vm0, $0xb8;
	[tilespmem:$0x18100] =	vst v63  }
0xa8: {  	_ = 	snop  }
0xa9: {  	[tilespmem:s17], [sflag:$0x2] =	stream.indirect_vreg.gather [hbm4b:s7+s2], $0x80, v4, vm0, $0xb8;
	[tilespmem:$0x18100] =	vst v63  }
0xaa: {  	_ = 	snop  }
0xab: {  	[tilespmem:s18], [sflag:$0x2] =	stream.indirect_vreg.gather [hbm4b:s3+s2], $0x80, v3, vm0, $0xb8;
	[tilespmem:$0x18100] =	vst v63  }
0xac: {  	_ = 	snop  }
0xad: {  	[tilespmem:s19], [sflag:$0x2] =	stream.indirect_vreg.gather [hbm4b:s6+s2], $0x80, v3, vm0, $0xb8;
	[tilespmem:$0x18100] =	vst v63  }
0xae: {  	s30 =	smulhi.u32 $0xAAAAAAAB, s2  }
0xaf: {  	[tilespmem:s20], [sflag:$0x2] =	stream.indirect_vreg.gather [hbm4b:s7+s2], $0x80, v3, vm0, $0xb8;
	[tilespmem:$0x18100] =	vst v63  }
0xb0: {  	s24 =	sshrl.u32 s30, $0x8;
	_ =	swait.ge [sflag:s11], $0xC000  }
0xb1: {  	s23 =	sshll.u32 s30, $0x2;
	s24 =	smul.u32 $0x1800, s24;
	[sflag:s11] =	ssyncset.done $0x0  }
0xb2: {  	s23 =	sand.u32 $0x380, s23;
	s25 =	sshrl.u32 s30, $0x5;
	[sflag:s11] =	ssyncadd.s32 $0xFFFF4000  }
0xb3: {  	s24 =	sadd.s32 $0x0, s24;
	s25 =	smul.u32 $0x1800, s25;
	_ =	swait.ge [sflag:s12], $0xC000  }
0xb4: {  	s23 =	sadd.s32 s23, s24;
	[sflag:s12] =	ssyncset.done $0x0  }
0xb5: {  	s23 =	ssub.s32 s23, s25;
	[sflag:s12] =	ssyncadd.s32 $0xFFFF4000  }
0xb6: {  	v5 =	vld [tilespmem:s23+$0x170]  }
0xb7: {  	v9 =	vld [tilespmem:s23+$0xC170]  }
0xb8: {  	v6 =	vld [tilespmem:s23+$0x100]  }
0xb9: {  	v8 =	vld [tilespmem:s23+$0xC100]  }
0xba: {  	v4 =	vld [tilespmem:s23+$0x110]  }
0xbb: {  	v7 =	vld [tilespmem:s23+$0xC110]  }
0xbc: {  	v3 =	vld [tilespmem:s23+$0x120];
	v9 =	vadd.f32 v9, v5  }
0xbd: {  	s24 =	simm.s32 $0x0;
	s26 =	simm.s32 $0x0;
	s25 =	simm.s32 $0x8;
	v5 =	vld [tilespmem:s23+$0xC120]  }
.LBB2_2:
0xbe: {  	s28 =	smulhi.u32 $0xAAAAAAAB, s25;
	v6 =	vadd.f32 v8, v6;
	v8 =	vld [tilespmem:s23+$0x130];
	[tilespmem:s23+$0x170] =	vst v9  }
0xbf: {  	s24 =	sadd.s32 $0x8, s24;
	v9 =	vld [tilespmem:s23+$0xC130]  }
0xc0: {  	p0 =	slt.u32 s24, $0xBF8;
	s29 =	sshrl.u32 s28, $0x8;
	[tilespmem:s23+$0x100] =	vst v6;
	v4 =	vadd.f32 v7, v4;
	v6 =	vld [tilespmem:s23+$0x140]  }
0xc1: {  	s29 =	smul.u32 $0x1800, s29;
	v7 =	vld [tilespmem:s23+$0xC140]  }
0xc2: {  	s26 =	sadd.s32 $0x400, s26;
	s30 =	sshrl.u32 s28, $0x5;
	s28 =	sshll.u32 s28, $0x2;
	[tilespmem:s23+$0x110] =	vst v4;
	v3 =	vadd.f32 v5, v3;
	v4 =	vld [tilespmem:s23+$0x150]  }
0xc3: {  	s28 =	sand.u32 $0x380, s28;
	s30 =	smul.u32 $0x1800, s30;
	s29 =	sadd.s32 s29, s26;
	v5 =	vld [tilespmem:s23+$0xC150]  }
0xc4: {  	s28 =	sadd.s32 s28, s29;
	[tilespmem:s23+$0x120] =	vst v3;
	v3 =	vadd.f32 v9, v8;
	v9 =	vld [tilespmem:s23+$0x160]  }
0xc5: {  	s28 =	ssub.s32 s28, s30;
	v10 =	vld [tilespmem:s23+$0xC160]  }
0xc6: {  	v11 =	vld [tilespmem:s28+$0x170];
	[tilespmem:s23+$0x130] =	vst v3;
	v3 =	vadd.f32 v7, v6  }
0xc7: {  	v12 =	vld [tilespmem:s28+$0xC170]  }
0xc8: {  	v6 =	vld [tilespmem:s28+$0x100];
	[tilespmem:s23+$0x140] =	vst v3;
	v3 =	vadd.f32 v5, v4  }
.Ltmp0:
0xc9: {  	v8 =	vld [tilespmem:s28+$0xC100];
	(pc) =	sbr.rel @p0 .LBB2_2-.Ltmp0, $4  }
0xca: {  	v4 =	vld [tilespmem:s28+$0x110];
	[tilespmem:s23+$0x150] =	vst v3;
	v5 =	vadd.f32 v10, v9  }
0xcb: {  	v7 =	vld [tilespmem:s28+$0xC110]  }
0xcc: {  	v3 =	vld [tilespmem:s28+$0x120];
	v9 =	vadd.f32 v12, v11;
	[tilespmem:s23+$0x160] =	vst v5;
	s23 =	smov.u32 s28  }
0xcd: {  	s25 =	sadd.s32 $0x8, s25;
	v5 =	vld [tilespmem:s23+$0xC120]  }
0xce: {  	v10 =	vld [tilespmem:s23+$0x130]  }
0xcf: {  	v11 =	vld [tilespmem:s23+$0xC130]  }
0xd0: {  	v12 =	vld [tilespmem:s23+$0x140]  }
0xd1: {  	v13 =	vld [tilespmem:s23+$0xC140]  }
0xd2: {  	v14 =	vld [tilespmem:s23+$0x150]  }
0xd3: {  	v15 =	vld [tilespmem:s23+$0xC150]  }
0xd4: {  	v6 =	vadd.f32 v8, v6;
	v60 =	vld [tilespmem:s23+$0x160]  }
0xd5: {  	[tilespmem:s23+$0x170] =	vst v9;
	v61 =	vld [tilespmem:s23+$0xC160];
	v4 =	vadd.f32 v7, v4  }
0xd6: {  	[tilespmem:s23+$0x100] =	vst v6;
	v3 =	vadd.f32 v5, v3  }
0xd7: {  	[tilespmem:s23+$0x110] =	vst v4;
	v62 =	vadd.f32 v11, v10  }
0xd8: {  	[tilespmem:s23+$0x120] =	vst v3;
	v3 =	vadd.f32 v13, v12  }
0xd9: {  	v63 =	vadd.f32 v15, v14;
	[tilespmem:s23+$0x130] =	vst v62  }
0xda: {  	s22 =	sadd.s32 $0x1, s22;
	[tilespmem:s23+$0x140] =	vst v3;
	v3 =	vadd.f32 v61, v60  }
0xdb: {  	p0 =	sne.s32 s22, s9;
	[tilespmem:s23+$0x150] =	vst v63  }
.Ltmp1:
0xdc: {  	[tilespmem:s23+$0x160] =	vst v3;
	(pc) =	sbr.rel @p0 .LBB2_1-.Ltmp1, $4  }
0xdd: {  	[hbm4b:s8+s2] =	stream.linear.scatter [tilespmem:s13], [sflag:$0x3], $0xC000, $0x38;
	[tilespmem:$0x18100] =	vst v63  }
0xde: {  	_ =	swait.ge [sflag:s21], $0xC000  }
0xdf: {  	[sflag:s21] =	ssyncset.done $0x0  }
0xe0: {  	[sflag:s21] =	ssyncadd.s32 $0xFFFF4000  }
0xe1: {  	_ =	sfence.sel $0x180000  }
0xe2: {  	[bflag:$0x0] =	sbarrier.arrive $0xFFFF  }
0xe3: {  	_ =	strace $0x9000004A  }
0xe4: {  	s0 =	stileid.u32;
	[bflag:$0x2] =	sbarrier.arrive $0xFFFF  }
0xe5: {  	p0 =	sne.s32 s0, $0x0;
	s0 =	rddreg [dreg:$0x2]  }
0xe6: {  	s0 =	sadd.s32 @!p0 $0x100000, s0  }
0xe7: {  	[sflag:s0] =	ssyncadd.tile.s32 @!p0 $0x1;
	_ =	shalt  }
.Lfunc_end2:
_tile_overlayer_lowered:
.L_overlay_start_2:
0xe8: {  	(tag) =	ssettag $0x2  }
0xe9: {  	s0 =	rddreg [dreg:$0x0];
	s2 =	stileid.u32  }
0xea: {  	s1 =	rddreg [dreg:$0x1];
	p0 =	sne.s32 s2, $0x0  }
0xeb: {  	s3 =	rddreg [dreg:$0x2];
	[bflag:$0x3] =	sbarrier.arrive $0xFFFF;
	s2 =	simm.s32 @!p0 $0x1C03  }
0xec: {  	[timem:s3], [sflag:s2] =	dma.local @!p0 [hbm:s0], s1  }
0xed: {  	s0 =	simm.s32 @!p0 $0x3  }
0xee: {  	_ =	swait.ge @!p0 [sflag:s0], s1  }
0xef: {  	s1 =	ssub.s32 @!p0 $0x0, s1;
	[sflag:s0] =	ssyncset.done @!p0 $0x0  }
0xf0: {  	[sflag:s0] =	ssyncadd.s32 @!p0 s1  }
0xf1: {  	[bflag:$0x3] =	sbarrier.arrive $0xFFFF  }
0xf2: {  	_ =	shalt  }

// kernel: sc_dispatch.3.cloned.1.call-start
scs
__scs_entry_jumppad:
0x0: {  	(pc) =	sbr.rel $0x88, $3  }
0x1: {  	(tag) =	ssettag $0x0;
	lr =	simm.s32 $0x1  }
0x2: {  	[smem:$0x3F9C] =	sst lr;
	_ =	strace $0xD0000000  }
0x3: {  	_ = 	snop  }
0x4: {  	_ = 	snop  }
0x5: {  	_ = 	snop  }
0x6: {  	_ = 	snop  }
0x7: {  	_ = 	snop  }
__scs_overlays_trampoline_lowered:
0x8: {  	[smem:$0x3FAB] =	sst s0  }
0x9: {  	[smem:$0x3FAC] =	sst s1  }
0xa: {  	[smem:$0x3FAD] =	sst s2  }
0xb: {  	[smem:$0x3FAE] =	sst s3  }
0xc: {  	[smem:$0x3FAF] =	sst s4  }
0xd: {  	[smem:$0x3FB0] =	sst s5  }
0xe: {  	[smem:$0x3FB1] =	sst s6  }
0xf: {  	[smem:$0x3FB2] =	sst s7  }
0x10: {  	[smem:$0x3FB3] =	sst s8  }
0x11: {  	[smem:$0x3FB4] =	sst s9;
	s0 =	simm.s32 @!p0 $0x0  }
0x12: {  	s1 =	sld [smem:$0x3F9A];
	s0 =	simm.s32 @p0 $0x1  }
0x13: {  	[smem:$0x3FB5] =	sst s0;
	s0 =	simm.s32 @!p1 $0x0  }
0x14: {  	s2 =	sld [smem:$0x3F99];
	s0 =	simm.s32 @p1 $0x1  }
0x15: {  	[smem:$0x3FB6] =	sst s0;
	s0 =	simm.s32 @!p2 $0x0  }
0x16: {  	s3 =	sld [smem:$0x3FDB];
	s0 =	simm.s32 @p2 $0x1  }
0x17: {  	s4 =	simm.s32 $0x1BF5;
	[smem:$0x3FB8] =	sst s0  }
0x18: {  	s0 =	sld [smem:$0x3F9B];
	_ =	swait.ge [sflag:s4], $0x0  }
0x19: {  	s7 =	sld [smem:$0x3F9C]  }
0x1a: {  	s8 =	sadd.s32 $0xFFFFE003, lr  }
0x1b: {  	s9 =	sadd.s32 $0xFFFFFEF7, lr;
	s5 =	simm.s32 $0xFFFFFFFF;
	p2 =	slt.u32 s8, $0xFFFFF086  }
0x1c: {  	p1 =	slt.u32 s9, $0xF7A;
	s5 =	simm.s32 @!p2 $0x0  }
0x1d: {  	s5 =	simm.s32 @p1 $0x1;
	p0 =	seq.s32 s7, s2  }
0x1e: {  	s7 =	smul.u32 @!p0 $0xF7A, s2;
	p2 =	seq.s32 @!p0 s5, $0x0  }
0x1f: {  	s9 =	smul.u32 $0xF7A, s1;
	s8 =	simm.s32 @!p0 $0x1BF5;
	p2 =	por !p2, p0  }
0x20: {  	[sflag:s8] =	ssyncset.s32 @!p0 $0xFFFFF086;
	s6 =	sadd.s32 @!p0 s3, s7;
	s7 =	simm.s32 @!p0 $0x108  }
0x21: {  	s3 =	sadd.s32 s3, s9;
	s6 =	sadd.s32 @!p0 $0x88, s6;
	s7 =	simm.s32 @p2 $0x1082  }
0x22: {  	[simem:s7], [sflag:s8] =	dma.local @!p0 [hbm:s6], $0xF7A  }
0x23: {  	s9 =	sor.u32 $0xD0000000, s2;
	s6 =	simm.s32 $0x108;
	_ =	swait.ge @!p0 [sflag:s8], $0x0  }
0x24: {  	s3 =	sadd.s32 $0x88, s3;
	s6 =	simm.s32 @!p1 $0x1082;
	[sflag:s4] =	ssyncset.s32 $0xFFFFF086  }
0x25: {  	[simem:s6], [sflag:s4] =	dma.local [hbm:s3], $0xF7A  }
0x26: {  	[smem:$0x3F9C] =	sst s1;
	(tag) =	ssettag s2;
	_ =	strace s9  }
0x27: {  	s1 =	sld [smem:$0x3FAC]  }
0x28: {  	s2 =	sld [smem:$0x3FAD]  }
0x29: {  	s4 =	sld [smem:$0x3FAF]  }
0x2a: {  	p0 =	seq.s32 s5, $0x0;
	s5 =	sld [smem:$0x3FB0]  }
0x2b: {  	s6 =	sld [smem:$0x3FB1]  }
0x2c: {  	s7 =	sld [smem:$0x3FB2]  }
0x2d: {  	s3 =	simm.s32 $0x108;
	s8 =	sld [smem:$0x3FB3]  }
0x2e: {  	s3 =	simm.s32 @!p0 $0x1082;
	s9 =	sld [smem:$0x3FB4]  }
0x2f: {  	lr =	sadd.s32 s0, s3;
	s0 =	sld [smem:$0x3FAB]  }
0x30: {  	s3 =	sld [smem:$0x3FAE]  }
0x31: {  	[smem:$0x3FB7] =	sst s10  }
0x32: {  	s10 =	sld [smem:$0x3FB5];
	_ =	sdelay $0x3  }
0x33: {  	p0 =	seq.s32 s10, $0x1;
	s10 =	sld [smem:$0x3FB7];
	_ =	sdelay $0x3  }
0x34: {  	[smem:$0x3FB7] =	sst s10  }
0x35: {  	s10 =	sld [smem:$0x3FB6];
	_ =	sdelay $0x3  }
0x36: {  	p1 =	seq.s32 s10, $0x1;
	s10 =	sld [smem:$0x3FB7];
	_ =	sdelay $0x3  }
0x37: {  	[smem:$0x3FB7] =	sst s10  }
0x38: {  	s10 =	sld [smem:$0x3FB8]  }
0x39: {  	_ = 	snop;
	(pc) =	sbr.ind lr, $3  }
0x3a: {  	_ = 	snop  }
0x3b: {  	_ = 	snop  }
0x3c: {  	p2 =	seq.s32 s10, $0x1;
	s10 =	sld [smem:$0x3FB7]  }
0x3d: {  	_ =	shalt  }
0x3e: {  	_ =	shalt  }
0x3f: {  	_ =	shalt  }
0x40: {  	_ =	shalt  }
0x41: {  	_ =	shalt  }
0x42: {  	_ =	shalt  }
0x43: {  	_ =	shalt  }
0x44: {  	_ =	shalt  }
0x45: {  	_ =	shalt  }
0x46: {  	_ =	shalt  }
0x47: {  	_ =	shalt  }
0x48: {  	_ =	shalt  }
0x49: {  	_ =	shalt  }
0x4a: {  	_ =	shalt  }
0x4b: {  	_ =	shalt  }
0x4c: {  	_ =	shalt  }
0x4d: {  	_ =	shalt  }
0x4e: {  	_ =	shalt  }
0x4f: {  	_ =	shalt  }
0x50: {  	_ =	shalt  }
0x51: {  	_ =	shalt  }
0x52: {  	_ =	shalt  }
0x53: {  	_ =	shalt  }
0x54: {  	_ =	shalt  }
0x55: {  	_ =	shalt  }
0x56: {  	_ =	shalt  }
0x57: {  	_ =	shalt  }
0x58: {  	_ =	shalt  }
0x59: {  	_ =	shalt  }
0x5a: {  	_ =	shalt  }
0x5b: {  	_ =	shalt  }
0x5c: {  	_ =	shalt  }
0x5d: {  	_ =	shalt  }
0x5e: {  	_ =	shalt  }
0x5f: {  	_ =	shalt  }
0x60: {  	_ =	shalt  }
0x61: {  	_ =	shalt  }
0x62: {  	_ =	shalt  }
0x63: {  	_ =	shalt  }
0x64: {  	_ =	shalt  }
0x65: {  	_ =	shalt  }
0x66: {  	_ =	shalt  }
0x67: {  	_ =	shalt  }
0x68: {  	_ =	shalt  }
0x69: {  	_ =	shalt  }
0x6a: {  	_ =	shalt  }
0x6b: {  	_ =	shalt  }
0x6c: {  	_ =	shalt  }
0x6d: {  	_ =	shalt  }
0x6e: {  	_ =	shalt  }
0x6f: {  	_ =	shalt  }
0x70: {  	_ =	shalt  }
0x71: {  	_ =	shalt  }
0x72: {  	_ =	shalt  }
0x73: {  	_ =	shalt  }
0x74: {  	_ =	shalt  }
0x75: {  	_ =	shalt  }
0x76: {  	_ =	shalt  }
0x77: {  	_ =	shalt  }
0x78: {  	_ =	shalt  }
0x79: {  	_ =	shalt  }
0x7a: {  	_ =	shalt  }
0x7b: {  	_ =	shalt  }
0x7c: {  	_ =	shalt  }
0x7d: {  	_ =	shalt  }
0x7e: {  	_ =	shalt  }
0x7f: {  	_ =	shalt  }
0x80: {  	_ =	shalt  }
0x81: {  	_ =	shalt  }
0x82: {  	_ =	shalt  }
0x83: {  	_ =	shalt  }
0x84: {  	_ =	shalt  }
0x85: {  	_ =	shalt  }
0x86: {  	_ =	shalt  }
0x87: {  	_ =	shalt  }
.Lfunc_end0:
.L_simem_size_0:
called_computation_lowered:
.L_overlay_start_0:
0x88: {  	s2 =	sld [smem:$0x3FD9]  }
0x89: {  	s3 =	sld [smem:$0x3FFE];
	_ =	sdelay $0x1  }
0x8a: {  	s1 =	srdreg.scid  }
0x8b: {  	s0 =	sand.u32 $0x1, s1  }
0x8c: {  	s14 =	sshll.u32 s0, $0xA;
	s2 =	sadd.s32 s3, s2  }
0x8d: {  	s2 =	sadd.s32 s2, s14  }
0x8e: {  	[smem:$0x3FC3] =	sst s2  }
0x8f: {  	_ = 	snop  }
0x90: {  	s2 =	sld [smem:$0x3FD0];
	_ =	sdelay $0x2  }
0x91: {  	s4 =	simm.s32 $0xA;
	s5 =	simm.s32 $0x10;
	s15 =	sld [smem:$0x3FC9]  }
0x92: {  	[smem:s5], [sflag:s4] =	dma.local [hbm:s2], $0x1  }
0x93: {  	_ =	swait.eq [sflag:s4], $0x1  }
0x94: {  	[sflag:s4] =	ssyncset.done $0x0  }
0x95: {  	[sflag:s4] =	ssyncadd.s32 $0xFFFFFFFF  }
0x96: {  	s16 =	sld [smem:$0x10];
	(tm) =	ssettm $0x1  }
0x97: {  	s17 =	sld [smem:$0x3FFB];
	_ =	sdelay $0x3  }
0x98: {  	_ =	strace s17  }
0x99: {  	s4 =	sld [smem:$0x3FFC];
	_ =	sdelay $0x3  }
0x9a: {  	_ =	strace s4  }
0x9b: {  	s4 =	sld [smem:$0x3FFD];
	_ =	sdelay $0x3  }
0x9c: {  	_ =	strace s4  }
0x9d: {  	_ =	strace $0x8FFFFFFF  }
0x9e: {  	s18 =	sld [smem:$0x3FDB];
	_ =	sdelay $0x1  }
0x9f: {  	s19 =	simm.s32 $_scs_section_size  }
0xa0: {  	s6 =	simm.s32 $_size__tile_overlayer_lowered;
	s7 =	simm.s32 $_tile_overlayer_lowered  }
0xa1: {  	s22 =	simm.s32 $0x1BFF;
	s21 =	sshll.u32 s7, $0x1;
	s4 =	sadd.s32 s19, s18  }
0xa2: {  	s8 =	simm.s32 $0x0;
	s20 =	sshll.u32 s6, $0x1;
	s6 =	sadd.s32 s21, s4  }
0xa3: {  	[timem:s8], [sflag:s22] =	dma.local [hbm:s6], s20  }
0xa4: {  	_ =	swait.ge [sflag:s22], s20  }
0xa5: {  	s5 =	ssub.s32 $0x0, s20;
	[sflag:s22] =	ssyncset.done $0x0  }
0xa6: {  	[sflag:s22] =	ssyncadd.s32 s5;
	_ =	sdelay $0x1  }
0xa7: {  	s23 =	simm.s32 $0x1B8B  }
0xa8: {  	_ =	swait.ge [sflag:s23], $0x1  }
0xa9: {  	[sflag:s23] =	ssyncset.done $0x0  }
0xaa: {  	s25 =	simm.s32 $0x1B8E;
	s24 =	sld [smem:$0x3FFE];
	[sflag:s23] =	ssyncadd.s32 $0xFFFFFFFF  }
0xab: {  	s26 =	simm.s32 $execute0_lowered;
	[smem:$0x3FD2] =	sst s25  }
0xac: {  	s6 =	sshll.u32 s26, $0x1;
	_ =	strace $0x80000046;
	[dreg:$0x1] =	wrdreg $0xFFFFFFFF  }
0xad: {  	s28 =	simm.s32 $_size_execute0_lowered;
	s4 =	sadd.s32 s4, s6;
	[dreg:$0x0] =	wrdreg $0x0  }
0xae: {  	s6 =	sshll.u32 s28, $0x1;
	[dreg:$0x2] =	wrdreg s4  }
0xaf: {  	[dreg:$0x3] =	wrdreg s6  }
0xb0: {  	[dreg:$0x4] =	wrdreg $0xC0  }
0xb1: {  	_ =	task [dreg:s8], $0x5FFFF  }
0xb2: {  	[dreg:$0x1] =	wrdreg $0xFFFFFFFF  }
0xb3: {  	[dreg:$0x0] =	wrdreg $0x60  }
0xb4: {  	[dreg:$0x2] =	wrdreg s15  }
0xb5: {  	[dreg:$0x3] =	wrdreg s24  }
0xb6: {  	[dreg:$0x4] =	wrdreg s16  }
0xb7: {  	[dreg:$0x5] =	wrdreg $0x9  }
0xb8: {  	_ =	task.clear_ibuf [dreg:s8], $0x6FFFF;
	_ =	strace $0x90000046  }
0xb9: {  	s29 =	simm.s32 $0x9;
	_ =	strace $0x80000048  }
0xba: {  	_ =	swait.ge [sflag:s29], $0x1  }
0xbb: {  	[sflag:s29] =	ssyncadd.s32 $0xFFFFFFFF  }
0xbc: {  	_ =	strace $0x90000048  }
0xbd: {  	_ =	sfence  }
0xbe: {  	s30 =	sld [smem:$0x0];
	_ =	sdelay $0x2  }
0xbf: {  	s31 =	sshll.u32 s1, $0xD;
	s1 =	sshrl.u32 s1, $0x2  }
0xc0: {  	s3 =	sand.u32 $0x4000, s31;
	s1 =	sadd.s32 s1, s30  }
0xc1: {  	s0 =	sor.u32 s3, s0;
	s1 =	sshll.u32 s1, $0x11  }
0xc2: {  	s0 =	sor.u32 s1, s0  }
0xc3: {  	s0 =	sadd.s32 $0x8F2B, s0  }
0xc4: {  	[sflag:s0] =	ssyncadd.remote.s32 $0x1  }
0xc5: {  	_ =	sfence.sel $0xFFFF  }
0xc6: {  	[dreg:$0x0] =	wrdreg $0xFFFFFFFF;
	(pc) =	sbr.abs _section_cstart, $3  }
0xc7: {  	[dreg:$0x1] =	wrdreg $0xFFFFFFFF  }
0xc8: {  	_ =	task.clear_ibuf [dreg:s8], $0x2FFFF;
	_ =	strace $0x9FFFFFFF  }
0xc9: {  	(tm) =	ssettm $0x7FFFFFFF  }
tec
execute0_lowered:
.L_overlay_start_1:
0x0: {  	(tag) =	ssettag $0x1  }
0x1: {  	s0 =	rddreg [dreg:$0x0];
	s1 =	srdreg.scid  }
0x2: {  	s3 =	stileid.u32;
	s2 =	rddreg [dreg:$0x1];
	s13 =	simm.s32 $0x1  }
0x3: {  	s14 =	simm.s32 $0x2;
	s15 =	simm.s32 $0x3;
	s28 =	simm.s32 $0x2000  }
0x4: {  	s29 =	simm.s32 $0x2800;
	s30 =	simm.s32 $0x3000;
	s31 =	simm.s32 $0x3800  }
0x5: {  	s9 =	simm.s32 $0x6000;
	s10 =	simm.s32 $0x6800;
	s11 =	simm.s32 $0x7000  }
0x6: {  	s17 =	simm.s32 $0x7800;
	s18 =	simm.s32 $0x8000;
	s19 =	simm.s32 $0x8800  }
0x7: {  	s16 =	simm.s32 $0x9000;
	s1 =	sand.u32 $0x1, s1;
	s3 =	sshll.u32 s3, $0x1  }
0x8: {  	s12 =	simm.s32 $0x9800;
	s4 =	sor.u32 s1, s3;
	s3 =	simm.s32 $0x0  }
0x9: {  	s1 =	ssub.s32 $0x2, s1;
	s5 =	smul.u32 $0x1800, s4;
	[smem:$0x7FF] =	sst s3  }
0xa: {  	s6 =	sshll.u32 s4, $0x4;
	s4 =	sshll.u32 s4, $0xA;
	s25 =	sshrl.u32 s1, $0x1  }
0xb: {  	_ =	strace $0x80000047;
	s6 =	sadd.s32 s6, s2;
	s4 =	sadd.s32 s4, s2  }
0xc: {  	s1 =	ssub.s32 s1, s25;
	s25 =	simm.s32 $0x1000;
	s0 =	sadd.s32 s0, s5  }
0xd: {  	s22 =	sadd.s32 $0x11E00, s6;
	s23 =	sadd.s32 $0x12000, s6;
	[dreg:$0x4] =	wrdreg s0  }
0xe: {  	s24 =	sadd.s32 $0x1E00, s4;
	s26 =	sadd.s32 $0x9E00, s4;
	[dreg:$0x5] =	wrdreg s22  }
0xf: {  	s4 =	sadd.s32 $0x12200, s2;
	s5 =	sadd.s32 $0x12300, s2;
	[dreg:$0x6] =	wrdreg s23  }
0x10: {  	v2 =	vlaneseq.u32;
	s6 =	sadd.s32 $0x12400, s2;
	s7 =	smax.u32 s1, $0x1;
	[dreg:$0x7] =	wrdreg s24  }
0x11: {  	vm0 =	vmmov $0xffff;
	v1 =	vshrl.u32 v2, $0x3;
	s1 =	simm.s32 $0x4;
	[dreg:$0x8] =	wrdreg s26;
	s26 =	simm.s32 $0x1800  }
0x12: {  	v0 =	vand.u32 $0x7, v2;
	v2 =	vor.u32 $0x8, v2;
	v1 =	vmul.u32 $0x8, v1;
	s22 =	simm.s32 $0xA000;
	s23 =	simm.s32 $0xA800;
	s24 =	simm.s32 $0xB000  }
.LBB2_1:
0x13: {  	s20 =	rddreg [dreg:$0x4]  }
0x14: {  	[tilespmem:s3], [sflag:$0x1] =	stream.linear.gather [hbm4b:s20+s3], $0xC000, $0x38;
	[tilespmem:$0x10100] =	vst v63  }
0x15: {  	s21 =	rddreg [dreg:$0x5];
	s0 =	simm.s32 $0x10000  }
0x16: {  	[tilespmem:s0], [sflag:$0x2] =	stream.linear.gather [hbm4b:s21+s3], $0x80, $0x38;
	[tilespmem:$0x10100] =	vst v63  }
0x17: {  	s2 =	rddreg [dreg:$0x6];
	s8 =	simm.s32 $0x10080  }
0x18: {  	[tilespmem:s8], [sflag:$0x3] =	stream.linear.gather [hbm4b:s2+s3], $0x80, $0x38;
	[tilespmem:$0x10100] =	vst v63  }
0x19: {  	s21 =	rddreg [dreg:$0x7];
	s8 =	simm.s32 $0xC000  }
0x1a: {  	[tilespmem:s8], [sflag:$0x4] =	stream.linear.gather [hbm4b:s21+s3], $0x2000, $0x38;
	[tilespmem:$0x10100] =	vst v63  }
0x1b: {  	s2 =	rddreg [dreg:$0x8];
	s21 =	simm.s32 $0xE000  }
0x1c: {  	[tilespmem:s21], [sflag:$0x5] =	stream.linear.gather [hbm4b:s2+s3], $0x2000, $0x38;
	[tilespmem:$0x10100] =	vst v63  }
0x1d: {  	_ =	swait.ge [sflag:s13], $0xC000  }
0x1e: {  	[sflag:s13] =	ssyncset.done $0x0  }
0x1f: {  	[sflag:s13] =	ssyncadd.s32 $0xFFFF4000  }
0x20: {  	_ =	swait.ge [sflag:s14], $0x80  }
0x21: {  	[sflag:s14] =	ssyncset.done $0x0  }
0x22: {  	[sflag:s14] =	ssyncadd.s32 $0xFFFFFF80  }
0x23: {  	_ =	swait.ge [sflag:s15], $0x80  }
0x24: {  	[sflag:s15] =	ssyncset.done $0x0  }
0x25: {  	[sflag:s15] =	ssyncadd.s32 $0xFFFFFF80  }
0x26: {  	_ =	swait.ge [sflag:s1], $0x2000  }
0x27: {  	[sflag:s1] =	ssyncset.done $0x0  }
0x28: {  	s2 =	simm.s32 $0x5;
	[sflag:s1] =	ssyncadd.s32 $0xFFFFE000  }
0x29: {  	_ =	swait.ge [sflag:s2], $0x2000  }
0x2a: {  	[sflag:s2] =	ssyncset.done $0x0  }
0x2b: {  	[sflag:s2] =	ssyncadd.s32 $0xFFFFE000  }
0x2c: {  	v3 =	vld [tilespmem:$0x10000];
	_ =	sdelay $0x4  }
0x2d: {  	v4 =	vshrl.u32 v3, $0x3  }
0x2e: {  	v4 =	vmul.u32 $0x30, v4  }
0x2f: {  	v3 =	vand.u32 $0x7, v3  }
0x30: {  	v3 =	vor.u32 v3, v4  }
0x31: {  	v4 =	vperm.xlane v3, v0;
	_ =	sdelay $0x1  }
0x32: {  	v4 =	vadd.s32 v1, v4;
	_ =	sdelay $0x3  }
0x33: {  	v3 =	vperm.xlane v3, v2  }
0x34: {  	[hbm4b:s4+s3] =	stream.indirect_vreg.scatter [tilespmem:s3], [sflag:$0x1], $0x80, v4, vm0, $0xb8;
	[tilespmem:$0x10100] =	vst v63  }
0x35: {  	s20 =	simm.s32 $0x800;
	v3 =	vadd.s32 v1, v3  }
0x36: {  	[hbm4b:s5+s3] =	stream.indirect_vreg.scatter [tilespmem:s20], [sflag:$0x1], $0x80, v4, vm0, $0xb8;
	[tilespmem:$0x10100] =	vst v63  }
0x37: {  	_ = 	snop  }
0x38: {  	[hbm4b:s6+s3] =	stream.indirect_vreg.scatter [tilespmem:s25], [sflag:$0x1], $0x80, v4, vm0, $0xb8;
	[tilespmem:$0x10100] =	vst v63  }
0x39: {  	_ = 	snop  }
0x3a: {  	[hbm4b:s4+s3] =	stream.indirect_vreg.scatter [tilespmem:s26], [sflag:$0x1], $0x80, v3, vm0, $0xb8;
	[tilespmem:$0x10100] =	vst v63  }
0x3b: {  	_ = 	snop  }
0x3c: {  	[hbm4b:s5+s3] =	stream.indirect_vreg.scatter [tilespmem:s28], [sflag:$0x1], $0x80, v3, vm0, $0xb8;
	[tilespmem:$0x10100] =	vst v63  }
0x3d: {  	_ = 	snop  }
0x3e: {  	[hbm4b:s6+s3] =	stream.indirect_vreg.scatter [tilespmem:s29], [sflag:$0x1], $0x80, v3, vm0, $0xb8;
	[tilespmem:$0x10100] =	vst v63  }
0x3f: {  	v3 =	vld [tilespmem:$0x10010];
	_ =	sdelay $0x4  }
0x40: {  	v57 =	vshrl.u32 v3, $0x3  }
0x41: {  	v4 =	vmul.u32 $0x30, v57  }
0x42: {  	v3 =	vand.u32 $0x7, v3  }
0x43: {  	v3 =	vor.u32 v3, v4  }
0x44: {  	v4 =	vperm.xlane v3, v0;
	_ =	sdelay $0x1  }
0x45: {  	v4 =	vadd.s32 v1, v4;
	_ =	sdelay $0x3  }
0x46: {  	v3 =	vperm.xlane v3, v2  }
0x47: {  	[hbm4b:s4+s3] =	stream.indirect_vreg.scatter [tilespmem:s30], [sflag:$0x1], $0x80, v4, vm0, $0xb8;
	[tilespmem:$0x10100] =	vst v63  }
0x48: {  	v3 =	vadd.s32 v1, v3  }
0x49: {  	[hbm4b:s5+s3] =	stream.indirect_vreg.scatter [tilespmem:s31], [sflag:$0x1], $0x80, v4, vm0, $0xb8;
	[tilespmem:$0x10100] =	vst v63  }
0x4a: {  	s21 =	simm.s32 $0x4000  }
0x4b: {  	[hbm4b:s6+s3] =	stream.indirect_vreg.scatter [tilespmem:s21], [sflag:$0x1], $0x80, v4, vm0, $0xb8;
	[tilespmem:$0x10100] =	vst v63  }
0x4c: {  	s8 =	simm.s32 $0x4800  }
0x4d: {  	[hbm4b:s4+s3] =	stream.indirect_vreg.scatter [tilespmem:s8], [sflag:$0x1], $0x80, v3, vm0, $0xb8;
	[tilespmem:$0x10100] =	vst v63  }
0x4e: {  	s2 =	simm.s32 $0x5000  }
0x4f: {  	[hbm4b:s5+s3] =	stream.indirect_vreg.scatter [tilespmem:s2], [sflag:$0x1], $0x80, v3, vm0, $0xb8;
	[tilespmem:$0x10100] =	vst v63  }
0x50: {  	s8 =	simm.s32 $0x5800  }
0x51: {  	[hbm4b:s6+s3] =	stream.indirect_vreg.scatter [tilespmem:s8], [sflag:$0x1], $0x80, v3, vm0, $0xb8;
	[tilespmem:$0x10100] =	vst v63  }
0x52: {  	v3 =	vld [tilespmem:$0x10020];
	_ =	sdelay $0x4  }
0x53: {  	v58 =	vshrl.u32 v3, $0x3  }
0x54: {  	v4 =	vmul.u32 $0x30, v58  }
0x55: {  	v3 =	vand.u32 $0x7, v3  }
0x56: {  	v3 =	vor.u32 v3, v4  }
0x57: {  	v4 =	vperm.xlane v3, v0;
	_ =	sdelay $0x1  }
0x58: {  	v4 =	vadd.s32 v1, v4;
	_ =	sdelay $0x3  }
0x59: {  	v3 =	vperm.xlane v3, v2  }
0x5a: {  	[hbm4b:s4+s3] =	stream.indirect_vreg.scatter [tilespmem:s9], [sflag:$0x1], $0x80, v4, vm0, $0xb8;
	[tilespmem:$0x10100] =	vst v63  }
0x5b: {  	v3 =	vadd.s32 v1, v3  }
0x5c: {  	[hbm4b:s5+s3] =	stream.indirect_vreg.scatter [tilespmem:s10], [sflag:$0x1], $0x80, v4, vm0, $0xb8;
	[tilespmem:$0x10100] =	vst v63  }
0x5d: {  	_ = 	snop  }
0x5e: {  	[hbm4b:s6+s3] =	stream.indirect_vreg.scatter [tilespmem:s11], [sflag:$0x1], $0x80, v4, vm0, $0xb8;
	[tilespmem:$0x10100] =	vst v63  }
0x5f: {  	_ = 	snop  }
0x60: {  	[hbm4b:s4+s3] =	stream.indirect_vreg.scatter [tilespmem:s17], [sflag:$0x1], $0x80, v3, vm0, $0xb8;
	[tilespmem:$0x10100] =	vst v63  }
0x61: {  	_ = 	snop  }
0x62: {  	[hbm4b:s5+s3] =	stream.indirect_vreg.scatter [tilespmem:s18], [sflag:$0x1], $0x80, v3, vm0, $0xb8;
	[tilespmem:$0x10100] =	vst v63  }
0x63: {  	_ = 	snop  }
0x64: {  	[hbm4b:s6+s3] =	stream.indirect_vreg.scatter [tilespmem:s19], [sflag:$0x1], $0x80, v3, vm0, $0xb8;
	[tilespmem:$0x10100] =	vst v63  }
0x65: {  	v3 =	vld [tilespmem:$0x10030];
	_ =	sdelay $0x4  }
0x66: {  	v59 =	vshrl.u32 v3, $0x3  }
0x67: {  	v4 =	vmul.u32 $0x30, v59  }
0x68: {  	v3 =	vand.u32 $0x7, v3  }
0x69: {  	v3 =	vor.u32 v3, v4  }
0x6a: {  	v4 =	vperm.xlane v3, v0;
	_ =	sdelay $0x1  }
0x6b: {  	v4 =	vadd.s32 v1, v4;
	_ =	sdelay $0x3  }
0x6c: {  	v3 =	vperm.xlane v3, v2  }
0x6d: {  	[hbm4b:s4+s3] =	stream.indirect_vreg.scatter [tilespmem:s16], [sflag:$0x1], $0x80, v4, vm0, $0xb8;
	[tilespmem:$0x10100] =	vst v63  }
0x6e: {  	v3 =	vadd.s32 v1, v3  }
0x6f: {  	[hbm4b:s5+s3] =	stream.indirect_vreg.scatter [tilespmem:s12], [sflag:$0x1], $0x80, v4, vm0, $0xb8;
	[tilespmem:$0x10100] =	vst v63  }
0x70: {  	_ = 	snop  }
0x71: {  	[hbm4b:s6+s3] =	stream.indirect_vreg.scatter [tilespmem:s22], [sflag:$0x1], $0x80, v4, vm0, $0xb8;
	[tilespmem:$0x10100] =	vst v63  }
0x72: {  	_ = 	snop  }
0x73: {  	[hbm4b:s4+s3] =	stream.indirect_vreg.scatter [tilespmem:s23], [sflag:$0x1], $0x80, v3, vm0, $0xb8;
	[tilespmem:$0x10100] =	vst v63  }
0x74: {  	_ = 	snop  }
0x75: {  	[hbm4b:s5+s3] =	stream.indirect_vreg.scatter [tilespmem:s24], [sflag:$0x1], $0x80, v3, vm0, $0xb8;
	[tilespmem:$0x10100] =	vst v63  }
0x76: {  	s0 =	simm.s32 $0xB800  }
0x77: {  	[hbm4b:s6+s3] =	stream.indirect_vreg.scatter [tilespmem:s0], [sflag:$0x1], $0x80, v3, vm0, $0xb8;
	[tilespmem:$0x10100] =	vst v63  }
0x78: {  	v3 =	vld [tilespmem:$0x10080];
	_ =	sdelay $0x4  }
0x79: {  	v60 =	vshrl.u32 v3, $0x3  }
0x7a: {  	v4 =	vmul.u32 $0x30, v60  }
0x7b: {  	v3 =	vand.u32 $0x7, v3  }
0x7c: {  	v3 =	vor.u32 v3, v4  }
0x7d: {  	v4 =	vperm.xlane v3, v0;
	_ =	sdelay $0x1  }
0x7e: {  	v4 =	vadd.s32 v1, v4;
	_ =	sdelay $0x3  }
0x7f: {  	v3 =	vperm.xlane v3, v2  }
0x80: {  	[hbm4b:s4+s3] =	stream.indirect_vreg.scatter [tilespmem:s3], [sflag:$0x2], $0x80, v4, vm0, $0xb8;
	[tilespmem:$0x10100] =	vst v63  }
0x81: {  	v3 =	vadd.s32 v1, v3  }
0x82: {  	[hbm4b:s5+s3] =	stream.indirect_vreg.scatter [tilespmem:s20], [sflag:$0x2], $0x80, v4, vm0, $0xb8;
	[tilespmem:$0x10100] =	vst v63  }
0x83: {  	_ = 	snop  }
0x84: {  	[hbm4b:s6+s3] =	stream.indirect_vreg.scatter [tilespmem:s25], [sflag:$0x2], $0x80, v4, vm0, $0xb8;
	[tilespmem:$0x10100] =	vst v63  }
0x85: {  	_ = 	snop  }
0x86: {  	[hbm4b:s4+s3] =	stream.indirect_vreg.scatter [tilespmem:s26], [sflag:$0x2], $0x80, v3, vm0, $0xb8;
	[tilespmem:$0x10100] =	vst v63  }
0x87: {  	_ = 	snop  }
0x88: {  	[hbm4b:s5+s3] =	stream.indirect_vreg.scatter [tilespmem:s28], [sflag:$0x2], $0x80, v3, vm0, $0xb8;
	[tilespmem:$0x10100] =	vst v63  }
0x89: {  	_ = 	snop  }
0x8a: {  	[hbm4b:s6+s3] =	stream.indirect_vreg.scatter [tilespmem:s29], [sflag:$0x2], $0x80, v3, vm0, $0xb8;
	[tilespmem:$0x10100] =	vst v63  }
0x8b: {  	v3 =	vld [tilespmem:$0x10090];
	_ =	sdelay $0x4  }
0x8c: {  	v61 =	vshrl.u32 v3, $0x3  }
0x8d: {  	v4 =	vmul.u32 $0x30, v61  }
0x8e: {  	v3 =	vand.u32 $0x7, v3  }
0x8f: {  	v3 =	vor.u32 v3, v4  }
0x90: {  	v4 =	vperm.xlane v3, v0;
	_ =	sdelay $0x1  }
0x91: {  	v4 =	vadd.s32 v1, v4;
	_ =	sdelay $0x3  }
0x92: {  	v3 =	vperm.xlane v3, v2  }
0x93: {  	[hbm4b:s4+s3] =	stream.indirect_vreg.scatter [tilespmem:s30], [sflag:$0x2], $0x80, v4, vm0, $0xb8;
	[tilespmem:$0x10100] =	vst v63  }
0x94: {  	v3 =	vadd.s32 v1, v3  }
0x95: {  	[hbm4b:s5+s3] =	stream.indirect_vreg.scatter [tilespmem:s31], [sflag:$0x2], $0x80, v4, vm0, $0xb8;
	[tilespmem:$0x10100] =	vst v63  }
0x96: {  	_ = 	snop  }
0x97: {  	[hbm4b:s6+s3] =	stream.indirect_vreg.scatter [tilespmem:s21], [sflag:$0x2], $0x80, v4, vm0, $0xb8;
	[tilespmem:$0x10100] =	vst v63  }
0x98: {  	s21 =	simm.s32 $0x4800  }
0x99: {  	[hbm4b:s4+s3] =	stream.indirect_vreg.scatter [tilespmem:s21], [sflag:$0x2], $0x80, v3, vm0, $0xb8;
	[tilespmem:$0x10100] =	vst v63  }
0x9a: {  	_ = 	snop  }
0x9b: {  	[hbm4b:s5+s3] =	stream.indirect_vreg.scatter [tilespmem:s2], [sflag:$0x2], $0x80, v3, vm0, $0xb8;
	[tilespmem:$0x10100] =	vst v63  }
0x9c: {  	_ = 	snop  }
0x9d: {  	[hbm4b:s6+s3] =	stream.indirect_vreg.scatter [tilespmem:s8], [sflag:$0x2], $0x80, v3, vm0, $0xb8;
	[tilespmem:$0x10100] =	vst v63  }
0x9e: {  	v3 =	vld [tilespmem:$0x100A0];
	_ =	sdelay $0x4  }
0x9f: {  	v62 =	vshrl.u32 v3, $0x3  }
0xa0: {  	v4 =	vmul.u32 $0x30, v62  }
0xa1: {  	v3 =	vand.u32 $0x7, v3  }
0xa2: {  	v3 =	vor.u32 v3, v4  }
0xa3: {  	v4 =	vperm.xlane v3, v0;
	_ =	sdelay $0x1  }
0xa4: {  	v4 =	vadd.s32 v1, v4;
	_ =	sdelay $0x3  }
0xa5: {  	v3 =	vperm.xlane v3, v2  }
0xa6: {  	[hbm4b:s4+s3] =	stream.indirect_vreg.scatter [tilespmem:s9], [sflag:$0x2], $0x80, v4, vm0, $0xb8;
	[tilespmem:$0x10100] =	vst v63  }
0xa7: {  	v3 =	vadd.s32 v1, v3  }
0xa8: {  	[hbm4b:s5+s3] =	stream.indirect_vreg.scatter [tilespmem:s10], [sflag:$0x2], $0x80, v4, vm0, $0xb8;
	[tilespmem:$0x10100] =	vst v63  }
0xa9: {  	_ = 	snop  }
0xaa: {  	[hbm4b:s6+s3] =	stream.indirect_vreg.scatter [tilespmem:s11], [sflag:$0x2], $0x80, v4, vm0, $0xb8;
	[tilespmem:$0x10100] =	vst v63  }
0xab: {  	_ = 	snop  }
0xac: {  	[hbm4b:s4+s3] =	stream.indirect_vreg.scatter [tilespmem:s17], [sflag:$0x2], $0x80, v3, vm0, $0xb8;
	[tilespmem:$0x10100] =	vst v63  }
0xad: {  	_ = 	snop  }
0xae: {  	[hbm4b:s5+s3] =	stream.indirect_vreg.scatter [tilespmem:s18], [sflag:$0x2], $0x80, v3, vm0, $0xb8;
	[tilespmem:$0x10100] =	vst v63  }
0xaf: {  	_ = 	snop  }
0xb0: {  	[hbm4b:s6+s3] =	stream.indirect_vreg.scatter [tilespmem:s19], [sflag:$0x2], $0x80, v3, vm0, $0xb8;
	[tilespmem:$0x10100] =	vst v63  }
0xb1: {  	v3 =	vld [tilespmem:$0x100B0];
	_ =	sdelay $0x4  }
0xb2: {  	v63 =	vshrl.u32 v3, $0x3  }
0xb3: {  	v4 =	vmul.u32 $0x30, v63  }
0xb4: {  	v3 =	vand.u32 $0x7, v3  }
0xb5: {  	v3 =	vor.u32 v3, v4  }
0xb6: {  	v4 =	vperm.xlane v3, v0;
	_ =	sdelay $0x1  }
0xb7: {  	v4 =	vadd.s32 v1, v4;
	_ =	sdelay $0x3  }
0xb8: {  	v3 =	vperm.xlane v3, v2  }
0xb9: {  	[hbm4b:s4+s3] =	stream.indirect_vreg.scatter [tilespmem:s16], [sflag:$0x2], $0x80, v4, vm0, $0xb8;
	[tilespmem:$0x10100] =	vst v63  }
0xba: {  	v3 =	vadd.s32 v1, v3  }
0xbb: {  	[hbm4b:s5+s3] =	stream.indirect_vreg.scatter [tilespmem:s12], [sflag:$0x2], $0x80, v4, vm0, $0xb8;
	[tilespmem:$0x10100] =	vst v63  }
0xbc: {  	_ = 	snop  }
0xbd: {  	[hbm4b:s6+s3] =	stream.indirect_vreg.scatter [tilespmem:s22], [sflag:$0x2], $0x80, v4, vm0, $0xb8;
	[tilespmem:$0x10100] =	vst v63  }
0xbe: {  	_ = 	snop  }
0xbf: {  	[hbm4b:s4+s3] =	stream.indirect_vreg.scatter [tilespmem:s23], [sflag:$0x2], $0x80, v3, vm0, $0xb8;
	[tilespmem:$0x10100] =	vst v63  }
0xc0: {  	_ = 	snop  }
0xc1: {  	[hbm4b:s5+s3] =	stream.indirect_vreg.scatter [tilespmem:s24], [sflag:$0x2], $0x80, v3, vm0, $0xb8;
	[tilespmem:$0x10100] =	vst v63  }
0xc2: {  	s0 =	simm.s32 $0xB800;
	s20 =	rddreg [dreg:$0x2]  }
0xc3: {  	[hbm4b:s6+s3] =	stream.indirect_vreg.scatter [tilespmem:s0], [sflag:$0x2], $0x80, v3, vm0, $0xb8;
	[tilespmem:$0x10100] =	vst v63  }
0xc4: {  	s21 =	simm.s32 $0xC000;
	s8 =	simm.s32 $0x10000;
	s0 =	simm.s32 $0x40  }
0xc5: {  	[hbm4b:s20+s0] =	stream.indirect.scatter [tilespmem:s21], [sflag:$0x3], $0x80, s8, s0, $0xb8;
	[tilespmem:$0x10100] =	vst v63  }
0xc6: {  	s8 =	simm.s32 $0x10080;
	s21 =	simm.s32 $0xE000  }
0xc7: {  	[hbm4b:s20+s0] =	stream.indirect.scatter [tilespmem:s21], [sflag:$0x4], $0x80, s8, s0, $0xb8;
	[tilespmem:$0x10100] =	vst v63  }
0xc8: {  	_ =	swait.ge [sflag:s13], $0xC000  }
0xc9: {  	[sflag:s13] =	ssyncset.done $0x0  }
0xca: {  	[sflag:s13] =	ssyncadd.s32 $0xFFFF4000  }
0xcb: {  	_ =	swait.ge [sflag:s14], $0xC000  }
0xcc: {  	[sflag:s14] =	ssyncset.done $0x0  }
0xcd: {  	[sflag:s14] =	ssyncadd.s32 $0xFFFF4000  }
0xce: {  	p0 =	sne.s32 s7, $0x1;
	_ =	swait.ge [sflag:s15], $0x2000  }
.Ltmp0:
0xcf: {  	[sflag:s15] =	ssyncset.done $0x0;
	(pc) =	sbr.rel @p0 .LBB2_1-.Ltmp0, $4  }
0xd0: {  	[sflag:s15] =	ssyncadd.s32 $0xFFFFE000  }
0xd1: {  	_ =	swait.ge [sflag:s1], $0x2000  }
0xd2: {  	[sflag:s1] =	ssyncset.done $0x0  }
0xd3: {  	s7 =	sadd.s32 $0xFFFFFFFF, s7;
	[sflag:s1] =	ssyncadd.s32 $0xFFFFE000  }
0xd4: {  	_ =	sfence.sel $0x180000  }
0xd5: {  	[bflag:$0x0] =	sbarrier.arrive $0xFFFF  }
0xd6: {  	_ =	strace $0x90000047  }
0xd7: {  	s0 =	stileid.u32;
	[bflag:$0x2] =	sbarrier.arrive $0xFFFF  }
0xd8: {  	p0 =	sne.s32 s0, $0x0;
	s0 =	rddreg [dreg:$0x3]  }
0xd9: {  	s0 =	sadd.s32 @!p0 $0x100000, s0  }
0xda: {  	[sflag:s0] =	ssyncadd.tile.s32 @!p0 $0x1;
	_ =	shalt  }
.Lfunc_end2:
_tile_overlayer_lowered:
.L_overlay_start_2:
0xdb: {  	(tag) =	ssettag $0x2  }
0xdc: {  	s0 =	rddreg [dreg:$0x0];
	s2 =	stileid.u32  }
0xdd: {  	s1 =	rddreg [dreg:$0x1];
	p0 =	sne.s32 s2, $0x0  }
0xde: {  	s3 =	rddreg [dreg:$0x2];
	[bflag:$0x3] =	sbarrier.arrive $0xFFFF;
	s2 =	simm.s32 @!p0 $0x1C06  }
0xdf: {  	[timem:s3], [sflag:s2] =	dma.local @!p0 [hbm:s0], s1  }
0xe0: {  	s0 =	simm.s32 @!p0 $0x6  }
0xe1: {  	_ =	swait.ge @!p0 [sflag:s0], s1  }
0xe2: {  	s1 =	ssub.s32 @!p0 $0x0, s1;
	[sflag:s0] =	ssyncset.done @!p0 $0x0  }
0xe3: {  	[sflag:s0] =	ssyncadd.s32 @!p0 s1  }
0xe4: {  	[bflag:$0x3] =	sbarrier.arrive $0xFFFF  }
0xe5: {  	_ =	shalt  }

</sc_bundles>
